<compile_context>
chip_gen: v7x
topology: tpu7x:2x2x1
jax: 0.10.2.dev20260603
libtpu: 0.0.44.dev20260713+nightly
codegen_flags: <defaults>
</compile_context>

<pallas_src>
import dataclasses
import functools

import jax
import jax.numpy as jnp
from jax import lax
from jax.experimental import pallas as pl
from jax.experimental.pallas import tpu as pltpu
from jax.experimental.pallas import tpu_sc as plsc

N_NODES = 10000
D = 128
D_HID = 256

NC = 2
NS = 16
NW = NC * NS
B = 64
CW = 160
QB = 16
NQB = CW // QB
NBUF = 4
E_PAD = NW * CW * B
ACC = 10240
ROWS_PER_TILE = ACC // NS
DROWS = ACC // D


def _sc_seg_sum(table, src2, dst2):
    mesh = plsc.VectorSubcoreMesh(core_axis_name="c", subcore_axis_name="s")
    cp = pltpu.CompilerParams()
    if "needs_layout_passes" in pltpu.CompilerParams.__dataclass_fields__:
        cp = dataclasses.replace(cp, needs_layout_passes=False)

    @functools.partial(
        pl.kernel,
        mesh=mesh,
        compiler_params=cp,
        out_type=(
            jax.ShapeDtypeStruct((NC * ACC, D), jnp.float32),
            jax.ShapeDtypeStruct((NW * DROWS, 128), jnp.float32),
        ),
        scratch_types=[
            pltpu.VMEM((QB, B), jnp.int32),
            pltpu.VMEM((QB, B), jnp.int32),
            pltpu.VMEM((NBUF, B, D), jnp.float32),
            pltpu.VMEM((DROWS, 128), jnp.float32),
            pltpu.VMEM_SHARED((ACC, D), jnp.float32),
            [pltpu.SemaphoreType.DMA] * NBUF,
            [pltpu.SemaphoreType.DMA] * NBUF,
        ],
    )
    def k(table_hbm, src_hbm, dst_hbm, agg_out, deg_out,
          sidx, didx, rows, degtile, acc, gsems, ssems):
        c = lax.axis_index("c")
        s = lax.axis_index("s")
        wid = c * NS + s
        r0 = s * ROWS_PER_TILE

        @pl.loop(0, DROWS)
        def _(i):
            @pl.loop(0, 128, step=16)
            def _(j):
                degtile[i, pl.ds(j, 16)] = jnp.zeros((16,), jnp.float32)

        @pl.loop(0, B)
        def _(i):
            @pl.loop(0, D, step=16)
            def _(j):
                rows[0, i, pl.ds(j, 16)] = jnp.zeros((16,), jnp.float32)

        for b5 in range(ROWS_PER_TILE // B):
            pltpu.sync_copy(rows.at[0], acc.at[pl.ds(r0 + b5 * B, B)])

        plsc.subcore_barrier()

        cbase = wid * CW
        ones16 = jnp.ones((16,), jnp.float32)

        def fire_gather(ch, b):
            pltpu.async_copy(table_hbm.at[sidx.at[ch]], rows.at[b], gsems[b])

        def wait_gather(ch, b):
            pltpu.make_async_copy(table_hbm.at[sidx.at[ch]], rows.at[b],
                                  gsems[b]).wait()

        def fire_scatter(ch, b):
            pltpu.async_copy(rows.at[b], acc.at[didx.at[ch]], ssems[b], add=True)

        def wait_scatter(ch, b):
            pltpu.make_async_copy(rows.at[b], acc.at[didx.at[ch]],
                                  ssems[b]).wait()

        def deg_count(ch):
            @pl.loop(0, B, step=16)
            def _(g):
                idx = didx[ch, pl.ds(g, 16)]
                row = lax.shift_right_logical(idx, 7)
                col = lax.bitwise_and(idx, 127)
                plsc.addupdate_scatter(degtile, [row, col], ones16)

        @pl.loop(0, NQB)
        def _(qb):
            qbase = pl.multiple_of(cbase + qb * QB, 8)
            pltpu.sync_copy(src_hbm.at[pl.ds(qbase, QB)], sidx)
            pltpu.sync_copy(dst_hbm.at[pl.ds(qbase, QB)], didx)
            for b in range(NBUF):
                fire_gather(b, b)

            @pl.loop(0, (QB - NBUF) // NBUF)
            def _(j):
                ch = j * NBUF
                for b in range(NBUF):
                    wait_gather(ch + b, b)
                    fire_scatter(ch + b, b)
                for b in range(NBUF):
                    deg_count(ch + b)
                for b in range(NBUF):
                    wait_scatter(ch + b, b)
                    fire_gather(ch + NBUF + b, b)

            last = QB - NBUF
            for b in range(NBUF):
                wait_gather(last + b, b)
                fire_scatter(last + b, b)
            for b in range(NBUF):
                deg_count(last + b)
            for b in range(NBUF):
                wait_scatter(last + b, b)

        pltpu.sync_copy(degtile, deg_out.at[pl.ds(pl.multiple_of(wid * DROWS, 8), DROWS)])

        plsc.subcore_barrier()

        obase = pl.multiple_of(c * ACC + r0, 8)
        pltpu.sync_copy(acc.at[pl.ds(r0, ROWS_PER_TILE)],
                        agg_out.at[pl.ds(obase, ROWS_PER_TILE)])

    return k(table, src2, dst2)


_BLK = 1024


def _deg_column(d_ref):
    dsum = jnp.sum(d_ref[...], axis=0)
    rows8 = lax.broadcasted_iota(jnp.int32, (_BLK, 8), 0) // 128
    cols8 = lax.broadcasted_iota(jnp.int32, (_BLK, 8), 1)
    sel = (rows8 == cols8).astype(jnp.float32)
    lanes = jnp.dot(sel, dsum, preferred_element_type=jnp.float32)
    lane_id = lax.broadcasted_iota(jnp.int32, (_BLK, 128), 1)
    row_mod = lax.broadcasted_iota(jnp.int32, (_BLK, 128), 0) % 128
    mask = (lane_id == row_mod).astype(jnp.float32)
    return jnp.sum(lanes * mask, axis=1, keepdims=True)


def _tc_lin(x, wT, b):
    n, k = x.shape
    np_ = wT.shape[1]

    def body(x_ref, w_ref, b_ref, o_ref):
        o_ref[...] = jnp.dot(x_ref[...], w_ref[...],
                             preferred_element_type=jnp.float32) + b_ref[...]

    return pl.pallas_call(
        body,
        grid=(pl.cdiv(n, _BLK),),
        in_specs=[
            pl.BlockSpec((_BLK, k), lambda i: (i, 0)),
            pl.BlockSpec((k, np_), lambda i: (0, 0)),
            pl.BlockSpec((1, np_), lambda i: (0, 0)),
        ],
        out_specs=pl.BlockSpec((_BLK, np_), lambda i: (i, 0)),
        out_shape=jax.ShapeDtypeStruct((n, np_), jnp.float32),
    )(x, wT, b)


def _tc_dense1(aggp, degp, xr, w1lT, w2lT, w2rT, b2):

    def body(a_ref, d_ref, xr_ref, w1_ref, w2l_ref, w2r_ref, b2_ref,
             z_ref, hr_ref):
        p = a_ref[0] + a_ref[1]
        a = p / jnp.maximum(_deg_column(d_ref), 1.0)
        h = jnp.maximum(
            jnp.dot(a, w1_ref[...], preferred_element_type=jnp.float32)
            + xr_ref[...], 0.0)
        z_ref[...] = jnp.dot(h, w2l_ref[...], preferred_element_type=jnp.float32)
        hr_ref[...] = jnp.dot(h, w2r_ref[...],
                              preferred_element_type=jnp.float32) + b2_ref[...]

    return pl.pallas_call(
        body,
        grid=(ACC // _BLK,),
        in_specs=[
            pl.BlockSpec((NC, _BLK, D), lambda i: (0, i, 0)),
            pl.BlockSpec((NW, DROWS // (ACC // _BLK), 128), lambda i: (0, i, 0)),
            pl.BlockSpec((_BLK, D_HID), lambda i: (i, 0)),
            pl.BlockSpec((D, D_HID), lambda i: (0, 0)),
            pl.BlockSpec((D_HID, D), lambda i: (0, 0)),
            pl.BlockSpec((D_HID, D), lambda i: (0, 0)),
            pl.BlockSpec((1, D), lambda i: (0, 0)),
        ],
        out_specs=[
            pl.BlockSpec((_BLK, D), lambda i: (i, 0)),
            pl.BlockSpec((_BLK, D), lambda i: (i, 0)),
        ],
        out_shape=[
            jax.ShapeDtypeStruct((N_NODES, D), jnp.float32),
            jax.ShapeDtypeStruct((N_NODES, D), jnp.float32),
        ],
    )(aggp, degp, xr, w1lT, w2lT, w2rT, b2)


def _tc_dense2(aggp, degp, hr):

    def body(a_ref, d_ref, hr_ref, o_ref):
        p = a_ref[0] + a_ref[1]
        o_ref[...] = p / jnp.maximum(_deg_column(d_ref), 1.0) + hr_ref[...]

    return pl.pallas_call(
        body,
        grid=(ACC // _BLK,),
        in_specs=[
            pl.BlockSpec((NC, _BLK, D), lambda i: (0, i, 0)),
            pl.BlockSpec((NW, DROWS // (ACC // _BLK), 128), lambda i: (0, i, 0)),
            pl.BlockSpec((_BLK, D), lambda i: (i, 0)),
        ],
        out_specs=pl.BlockSpec((_BLK, D), lambda i: (i, 0)),
        out_shape=jax.ShapeDtypeStruct((N_NODES, D), jnp.float32),
    )(aggp, degp, hr)


def kernel(x, edge_index, W1_l, W1_r, b1, W2_l, W2_r, b2):
    import numpy as np
    pad = E_PAD - edge_index.shape[1]
    pad_c = jnp.asarray(np.stack([
        np.arange(pad) % N_NODES,
        N_NODES + np.arange(pad) % (ACC - N_NODES),
    ]).astype(np.int32))
    ep = jnp.concatenate([edge_index.astype(jnp.int32), pad_c], axis=1)
    src2 = ep[0].reshape(NW * CW, B)
    dst2 = ep[1].reshape(NW * CW, B)

    agg1, deg = _sc_seg_sum(x, src2, dst2)
    agg1 = agg1.reshape(NC, ACC, D)
    degp = deg.reshape(NW, DROWS, 128)

    xr = _tc_lin(x, W1_r.T, b1.reshape(1, D_HID))
    z, hr = _tc_dense1(agg1, degp, xr, W1_l.T, W2_l.T, W2_r.T,
                       b2.reshape(1, D))

    agg2, _ = _sc_seg_sum(z, src2, dst2)
    agg2 = agg2.reshape(NC, ACC, D)

    return _tc_dense2(agg2, degp, hr)

# --- scband reference (transcript-rebuilt; emitter-appended) ---
"""Pipeline reference for scband-graph-encoder-45646912421947 (READ-ONLY COPY).

The authoritative reference and input builder live on the scoring server;
editing this copy changes nothing except your own understanding.
"""

import jax, jax.numpy as jnp
import numpy as np

N_NODES = 10000
N_EDGES = 320000
D_IN = 128
D_OUT = 128
D_HID = 2 * D_OUT


def setup_inputs(seed: int = 0) -> dict:
    key = jax.random.key(seed)
    ks = jax.random.split(key, 8)
    x = jax.random.normal(ks[0], (N_NODES, D_IN), dtype=jnp.float32)
    edge_index = jax.random.randint(ks[1], (2, N_EDGES), 0, N_NODES, dtype=jnp.int64)
    s1 = 1.0 / np.sqrt(D_IN)
    s2 = 1.0 / np.sqrt(D_HID)
    W1_l = jax.random.uniform(ks[2], (D_HID, D_IN), jnp.float32, -s1, s1)
    W1_r = jax.random.uniform(ks[3], (D_HID, D_IN), jnp.float32, -s1, s1)
    b1 = jax.random.uniform(ks[4], (D_HID,), jnp.float32, -s1, s1)
    W2_l = jax.random.uniform(ks[5], (D_OUT, D_HID), jnp.float32, -s2, s2)
    W2_r = jax.random.uniform(ks[6], (D_OUT, D_HID), jnp.float32, -s2, s2)
    b2 = jax.random.uniform(ks[7], (D_OUT,), jnp.float32, -s2, s2)
    return {"x": x, "edge_index": edge_index, "W1_l": W1_l, "W1_r": W1_r, "b1": b1, "W2_l": W2_l, "W2_r": W2_r, "b2": b2}


def _sage_conv(x, src, dst, W_l, W_r, b, n_nodes):
    # PyG SAGEConv with mean aggregation: out = lin_l(mean_j x_j) + lin_r(x_i)
    msg = jnp.take(x, src, axis=0)
    agg = jax.ops.segment_sum(msg, dst, num_segments=n_nodes)
    deg = jax.ops.segment_sum(jnp.ones((src.shape[0],), dtype=x.dtype), dst, num_segments=n_nodes)
    agg = agg / jnp.clip(deg, 1.0, None)[:, None]
    return agg @ W_l.T + b + x @ W_r.T


def reference(x, edge_index, W1_l, W1_r, b1, W2_l, W2_r, b2):
    src = edge_index[0]
    dst = edge_index[1]
    h = _sage_conv(x, src, dst, W1_l, W1_r, b1, N_NODES)
    h = jax.nn.relu(h)
    out = _sage_conv(h, src, dst, W2_l, W2_r, b2, N_NODES)
    return out

if __name__ == "__main__":
    import jax
    _d = setup_inputs()
    print(jax.jit(kernel)(*tuple(_d.values())))

</pallas_src>

<mosaic_0001>
#map = affine_map<(d0, d1) -> (0, 0)>
module attributes {stable_mosaic.version = 14 : i64} {
  func.func @k(%arg0: i32, %arg1: i32, %arg2: memref<10000x128xf32, #tpu.memory_space<hbm>>, %arg3: memref<5120x64xi32, #tpu.memory_space<hbm>>, %arg4: memref<5120x64xi32, #tpu.memory_space<hbm>>, %arg5: memref<20480x128xf32, #tpu.memory_space<hbm>>, %arg6: memref<2560x128xf32, #tpu.memory_space<hbm>>, %arg7: memref<16x64xi32, #tpu.memory_space<vmem>>, %arg8: memref<16x64xi32, #tpu.memory_space<vmem>>, %arg9: memref<4x64x128xf32, #tpu.memory_space<vmem>>, %arg10: memref<80x128xf32, #tpu.memory_space<vmem>>, %arg11: memref<10240x128xf32, #tpu.memory_space<vmem_shared>>, %arg12: memref<!tpu.dma_semaphore, #tpu.memory_space<semaphore_mem>>, %arg13: memref<!tpu.dma_semaphore, #tpu.memory_space<semaphore_mem>>, %arg14: memref<!tpu.dma_semaphore, #tpu.memory_space<semaphore_mem>>, %arg15: memref<!tpu.dma_semaphore, #tpu.memory_space<semaphore_mem>>, %arg16: memref<!tpu.dma_semaphore, #tpu.memory_space<semaphore_mem>>, %arg17: memref<!tpu.dma_semaphore, #tpu.memory_space<semaphore_mem>>, %arg18: memref<!tpu.dma_semaphore, #tpu.memory_space<semaphore_mem>>, %arg19: memref<!tpu.dma_semaphore, #tpu.memory_space<semaphore_mem>>) attributes {dimension_semantics = [#tpu.dimension_semantics<core_parallel>, #tpu.dimension_semantics<subcore_parallel>], iteration_bounds = array<i64: 2, 16>, scalar_prefetch = 0 : i64, scratch_operands = 13 : i64, tpu.core_type = #tpu.core_type<sc_vector_subcore>, window_params = [{transform_indices = #map}, {transform_indices = #map}, {transform_indices = #map}, {transform_indices = #map}, {transform_indices = #map}]} {
    %mul3A = arith.constant 16 : i32
    %mul3A_0 = arith.muli %arg0, %mul3A : i32
    %add3A = arith.addi %mul3A_0, %arg1 : i32
    %mul3A_1 = arith.constant 640 : i32
    %mul3A_2 = arith.muli %arg1, %mul3A_1 : i32
    %scan3A = arith.constant 0 : i32
    %scan3A_3 = arith.constant 80 : i32
    %scan3A_4 = arith.addi %scan3A, %scan3A_3 : i32
    %scan3A_5 = arith.constant 1 : i32
    scf.for %scan3A_56 = %scan3A to %scan3A_4 step %scan3A_5  : i32 {
      %mul3A_57 = arith.constant 1 : i32
      %mul3A_58 = arith.muli %scan3A_56, %mul3A_57 : i32
      %add3A_59 = arith.constant 0 : i32
      %add3A_60 = arith.addi %add3A_59, %mul3A_58 : i32
      %scan3A_61 = arith.constant 0 : i32
      %scan3A_62 = arith.constant 8 : i32
      %scan3A_63 = arith.addi %scan3A_61, %scan3A_62 : i32
      %scan3A_64 = arith.constant 1 : i32
      scf.for %scan3A_66 = %scan3A_61 to %scan3A_63 step %scan3A_64  : i32 {
        %mul3A_67 = arith.constant 16 : i32
        %mul3A_68 = arith.muli %scan3A_66, %mul3A_67 : i32
        %add3A_69 = arith.constant 0 : i32
        %add3A_70 = arith.addi %add3A_69, %mul3A_68 : i32
        %broadcast_in_dim3A_71 = arith.constant 0.000000e+00 : f32
        %broadcast_in_dim3A_72 = vector.broadcast %broadcast_in_dim3A_71 : f32 to vector<16xf32>
        %swap3A = arith.index_cast %add3A_60 : i32 to index
        %swap3A_73 = arith.index_cast %add3A_70 : i32 to index
        %swap3A_74 = tpu.vector_load %arg10[%swap3A, %swap3A_73] {strides = array<i32>} : memref<80x128xf32, #tpu.memory_space<vmem>>, vector<16xf32>,
        tpu.vector_store %arg10[%swap3A, %swap3A_73], %broadcast_in_dim3A_72 {strides = array<i32>} : memref<80x128xf32, #tpu.memory_space<vmem>>, vector<16xf32>,
      }
      %scan3A_65 = arith.constant 8 : i32
    }
    %scan3A_6 = arith.constant 80 : i32
    %scan3A_7 = arith.constant 0 : i32
    %scan3A_8 = arith.constant 64 : i32
    %scan3A_9 = arith.addi %scan3A_7, %scan3A_8 : i32
    %scan3A_10 = arith.constant 1 : i32
    scf.for %scan3A_56 = %scan3A_7 to %scan3A_9 step %scan3A_10  : i32 {
      %mul3A_57 = arith.constant 1 : i32
      %mul3A_58 = arith.muli %scan3A_56, %mul3A_57 : i32
      %add3A_59 = arith.constant 0 : i32
      %add3A_60 = arith.addi %add3A_59, %mul3A_58 : i32
      %scan3A_61 = arith.constant 0 : i32
      %scan3A_62 = arith.constant 8 : i32
      %scan3A_63 = arith.addi %scan3A_61, %scan3A_62 : i32
      %scan3A_64 = arith.constant 1 : i32
      scf.for %scan3A_66 = %scan3A_61 to %scan3A_63 step %scan3A_64  : i32 {
        %mul3A_67 = arith.constant 16 : i32
        %mul3A_68 = arith.muli %scan3A_66, %mul3A_67 : i32
        %add3A_69 = arith.constant 0 : i32
        %add3A_70 = arith.addi %add3A_69, %mul3A_68 : i32
        %broadcast_in_dim3A_71 = arith.constant 0.000000e+00 : f32
        %broadcast_in_dim3A_72 = vector.broadcast %broadcast_in_dim3A_71 : f32 to vector<16xf32>
        %swap3A = arith.constant 0 : i32
        %swap3A_73 = arith.index_cast %swap3A : i32 to index
        %swap3A_74 = arith.index_cast %add3A_60 : i32 to index
        %swap3A_75 = arith.index_cast %add3A_70 : i32 to index
        %swap3A_76 = tpu.vector_load %arg9[%swap3A_73, %swap3A_74, %swap3A_75] {strides = array<i32>} : memref<4x64x128xf32, #tpu.memory_space<vmem>>, vector<16xf32>,
        tpu.vector_store %arg9[%swap3A_73, %swap3A_74, %swap3A_75], %broadcast_in_dim3A_72 {strides = array<i32>} : memref<4x64x128xf32, #tpu.memory_space<vmem>>, vector<16xf32>,
      }
      %scan3A_65 = arith.constant 8 : i32
    }
    %scan3A_11 = arith.constant 64 : i32
    %add3A_12 = arith.constant 0 : i32
    %add3A_13 = arith.addi %mul3A_2, %add3A_12 : i32
    %run_scoped3A = arith.constant 0 : i32
    "tpu.region"() ({
      %run_scoped3A_56 = tpu.sem_alloc : memref<!tpu.dma_semaphore, #tpu.memory_space<semaphore_mem>>
      %dma_start3A = arith.constant 0 : i32
      %dma_start3A_57 = arith.constant 0 : i32
      %dma_start3A_58 = tpu.memref_slice %arg9[%run_scoped3A, %dma_start3A, %dma_start3A_57] : memref<4x64x128xf32, #tpu.memory_space<vmem>> -> memref<1x64x128xf32, #tpu.memory_space<vmem>>
      %dma_start3A_59 = tpu.memref_squeeze %dma_start3A_58 : memref<1x64x128xf32, #tpu.memory_space<vmem>> -> memref<64x128xf32, #tpu.memory_space<vmem>>
      %dma_start3A_60 = arith.constant 0 : i32
      %dma_start3A_61 = tpu.memref_slice %arg11[%add3A_13, %dma_start3A_60] : memref<10240x128xf32, #tpu.memory_space<vmem_shared>> -> memref<64x128xf32, #tpu.memory_space<vmem_shared>>
      %dma_start3A_62 = arith.constant 0 : i32
      %dma_start3A_63 = tpu.memref_slice %arg11[%add3A_13, %dma_start3A_62] : memref<10240x128xf32, #tpu.memory_space<vmem_shared>> -> memref<64x128xf32, #tpu.memory_space<vmem_shared>>
      %dma_start3A_64 = arith.constant 0 : i32
      %dma_start3A_65 = arith.constant 0 : i32
      %dma_start3A_66 = tpu.memref_slice %arg9[%run_scoped3A, %dma_start3A_64, %dma_start3A_65] : memref<4x64x128xf32, #tpu.memory_space<vmem>> -> memref<1x64x128xf32, #tpu.memory_space<vmem>>
      %dma_start3A_67 = tpu.memref_squeeze %dma_start3A_66 : memref<1x64x128xf32, #tpu.memory_space<vmem>> -> memref<64x128xf32, #tpu.memory_space<vmem>>
      tpu.enqueue_dma source(%dma_start3A_67 : memref<64x128xf32, #tpu.memory_space<vmem>>) target(%dma_start3A_63 : memref<64x128xf32, #tpu.memory_space<vmem_shared>>) target_semaphore(%run_scoped3A_56 : memref<!tpu.dma_semaphore, #tpu.memory_space<semaphore_mem>>)
      %dma_wait3A = arith.constant 0 : i32
      %dma_wait3A_68 = arith.constant 0 : i32
      %dma_wait3A_69 = tpu.memref_slice %arg9[%run_scoped3A, %dma_wait3A, %dma_wait3A_68] : memref<4x64x128xf32, #tpu.memory_space<vmem>> -> memref<1x64x128xf32, #tpu.memory_space<vmem>>
      %dma_wait3A_70 = tpu.memref_squeeze %dma_wait3A_69 : memref<1x64x128xf32, #tpu.memory_space<vmem>> -> memref<64x128xf32, #tpu.memory_space<vmem>>
      %dma_wait3A_71 = arith.constant 0 : i32
      %dma_wait3A_72 = tpu.memref_slice %arg11[%add3A_13, %dma_wait3A_71] : memref<10240x128xf32, #tpu.memory_space<vmem_shared>> -> memref<64x128xf32, #tpu.memory_space<vmem_shared>>
      %dma_wait3A_73 = arith.constant 0 : i32
      %dma_wait3A_74 = tpu.memref_slice %arg11[%add3A_13, %dma_wait3A_73] : memref<10240x128xf32, #tpu.memory_space<vmem_shared>> -> memref<64x128xf32, #tpu.memory_space<vmem_shared>>
      %dma_wait3A_75 = arith.constant 0 : i32
      %dma_wait3A_76 = arith.constant 0 : i32
      %dma_wait3A_77 = tpu.memref_slice %arg9[%run_scoped3A, %dma_wait3A_75, %dma_wait3A_76] : memref<4x64x128xf32, #tpu.memory_space<vmem>> -> memref<1x64x128xf32, #tpu.memory_space<vmem>>
      %dma_wait3A_78 = tpu.memref_squeeze %dma_wait3A_77 : memref<1x64x128xf32, #tpu.memory_space<vmem>> -> memref<64x128xf32, #tpu.memory_space<vmem>>
      tpu.wait_dma2 semaphore(%run_scoped3A_56 : memref<!tpu.dma_semaphore, #tpu.memory_space<semaphore_mem>>) src(%dma_wait3A_78 : memref<64x128xf32, #tpu.memory_space<vmem>>) dst(%dma_wait3A_74 : memref<64x128xf32, #tpu.memory_space<vmem_shared>>)
      tpu.yield
    }) : () -> ()
    %add3A_14 = arith.constant 64 : i32
    %add3A_15 = arith.addi %mul3A_2, %add3A_14 : i32
    %run_scoped3A_16 = arith.constant 0 : i32
    "tpu.region"() ({
      %run_scoped3A_56 = tpu.sem_alloc : memref<!tpu.dma_semaphore, #tpu.memory_space<semaphore_mem>>
      %dma_start3A = arith.constant 0 : i32
      %dma_start3A_57 = arith.constant 0 : i32
      %dma_start3A_58 = tpu.memref_slice %arg9[%run_scoped3A_16, %dma_start3A, %dma_start3A_57] : memref<4x64x128xf32, #tpu.memory_space<vmem>> -> memref<1x64x128xf32, #tpu.memory_space<vmem>>
      %dma_start3A_59 = tpu.memref_squeeze %dma_start3A_58 : memref<1x64x128xf32, #tpu.memory_space<vmem>> -> memref<64x128xf32, #tpu.memory_space<vmem>>
      %dma_start3A_60 = arith.constant 0 : i32
      %dma_start3A_61 = tpu.memref_slice %arg11[%add3A_15, %dma_start3A_60] : memref<10240x128xf32, #tpu.memory_space<vmem_shared>> -> memref<64x128xf32, #tpu.memory_space<vmem_shared>>
      %dma_start3A_62 = arith.constant 0 : i32
      %dma_start3A_63 = tpu.memref_slice %arg11[%add3A_15, %dma_start3A_62] : memref<10240x128xf32, #tpu.memory_space<vmem_shared>> -> memref<64x128xf32, #tpu.memory_space<vmem_shared>>
      %dma_start3A_64 = arith.constant 0 : i32
      %dma_start3A_65 = arith.constant 0 : i32
      %dma_start3A_66 = tpu.memref_slice %arg9[%run_scoped3A_16, %dma_start3A_64, %dma_start3A_65] : memref<4x64x128xf32, #tpu.memory_space<vmem>> -> memref<1x64x128xf32, #tpu.memory_space<vmem>>
      %dma_start3A_67 = tpu.memref_squeeze %dma_start3A_66 : memref<1x64x128xf32, #tpu.memory_space<vmem>> -> memref<64x128xf32, #tpu.memory_space<vmem>>
      tpu.enqueue_dma source(%dma_start3A_67 : memref<64x128xf32, #tpu.memory_space<vmem>>) target(%dma_start3A_63 : memref<64x128xf32, #tpu.memory_space<vmem_shared>>) target_semaphore(%run_scoped3A_56 : memref<!tpu.dma_semaphore, #tpu.memory_space<semaphore_mem>>)
      %dma_wait3A = arith.constant 0 : i32
      %dma_wait3A_68 = arith.constant 0 : i32
      %dma_wait3A_69 = tpu.memref_slice %arg9[%run_scoped3A_16, %dma_wait3A, %dma_wait3A_68] : memref<4x64x128xf32, #tpu.memory_space<vmem>> -> memref<1x64x128xf32, #tpu.memory_space<vmem>>
      %dma_wait3A_70 = tpu.memref_squeeze %dma_wait3A_69 : memref<1x64x128xf32, #tpu.memory_space<vmem>> -> memref<64x128xf32, #tpu.memory_space<vmem>>
      %dma_wait3A_71 = arith.constant 0 : i32
      %dma_wait3A_72 = tpu.memref_slice %arg11[%add3A_15, %dma_wait3A_71] : memref<10240x128xf32, #tpu.memory_space<vmem_shared>> -> memref<64x128xf32, #tpu.memory_space<vmem_shared>>
      %dma_wait3A_73 = arith.constant 0 : i32
      %dma_wait3A_74 = tpu.memref_slice %arg11[%add3A_15, %dma_wait3A_73] : memref<10240x128xf32, #tpu.memory_space<vmem_shared>> -> memref<64x128xf32, #tpu.memory_space<vmem_shared>>
      %dma_wait3A_75 = arith.constant 0 : i32
      %dma_wait3A_76 = arith.constant 0 : i32
      %dma_wait3A_77 = tpu.memref_slice %arg9[%run_scoped3A_16, %dma_wait3A_75, %dma_wait3A_76] : memref<4x64x128xf32, #tpu.memory_space<vmem>> -> memref<1x64x128xf32, #tpu.memory_space<vmem>>
      %dma_wait3A_78 = tpu.memref_squeeze %dma_wait3A_77 : memref<1x64x128xf32, #tpu.memory_space<vmem>> -> memref<64x128xf32, #tpu.memory_space<vmem>>
      tpu.wait_dma2 semaphore(%run_scoped3A_56 : memref<!tpu.dma_semaphore, #tpu.memory_space<semaphore_mem>>) src(%dma_wait3A_78 : memref<64x128xf32, #tpu.memory_space<vmem>>) dst(%dma_wait3A_74 : memref<64x128xf32, #tpu.memory_space<vmem_shared>>)
      tpu.yield
    }) : () -> ()
    %add3A_17 = arith.constant 128 : i32
    %add3A_18 = arith.addi %mul3A_2, %add3A_17 : i32
    %run_scoped3A_19 = arith.constant 0 : i32
    "tpu.region"() ({
      %run_scoped3A_56 = tpu.sem_alloc : memref<!tpu.dma_semaphore, #tpu.memory_space<semaphore_mem>>
      %dma_start3A = arith.constant 0 : i32
      %dma_start3A_57 = arith.constant 0 : i32
      %dma_start3A_58 = tpu.memref_slice %arg9[%run_scoped3A_19, %dma_start3A, %dma_start3A_57] : memref<4x64x128xf32, #tpu.memory_space<vmem>> -> memref<1x64x128xf32, #tpu.memory_space<vmem>>
      %dma_start3A_59 = tpu.memref_squeeze %dma_start3A_58 : memref<1x64x128xf32, #tpu.memory_space<vmem>> -> memref<64x128xf32, #tpu.memory_space<vmem>>
      %dma_start3A_60 = arith.constant 0 : i32
      %dma_start3A_61 = tpu.memref_slice %arg11[%add3A_18, %dma_start3A_60] : memref<10240x128xf32, #tpu.memory_space<vmem_shared>> -> memref<64x128xf32, #tpu.memory_space<vmem_shared>>
      %dma_start3A_62 = arith.constant 0 : i32
      %dma_start3A_63 = tpu.memref_slice %arg11[%add3A_18, %dma_start3A_62] : memref<10240x128xf32, #tpu.memory_space<vmem_shared>> -> memref<64x128xf32, #tpu.memory_space<vmem_shared>>
      %dma_start3A_64 = arith.constant 0 : i32
      %dma_start3A_65 = arith.constant 0 : i32
      %dma_start3A_66 = tpu.memref_slice %arg9[%run_scoped3A_19, %dma_start3A_64, %dma_start3A_65] : memref<4x64x128xf32, #tpu.memory_space<vmem>> -> memref<1x64x128xf32, #tpu.memory_space<vmem>>
      %dma_start3A_67 = tpu.memref_squeeze %dma_start3A_66 : memref<1x64x128xf32, #tpu.memory_space<vmem>> -> memref<64x128xf32, #tpu.memory_space<vmem>>
      tpu.enqueue_dma source(%dma_start3A_67 : memref<64x128xf32, #tpu.memory_space<vmem>>) target(%dma_start3A_63 : memref<64x128xf32, #tpu.memory_space<vmem_shared>>) target_semaphore(%run_scoped3A_56 : memref<!tpu.dma_semaphore, #tpu.memory_space<semaphore_mem>>)
      %dma_wait3A = arith.constant 0 : i32
      %dma_wait3A_68 = arith.constant 0 : i32
      %dma_wait3A_69 = tpu.memref_slice %arg9[%run_scoped3A_19, %dma_wait3A, %dma_wait3A_68] : memref<4x64x128xf32, #tpu.memory_space<vmem>> -> memref<1x64x128xf32, #tpu.memory_space<vmem>>
      %dma_wait3A_70 = tpu.memref_squeeze %dma_wait3A_69 : memref<1x64x128xf32, #tpu.memory_space<vmem>> -> memref<64x128xf32, #tpu.memory_space<vmem>>
      %dma_wait3A_71 = arith.constant 0 : i32
      %dma_wait3A_72 = tpu.memref_slice %arg11[%add3A_18, %dma_wait3A_71] : memref<10240x128xf32, #tpu.memory_space<vmem_shared>> -> memref<64x128xf32, #tpu.memory_space<vmem_shared>>
      %dma_wait3A_73 = arith.constant 0 : i32
      %dma_wait3A_74 = tpu.memref_slice %arg11[%add3A_18, %dma_wait3A_73] : memref<10240x128xf32, #tpu.memory_space<vmem_shared>> -> memref<64x128xf32, #tpu.memory_space<vmem_shared>>
      %dma_wait3A_75 = arith.constant 0 : i32
      %dma_wait3A_76 = arith.constant 0 : i32
      %dma_wait3A_77 = tpu.memref_slice %arg9[%run_scoped3A_19, %dma_wait3A_75, %dma_wait3A_76] : memref<4x64x128xf32, #tpu.memory_space<vmem>> -> memref<1x64x128xf32, #tpu.memory_space<vmem>>
      %dma_wait3A_78 = tpu.memref_squeeze %dma_wait3A_77 : memref<1x64x128xf32, #tpu.memory_space<vmem>> -> memref<64x128xf32, #tpu.memory_space<vmem>>
      tpu.wait_dma2 semaphore(%run_scoped3A_56 : memref<!tpu.dma_semaphore, #tpu.memory_space<semaphore_mem>>) src(%dma_wait3A_78 : memref<64x128xf32, #tpu.memory_space<vmem>>) dst(%dma_wait3A_74 : memref<64x128xf32, #tpu.memory_space<vmem_shared>>)
      tpu.yield
    }) : () -> ()
    %add3A_20 = arith.constant 192 : i32
    %add3A_21 = arith.addi %mul3A_2, %add3A_20 : i32
    %run_scoped3A_22 = arith.constant 0 : i32
    "tpu.region"() ({
      %run_scoped3A_56 = tpu.sem_alloc : memref<!tpu.dma_semaphore, #tpu.memory_space<semaphore_mem>>
      %dma_start3A = arith.constant 0 : i32
      %dma_start3A_57 = arith.constant 0 : i32
      %dma_start3A_58 = tpu.memref_slice %arg9[%run_scoped3A_22, %dma_start3A, %dma_start3A_57] : memref<4x64x128xf32, #tpu.memory_space<vmem>> -> memref<1x64x128xf32, #tpu.memory_space<vmem>>
      %dma_start3A_59 = tpu.memref_squeeze %dma_start3A_58 : memref<1x64x128xf32, #tpu.memory_space<vmem>> -> memref<64x128xf32, #tpu.memory_space<vmem>>
      %dma_start3A_60 = arith.constant 0 : i32
      %dma_start3A_61 = tpu.memref_slice %arg11[%add3A_21, %dma_start3A_60] : memref<10240x128xf32, #tpu.memory_space<vmem_shared>> -> memref<64x128xf32, #tpu.memory_space<vmem_shared>>
      %dma_start3A_62 = arith.constant 0 : i32
      %dma_start3A_63 = tpu.memref_slice %arg11[%add3A_21, %dma_start3A_62] : memref<10240x128xf32, #tpu.memory_space<vmem_shared>> -> memref<64x128xf32, #tpu.memory_space<vmem_shared>>
      %dma_start3A_64 = arith.constant 0 : i32
      %dma_start3A_65 = arith.constant 0 : i32
      %dma_start3A_66 = tpu.memref_slice %arg9[%run_scoped3A_22, %dma_start3A_64, %dma_start3A_65] : memref<4x64x128xf32, #tpu.memory_space<vmem>> -> memref<1x64x128xf32, #tpu.memory_space<vmem>>
      %dma_start3A_67 = tpu.memref_squeeze %dma_start3A_66 : memref<1x64x128xf32, #tpu.memory_space<vmem>> -> memref<64x128xf32, #tpu.memory_space<vmem>>
      tpu.enqueue_dma source(%dma_start3A_67 : memref<64x128xf32, #tpu.memory_space<vmem>>) target(%dma_start3A_63 : memref<64x128xf32, #tpu.memory_space<vmem_shared>>) target_semaphore(%run_scoped3A_56 : memref<!tpu.dma_semaphore, #tpu.memory_space<semaphore_mem>>)
      %dma_wait3A = arith.constant 0 : i32
      %dma_wait3A_68 = arith.constant 0 : i32
      %dma_wait3A_69 = tpu.memref_slice %arg9[%run_scoped3A_22, %dma_wait3A, %dma_wait3A_68] : memref<4x64x128xf32, #tpu.memory_space<vmem>> -> memref<1x64x128xf32, #tpu.memory_space<vmem>>
      %dma_wait3A_70 = tpu.memref_squeeze %dma_wait3A_69 : memref<1x64x128xf32, #tpu.memory_space<vmem>> -> memref<64x128xf32, #tpu.memory_space<vmem>>
      %dma_wait3A_71 = arith.constant 0 : i32
      %dma_wait3A_72 = tpu.memref_slice %arg11[%add3A_21, %dma_wait3A_71] : memref<10240x128xf32, #tpu.memory_space<vmem_shared>> -> memref<64x128xf32, #tpu.memory_space<vmem_shared>>
      %dma_wait3A_73 = arith.constant 0 : i32
      %dma_wait3A_74 = tpu.memref_slice %arg11[%add3A_21, %dma_wait3A_73] : memref<10240x128xf32, #tpu.memory_space<vmem_shared>> -> memref<64x128xf32, #tpu.memory_space<vmem_shared>>
      %dma_wait3A_75 = arith.constant 0 : i32
      %dma_wait3A_76 = arith.constant 0 : i32
      %dma_wait3A_77 = tpu.memref_slice %arg9[%run_scoped3A_22, %dma_wait3A_75, %dma_wait3A_76] : memref<4x64x128xf32, #tpu.memory_space<vmem>> -> memref<1x64x128xf32, #tpu.memory_space<vmem>>
      %dma_wait3A_78 = tpu.memref_squeeze %dma_wait3A_77 : memref<1x64x128xf32, #tpu.memory_space<vmem>> -> memref<64x128xf32, #tpu.memory_space<vmem>>
      tpu.wait_dma2 semaphore(%run_scoped3A_56 : memref<!tpu.dma_semaphore, #tpu.memory_space<semaphore_mem>>) src(%dma_wait3A_78 : memref<64x128xf32, #tpu.memory_space<vmem>>) dst(%dma_wait3A_74 : memref<64x128xf32, #tpu.memory_space<vmem_shared>>)
      tpu.yield
    }) : () -> ()
    %add3A_23 = arith.constant 256 : i32
    %add3A_24 = arith.addi %mul3A_2, %add3A_23 : i32
    %run_scoped3A_25 = arith.constant 0 : i32
    "tpu.region"() ({
      %run_scoped3A_56 = tpu.sem_alloc : memref<!tpu.dma_semaphore, #tpu.memory_space<semaphore_mem>>
      %dma_start3A = arith.constant 0 : i32
      %dma_start3A_57 = arith.constant 0 : i32
      %dma_start3A_58 = tpu.memref_slice %arg9[%run_scoped3A_25, %dma_start3A, %dma_start3A_57] : memref<4x64x128xf32, #tpu.memory_space<vmem>> -> memref<1x64x128xf32, #tpu.memory_space<vmem>>
      %dma_start3A_59 = tpu.memref_squeeze %dma_start3A_58 : memref<1x64x128xf32, #tpu.memory_space<vmem>> -> memref<64x128xf32, #tpu.memory_space<vmem>>
      %dma_start3A_60 = arith.constant 0 : i32
      %dma_start3A_61 = tpu.memref_slice %arg11[%add3A_24, %dma_start3A_60] : memref<10240x128xf32, #tpu.memory_space<vmem_shared>> -> memref<64x128xf32, #tpu.memory_space<vmem_shared>>
      %dma_start3A_62 = arith.constant 0 : i32
      %dma_start3A_63 = tpu.memref_slice %arg11[%add3A_24, %dma_start3A_62] : memref<10240x128xf32, #tpu.memory_space<vmem_shared>> -> memref<64x128xf32, #tpu.memory_space<vmem_shared>>
      %dma_start3A_64 = arith.constant 0 : i32
      %dma_start3A_65 = arith.constant 0 : i32
      %dma_start3A_66 = tpu.memref_slice %arg9[%run_scoped3A_25, %dma_start3A_64, %dma_start3A_65] : memref<4x64x128xf32, #tpu.memory_space<vmem>> -> memref<1x64x128xf32, #tpu.memory_space<vmem>>
      %dma_start3A_67 = tpu.memref_squeeze %dma_start3A_66 : memref<1x64x128xf32, #tpu.memory_space<vmem>> -> memref<64x128xf32, #tpu.memory_space<vmem>>
      tpu.enqueue_dma source(%dma_start3A_67 : memref<64x128xf32, #tpu.memory_space<vmem>>) target(%dma_start3A_63 : memref<64x128xf32, #tpu.memory_space<vmem_shared>>) target_semaphore(%run_scoped3A_56 : memref<!tpu.dma_semaphore, #tpu.memory_space<semaphore_mem>>)
      %dma_wait3A = arith.constant 0 : i32
      %dma_wait3A_68 = arith.constant 0 : i32
      %dma_wait3A_69 = tpu.memref_slice %arg9[%run_scoped3A_25, %dma_wait3A, %dma_wait3A_68] : memref<4x64x128xf32, #tpu.memory_space<vmem>> -> memref<1x64x128xf32, #tpu.memory_space<vmem>>
      %dma_wait3A_70 = tpu.memref_squeeze %dma_wait3A_69 : memref<1x64x128xf32, #tpu.memory_space<vmem>> -> memref<64x128xf32, #tpu.memory_space<vmem>>
      %dma_wait3A_71 = arith.constant 0 : i32
      %dma_wait3A_72 = tpu.memref_slice %arg11[%add3A_24, %dma_wait3A_71] : memref<10240x128xf32, #tpu.memory_space<vmem_shared>> -> memref<64x128xf32, #tpu.memory_space<vmem_shared>>
      %dma_wait3A_73 = arith.constant 0 : i32
      %dma_wait3A_74 = tpu.memref_slice %arg11[%add3A_24, %dma_wait3A_73] : memref<10240x128xf32, #tpu.memory_space<vmem_shared>> -> memref<64x128xf32, #tpu.memory_space<vmem_shared>>
      %dma_wait3A_75 = arith.constant 0 : i32
      %dma_wait3A_76 = arith.constant 0 : i32
      %dma_wait3A_77 = tpu.memref_slice %arg9[%run_scoped3A_25, %dma_wait3A_75, %dma_wait3A_76] : memref<4x64x128xf32, #tpu.memory_space<vmem>> -> memref<1x64x128xf32, #tpu.memory_space<vmem>>
      %dma_wait3A_78 = tpu.memref_squeeze %dma_wait3A_77 : memref<1x64x128xf32, #tpu.memory_space<vmem>> -> memref<64x128xf32, #tpu.memory_space<vmem>>
      tpu.wait_dma2 semaphore(%run_scoped3A_56 : memref<!tpu.dma_semaphore, #tpu.memory_space<semaphore_mem>>) src(%dma_wait3A_78 : memref<64x128xf32, #tpu.memory_space<vmem>>) dst(%dma_wait3A_74 : memref<64x128xf32, #tpu.memory_space<vmem_shared>>)
      tpu.yield
    }) : () -> ()
    %add3A_26 = arith.constant 320 : i32
    %add3A_27 = arith.addi %mul3A_2, %add3A_26 : i32
    %run_scoped3A_28 = arith.constant 0 : i32
    "tpu.region"() ({
      %run_scoped3A_56 = tpu.sem_alloc : memref<!tpu.dma_semaphore, #tpu.memory_space<semaphore_mem>>
      %dma_start3A = arith.constant 0 : i32
      %dma_start3A_57 = arith.constant 0 : i32
      %dma_start3A_58 = tpu.memref_slice %arg9[%run_scoped3A_28, %dma_start3A, %dma_start3A_57] : memref<4x64x128xf32, #tpu.memory_space<vmem>> -> memref<1x64x128xf32, #tpu.memory_space<vmem>>
      %dma_start3A_59 = tpu.memref_squeeze %dma_start3A_58 : memref<1x64x128xf32, #tpu.memory_space<vmem>> -> memref<64x128xf32, #tpu.memory_space<vmem>>
      %dma_start3A_60 = arith.constant 0 : i32
      %dma_start3A_61 = tpu.memref_slice %arg11[%add3A_27, %dma_start3A_60] : memref<10240x128xf32, #tpu.memory_space<vmem_shared>> -> memref<64x128xf32, #tpu.memory_space<vmem_shared>>
      %dma_start3A_62 = arith.constant 0 : i32
      %dma_start3A_63 = tpu.memref_slice %arg11[%add3A_27, %dma_start3A_62] : memref<10240x128xf32, #tpu.memory_space<vmem_shared>> -> memref<64x128xf32, #tpu.memory_space<vmem_shared>>
      %dma_start3A_64 = arith.constant 0 : i32
      %dma_start3A_65 = arith.constant 0 : i32
      %dma_start3A_66 = tpu.memref_slice %arg9[%run_scoped3A_28, %dma_start3A_64, %dma_start3A_65] : memref<4x64x128xf32, #tpu.memory_space<vmem>> -> memref<1x64x128xf32, #tpu.memory_space<vmem>>
      %dma_start3A_67 = tpu.memref_squeeze %dma_start3A_66 : memref<1x64x128xf32, #tpu.memory_space<vmem>> -> memref<64x128xf32, #tpu.memory_space<vmem>>
      tpu.enqueue_dma source(%dma_start3A_67 : memref<64x128xf32, #tpu.memory_space<vmem>>) target(%dma_start3A_63 : memref<64x128xf32, #tpu.memory_space<vmem_shared>>) target_semaphore(%run_scoped3A_56 : memref<!tpu.dma_semaphore, #tpu.memory_space<semaphore_mem>>)
      %dma_wait3A = arith.constant 0 : i32
      %dma_wait3A_68 = arith.constant 0 : i32
      %dma_wait3A_69 = tpu.memref_slice %arg9[%run_scoped3A_28, %dma_wait3A, %dma_wait3A_68] : memref<4x64x128xf32, #tpu.memory_space<vmem>> -> memref<1x64x128xf32, #tpu.memory_space<vmem>>
      %dma_wait3A_70 = tpu.memref_squeeze %dma_wait3A_69 : memref<1x64x128xf32, #tpu.memory_space<vmem>> -> memref<64x128xf32, #tpu.memory_space<vmem>>
      %dma_wait3A_71 = arith.constant 0 : i32
      %dma_wait3A_72 = tpu.memref_slice %arg11[%add3A_27, %dma_wait3A_71] : memref<10240x128xf32, #tpu.memory_space<vmem_shared>> -> memref<64x128xf32, #tpu.memory_space<vmem_shared>>
      %dma_wait3A_73 = arith.constant 0 : i32
      %dma_wait3A_74 = tpu.memref_slice %arg11[%add3A_27, %dma_wait3A_73] : memref<10240x128xf32, #tpu.memory_space<vmem_shared>> -> memref<64x128xf32, #tpu.memory_space<vmem_shared>>
      %dma_wait3A_75 = arith.constant 0 : i32
      %dma_wait3A_76 = arith.constant 0 : i32
      %dma_wait3A_77 = tpu.memref_slice %arg9[%run_scoped3A_28, %dma_wait3A_75, %dma_wait3A_76] : memref<4x64x128xf32, #tpu.memory_space<vmem>> -> memref<1x64x128xf32, #tpu.memory_space<vmem>>
      %dma_wait3A_78 = tpu.memref_squeeze %dma_wait3A_77 : memref<1x64x128xf32, #tpu.memory_space<vmem>> -> memref<64x128xf32, #tpu.memory_space<vmem>>
      tpu.wait_dma2 semaphore(%run_scoped3A_56 : memref<!tpu.dma_semaphore, #tpu.memory_space<semaphore_mem>>) src(%dma_wait3A_78 : memref<64x128xf32, #tpu.memory_space<vmem>>) dst(%dma_wait3A_74 : memref<64x128xf32, #tpu.memory_space<vmem_shared>>)
      tpu.yield
    }) : () -> ()
    %add3A_29 = arith.constant 384 : i32
    %add3A_30 = arith.addi %mul3A_2, %add3A_29 : i32
    %run_scoped3A_31 = arith.constant 0 : i32
    "tpu.region"() ({
      %run_scoped3A_56 = tpu.sem_alloc : memref<!tpu.dma_semaphore, #tpu.memory_space<semaphore_mem>>
      %dma_start3A = arith.constant 0 : i32
      %dma_start3A_57 = arith.constant 0 : i32
      %dma_start3A_58 = tpu.memref_slice %arg9[%run_scoped3A_31, %dma_start3A, %dma_start3A_57] : memref<4x64x128xf32, #tpu.memory_space<vmem>> -> memref<1x64x128xf32, #tpu.memory_space<vmem>>
      %dma_start3A_59 = tpu.memref_squeeze %dma_start3A_58 : memref<1x64x128xf32, #tpu.memory_space<vmem>> -> memref<64x128xf32, #tpu.memory_space<vmem>>
      %dma_start3A_60 = arith.constant 0 : i32
      %dma_start3A_61 = tpu.memref_slice %arg11[%add3A_30, %dma_start3A_60] : memref<10240x128xf32, #tpu.memory_space<vmem_shared>> -> memref<64x128xf32, #tpu.memory_space<vmem_shared>>
      %dma_start3A_62 = arith.constant 0 : i32
      %dma_start3A_63 = tpu.memref_slice %arg11[%add3A_30, %dma_start3A_62] : memref<10240x128xf32, #tpu.memory_space<vmem_shared>> -> memref<64x128xf32, #tpu.memory_space<vmem_shared>>
      %dma_start3A_64 = arith.constant 0 : i32
      %dma_start3A_65 = arith.constant 0 : i32
      %dma_start3A_66 = tpu.memref_slice %arg9[%run_scoped3A_31, %dma_start3A_64, %dma_start3A_65] : memref<4x64x128xf32, #tpu.memory_space<vmem>> -> memref<1x64x128xf32, #tpu.memory_space<vmem>>
      %dma_start3A_67 = tpu.memref_squeeze %dma_start3A_66 : memref<1x64x128xf32, #tpu.memory_space<vmem>> -> memref<64x128xf32, #tpu.memory_space<vmem>>
      tpu.enqueue_dma source(%dma_start3A_67 : memref<64x128xf32, #tpu.memory_space<vmem>>) target(%dma_start3A_63 : memref<64x128xf32, #tpu.memory_space<vmem_shared>>) target_semaphore(%run_scoped3A_56 : memref<!tpu.dma_semaphore, #tpu.memory_space<semaphore_mem>>)
      %dma_wait3A = arith.constant 0 : i32
      %dma_wait3A_68 = arith.constant 0 : i32
      %dma_wait3A_69 = tpu.memref_slice %arg9[%run_scoped3A_31, %dma_wait3A, %dma_wait3A_68] : memref<4x64x128xf32, #tpu.memory_space<vmem>> -> memref<1x64x128xf32, #tpu.memory_space<vmem>>
      %dma_wait3A_70 = tpu.memref_squeeze %dma_wait3A_69 : memref<1x64x128xf32, #tpu.memory_space<vmem>> -> memref<64x128xf32, #tpu.memory_space<vmem>>
      %dma_wait3A_71 = arith.constant 0 : i32
      %dma_wait3A_72 = tpu.memref_slice %arg11[%add3A_30, %dma_wait3A_71] : memref<10240x128xf32, #tpu.memory_space<vmem_shared>> -> memref<64x128xf32, #tpu.memory_space<vmem_shared>>
      %dma_wait3A_73 = arith.constant 0 : i32
      %dma_wait3A_74 = tpu.memref_slice %arg11[%add3A_30, %dma_wait3A_73] : memref<10240x128xf32, #tpu.memory_space<vmem_shared>> -> memref<64x128xf32, #tpu.memory_space<vmem_shared>>
      %dma_wait3A_75 = arith.constant 0 : i32
      %dma_wait3A_76 = arith.constant 0 : i32
      %dma_wait3A_77 = tpu.memref_slice %arg9[%run_scoped3A_31, %dma_wait3A_75, %dma_wait3A_76] : memref<4x64x128xf32, #tpu.memory_space<vmem>> -> memref<1x64x128xf32, #tpu.memory_space<vmem>>
      %dma_wait3A_78 = tpu.memref_squeeze %dma_wait3A_77 : memref<1x64x128xf32, #tpu.memory_space<vmem>> -> memref<64x128xf32, #tpu.memory_space<vmem>>
      tpu.wait_dma2 semaphore(%run_scoped3A_56 : memref<!tpu.dma_semaphore, #tpu.memory_space<semaphore_mem>>) src(%dma_wait3A_78 : memref<64x128xf32, #tpu.memory_space<vmem>>) dst(%dma_wait3A_74 : memref<64x128xf32, #tpu.memory_space<vmem_shared>>)
      tpu.yield
    }) : () -> ()
    %add3A_32 = arith.constant 448 : i32
    %add3A_33 = arith.addi %mul3A_2, %add3A_32 : i32
    %run_scoped3A_34 = arith.constant 0 : i32
    "tpu.region"() ({
      %run_scoped3A_56 = tpu.sem_alloc : memref<!tpu.dma_semaphore, #tpu.memory_space<semaphore_mem>>
      %dma_start3A = arith.constant 0 : i32
      %dma_start3A_57 = arith.constant 0 : i32
      %dma_start3A_58 = tpu.memref_slice %arg9[%run_scoped3A_34, %dma_start3A, %dma_start3A_57] : memref<4x64x128xf32, #tpu.memory_space<vmem>> -> memref<1x64x128xf32, #tpu.memory_space<vmem>>
      %dma_start3A_59 = tpu.memref_squeeze %dma_start3A_58 : memref<1x64x128xf32, #tpu.memory_space<vmem>> -> memref<64x128xf32, #tpu.memory_space<vmem>>
      %dma_start3A_60 = arith.constant 0 : i32
      %dma_start3A_61 = tpu.memref_slice %arg11[%add3A_33, %dma_start3A_60] : memref<10240x128xf32, #tpu.memory_space<vmem_shared>> -> memref<64x128xf32, #tpu.memory_space<vmem_shared>>
      %dma_start3A_62 = arith.constant 0 : i32
      %dma_start3A_63 = tpu.memref_slice %arg11[%add3A_33, %dma_start3A_62] : memref<10240x128xf32, #tpu.memory_space<vmem_shared>> -> memref<64x128xf32, #tpu.memory_space<vmem_shared>>
      %dma_start3A_64 = arith.constant 0 : i32
      %dma_start3A_65 = arith.constant 0 : i32
      %dma_start3A_66 = tpu.memref_slice %arg9[%run_scoped3A_34, %dma_start3A_64, %dma_start3A_65] : memref<4x64x128xf32, #tpu.memory_space<vmem>> -> memref<1x64x128xf32, #tpu.memory_space<vmem>>
      %dma_start3A_67 = tpu.memref_squeeze %dma_start3A_66 : memref<1x64x128xf32, #tpu.memory_space<vmem>> -> memref<64x128xf32, #tpu.memory_space<vmem>>
      tpu.enqueue_dma source(%dma_start3A_67 : memref<64x128xf32, #tpu.memory_space<vmem>>) target(%dma_start3A_63 : memref<64x128xf32, #tpu.memory_space<vmem_shared>>) target_semaphore(%run_scoped3A_56 : memref<!tpu.dma_semaphore, #tpu.memory_space<semaphore_mem>>)
      %dma_wait3A = arith.constant 0 : i32
      %dma_wait3A_68 = arith.constant 0 : i32
      %dma_wait3A_69 = tpu.memref_slice %arg9[%run_scoped3A_34, %dma_wait3A, %dma_wait3A_68] : memref<4x64x128xf32, #tpu.memory_space<vmem>> -> memref<1x64x128xf32, #tpu.memory_space<vmem>>
      %dma_wait3A_70 = tpu.memref_squeeze %dma_wait3A_69 : memref<1x64x128xf32, #tpu.memory_space<vmem>> -> memref<64x128xf32, #tpu.memory_space<vmem>>
      %dma_wait3A_71 = arith.constant 0 : i32
      %dma_wait3A_72 = tpu.memref_slice %arg11[%add3A_33, %dma_wait3A_71] : memref<10240x128xf32, #tpu.memory_space<vmem_shared>> -> memref<64x128xf32, #tpu.memory_space<vmem_shared>>
      %dma_wait3A_73 = arith.constant 0 : i32
      %dma_wait3A_74 = tpu.memref_slice %arg11[%add3A_33, %dma_wait3A_73] : memref<10240x128xf32, #tpu.memory_space<vmem_shared>> -> memref<64x128xf32, #tpu.memory_space<vmem_shared>>
      %dma_wait3A_75 = arith.constant 0 : i32
      %dma_wait3A_76 = arith.constant 0 : i32
      %dma_wait3A_77 = tpu.memref_slice %arg9[%run_scoped3A_34, %dma_wait3A_75, %dma_wait3A_76] : memref<4x64x128xf32, #tpu.memory_space<vmem>> -> memref<1x64x128xf32, #tpu.memory_space<vmem>>
      %dma_wait3A_78 = tpu.memref_squeeze %dma_wait3A_77 : memref<1x64x128xf32, #tpu.memory_space<vmem>> -> memref<64x128xf32, #tpu.memory_space<vmem>>
      tpu.wait_dma2 semaphore(%run_scoped3A_56 : memref<!tpu.dma_semaphore, #tpu.memory_space<semaphore_mem>>) src(%dma_wait3A_78 : memref<64x128xf32, #tpu.memory_space<vmem>>) dst(%dma_wait3A_74 : memref<64x128xf32, #tpu.memory_space<vmem_shared>>)
      tpu.yield
    }) : () -> ()
    %add3A_35 = arith.constant 512 : i32
    %add3A_36 = arith.addi %mul3A_2, %add3A_35 : i32
    %run_scoped3A_37 = arith.constant 0 : i32
    "tpu.region"() ({
      %run_scoped3A_56 = tpu.sem_alloc : memref<!tpu.dma_semaphore, #tpu.memory_space<semaphore_mem>>
      %dma_start3A = arith.constant 0 : i32
      %dma_start3A_57 = arith.constant 0 : i32
      %dma_start3A_58 = tpu.memref_slice %arg9[%run_scoped3A_37, %dma_start3A, %dma_start3A_57] : memref<4x64x128xf32, #tpu.memory_space<vmem>> -> memref<1x64x128xf32, #tpu.memory_space<vmem>>
      %dma_start3A_59 = tpu.memref_squeeze %dma_start3A_58 : memref<1x64x128xf32, #tpu.memory_space<vmem>> -> memref<64x128xf32, #tpu.memory_space<vmem>>
      %dma_start3A_60 = arith.constant 0 : i32
      %dma_start3A_61 = tpu.memref_slice %arg11[%add3A_36, %dma_start3A_60] : memref<10240x128xf32, #tpu.memory_space<vmem_shared>> -> memref<64x128xf32, #tpu.memory_space<vmem_shared>>
      %dma_start3A_62 = arith.constant 0 : i32
      %dma_start3A_63 = tpu.memref_slice %arg11[%add3A_36, %dma_start3A_62] : memref<10240x128xf32, #tpu.memory_space<vmem_shared>> -> memref<64x128xf32, #tpu.memory_space<vmem_shared>>
      %dma_start3A_64 = arith.constant 0 : i32
      %dma_start3A_65 = arith.constant 0 : i32
      %dma_start3A_66 = tpu.memref_slice %arg9[%run_scoped3A_37, %dma_start3A_64, %dma_start3A_65] : memref<4x64x128xf32, #tpu.memory_space<vmem>> -> memref<1x64x128xf32, #tpu.memory_space<vmem>>
      %dma_start3A_67 = tpu.memref_squeeze %dma_start3A_66 : memref<1x64x128xf32, #tpu.memory_space<vmem>> -> memref<64x128xf32, #tpu.memory_space<vmem>>
      tpu.enqueue_dma source(%dma_start3A_67 : memref<64x128xf32, #tpu.memory_space<vmem>>) target(%dma_start3A_63 : memref<64x128xf32, #tpu.memory_space<vmem_shared>>) target_semaphore(%run_scoped3A_56 : memref<!tpu.dma_semaphore, #tpu.memory_space<semaphore_mem>>)
      %dma_wait3A = arith.constant 0 : i32
      %dma_wait3A_68 = arith.constant 0 : i32
      %dma_wait3A_69 = tpu.memref_slice %arg9[%run_scoped3A_37, %dma_wait3A, %dma_wait3A_68] : memref<4x64x128xf32, #tpu.memory_space<vmem>> -> memref<1x64x128xf32, #tpu.memory_space<vmem>>
      %dma_wait3A_70 = tpu.memref_squeeze %dma_wait3A_69 : memref<1x64x128xf32, #tpu.memory_space<vmem>> -> memref<64x128xf32, #tpu.memory_space<vmem>>
      %dma_wait3A_71 = arith.constant 0 : i32
      %dma_wait3A_72 = tpu.memref_slice %arg11[%add3A_36, %dma_wait3A_71] : memref<10240x128xf32, #tpu.memory_space<vmem_shared>> -> memref<64x128xf32, #tpu.memory_space<vmem_shared>>
      %dma_wait3A_73 = arith.constant 0 : i32
      %dma_wait3A_74 = tpu.memref_slice %arg11[%add3A_36, %dma_wait3A_73] : memref<10240x128xf32, #tpu.memory_space<vmem_shared>> -> memref<64x128xf32, #tpu.memory_space<vmem_shared>>
      %dma_wait3A_75 = arith.constant 0 : i32
      %dma_wait3A_76 = arith.constant 0 : i32
      %dma_wait3A_77 = tpu.memref_slice %arg9[%run_scoped3A_37, %dma_wait3A_75, %dma_wait3A_76] : memref<4x64x128xf32, #tpu.memory_space<vmem>> -> memref<1x64x128xf32, #tpu.memory_space<vmem>>
      %dma_wait3A_78 = tpu.memref_squeeze %dma_wait3A_77 : memref<1x64x128xf32, #tpu.memory_space<vmem>> -> memref<64x128xf32, #tpu.memory_space<vmem>>
      tpu.wait_dma2 semaphore(%run_scoped3A_56 : memref<!tpu.dma_semaphore, #tpu.memory_space<semaphore_mem>>) src(%dma_wait3A_78 : memref<64x128xf32, #tpu.memory_space<vmem>>) dst(%dma_wait3A_74 : memref<64x128xf32, #tpu.memory_space<vmem_shared>>)
      tpu.yield
    }) : () -> ()
    %add3A_38 = arith.constant 576 : i32
    %add3A_39 = arith.addi %mul3A_2, %add3A_38 : i32
    %run_scoped3A_40 = arith.constant 0 : i32
    "tpu.region"() ({
      %run_scoped3A_56 = tpu.sem_alloc : memref<!tpu.dma_semaphore, #tpu.memory_space<semaphore_mem>>
      %dma_start3A = arith.constant 0 : i32
      %dma_start3A_57 = arith.constant 0 : i32
      %dma_start3A_58 = tpu.memref_slice %arg9[%run_scoped3A_40, %dma_start3A, %dma_start3A_57] : memref<4x64x128xf32, #tpu.memory_space<vmem>> -> memref<1x64x128xf32, #tpu.memory_space<vmem>>
      %dma_start3A_59 = tpu.memref_squeeze %dma_start3A_58 : memref<1x64x128xf32, #tpu.memory_space<vmem>> -> memref<64x128xf32, #tpu.memory_space<vmem>>
      %dma_start3A_60 = arith.constant 0 : i32
      %dma_start3A_61 = tpu.memref_slice %arg11[%add3A_39, %dma_start3A_60] : memref<10240x128xf32, #tpu.memory_space<vmem_shared>> -> memref<64x128xf32, #tpu.memory_space<vmem_shared>>
      %dma_start3A_62 = arith.constant 0 : i32
      %dma_start3A_63 = tpu.memref_slice %arg11[%add3A_39, %dma_start3A_62] : memref<10240x128xf32, #tpu.memory_space<vmem_shared>> -> memref<64x128xf32, #tpu.memory_space<vmem_shared>>
      %dma_start3A_64 = arith.constant 0 : i32
      %dma_start3A_65 = arith.constant 0 : i32
      %dma_start3A_66 = tpu.memref_slice %arg9[%run_scoped3A_40, %dma_start3A_64, %dma_start3A_65] : memref<4x64x128xf32, #tpu.memory_space<vmem>> -> memref<1x64x128xf32, #tpu.memory_space<vmem>>
      %dma_start3A_67 = tpu.memref_squeeze %dma_start3A_66 : memref<1x64x128xf32, #tpu.memory_space<vmem>> -> memref<64x128xf32, #tpu.memory_space<vmem>>
      tpu.enqueue_dma source(%dma_start3A_67 : memref<64x128xf32, #tpu.memory_space<vmem>>) target(%dma_start3A_63 : memref<64x128xf32, #tpu.memory_space<vmem_shared>>) target_semaphore(%run_scoped3A_56 : memref<!tpu.dma_semaphore, #tpu.memory_space<semaphore_mem>>)
      %dma_wait3A = arith.constant 0 : i32
      %dma_wait3A_68 = arith.constant 0 : i32
      %dma_wait3A_69 = tpu.memref_slice %arg9[%run_scoped3A_40, %dma_wait3A, %dma_wait3A_68] : memref<4x64x128xf32, #tpu.memory_space<vmem>> -> memref<1x64x128xf32, #tpu.memory_space<vmem>>
      %dma_wait3A_70 = tpu.memref_squeeze %dma_wait3A_69 : memref<1x64x128xf32, #tpu.memory_space<vmem>> -> memref<64x128xf32, #tpu.memory_space<vmem>>
      %dma_wait3A_71 = arith.constant 0 : i32
      %dma_wait3A_72 = tpu.memref_slice %arg11[%add3A_39, %dma_wait3A_71] : memref<10240x128xf32, #tpu.memory_space<vmem_shared>> -> memref<64x128xf32, #tpu.memory_space<vmem_shared>>
      %dma_wait3A_73 = arith.constant 0 : i32
      %dma_wait3A_74 = tpu.memref_slice %arg11[%add3A_39, %dma_wait3A_73] : memref<10240x128xf32, #tpu.memory_space<vmem_shared>> -> memref<64x128xf32, #tpu.memory_space<vmem_shared>>
      %dma_wait3A_75 = arith.constant 0 : i32
      %dma_wait3A_76 = arith.constant 0 : i32
      %dma_wait3A_77 = tpu.memref_slice %arg9[%run_scoped3A_40, %dma_wait3A_75, %dma_wait3A_76] : memref<4x64x128xf32, #tpu.memory_space<vmem>> -> memref<1x64x128xf32, #tpu.memory_space<vmem>>
      %dma_wait3A_78 = tpu.memref_squeeze %dma_wait3A_77 : memref<1x64x128xf32, #tpu.memory_space<vmem>> -> memref<64x128xf32, #tpu.memory_space<vmem>>
      tpu.wait_dma2 semaphore(%run_scoped3A_56 : memref<!tpu.dma_semaphore, #tpu.memory_space<semaphore_mem>>) src(%dma_wait3A_78 : memref<64x128xf32, #tpu.memory_space<vmem>>) dst(%dma_wait3A_74 : memref<64x128xf32, #tpu.memory_space<vmem_shared>>)
      tpu.yield
    }) : () -> ()
    %barrier3A = arith.constant 0 : index
    tpu.barrier barrier_id(%barrier3A)
    %mul3A_41 = arith.constant 160 : i32
    %mul3A_42 = arith.muli %add3A, %mul3A_41 : i32
    %broadcast_in_dim3A = arith.constant 1.000000e+00 : f32
    %broadcast_in_dim3A_43 = vector.broadcast %broadcast_in_dim3A : f32 to vector<16xf32>
    %scan3A_44 = arith.constant 0 : i32
    %scan3A_45 = arith.constant 10 : i32
    %scan3A_46 = arith.addi %scan3A_44, %scan3A_45 : i32
    %scan3A_47 = arith.constant 1 : i32
    scf.for %scan3A_56 = %scan3A_44 to %scan3A_46 step %scan3A_47  : i32 {
      %mul3A_57 = arith.constant 1 : i32
      %mul3A_58 = arith.muli %scan3A_56, %mul3A_57 : i32
      %add3A_59 = arith.constant 0 : i32
      %add3A_60 = arith.addi %add3A_59, %mul3A_58 : i32
      %mul3A_61 = arith.constant 16 : i32
      %mul3A_62 = arith.muli %add3A_60, %mul3A_61 : i32
      %add3A_63 = arith.addi %mul3A_42, %mul3A_62 : i32
      %multiple_of3A_64 = tpu.assume_multiple %add3A_63, 8 : i32
      "tpu.region"() ({
        %run_scoped3A_280 = tpu.sem_alloc : memref<!tpu.dma_semaphore, #tpu.memory_space<semaphore_mem>>
        %dma_start3A_281 = arith.constant 0 : i32
        %dma_start3A_282 = tpu.memref_slice %arg3[%multiple_of3A_64, %dma_start3A_281] : memref<5120x64xi32, #tpu.memory_space<hbm>> -> memref<16x64xi32, #tpu.memory_space<hbm>>
        %dma_start3A_283 = arith.constant 0 : i32
        %dma_start3A_284 = tpu.memref_slice %arg3[%multiple_of3A_64, %dma_start3A_283] : memref<5120x64xi32, #tpu.memory_space<hbm>> -> memref<16x64xi32, #tpu.memory_space<hbm>>
        tpu.enqueue_dma source(%dma_start3A_284 : memref<16x64xi32, #tpu.memory_space<hbm>>) target(%arg7 : memref<16x64xi32, #tpu.memory_space<vmem>>) target_semaphore(%run_scoped3A_280 : memref<!tpu.dma_semaphore, #tpu.memory_space<semaphore_mem>>)
        %dma_wait3A_285 = arith.constant 0 : i32
        %dma_wait3A_286 = tpu.memref_slice %arg3[%multiple_of3A_64, %dma_wait3A_285] : memref<5120x64xi32, #tpu.memory_space<hbm>> -> memref<16x64xi32, #tpu.memory_space<hbm>>
        %dma_wait3A_287 = arith.constant 0 : i32
        %dma_wait3A_288 = tpu.memref_slice %arg3[%multiple_of3A_64, %dma_wait3A_287] : memref<5120x64xi32, #tpu.memory_space<hbm>> -> memref<16x64xi32, #tpu.memory_space<hbm>>
        tpu.wait_dma2 semaphore(%run_scoped3A_280 : memref<!tpu.dma_semaphore, #tpu.memory_space<semaphore_mem>>) src(%dma_wait3A_288 : memref<16x64xi32, #tpu.memory_space<hbm>>) dst(%arg7 : memref<16x64xi32, #tpu.memory_space<vmem>>)
        tpu.yield
      }) : () -> ()
      "tpu.region"() ({
        %run_scoped3A_280 = tpu.sem_alloc : memref<!tpu.dma_semaphore, #tpu.memory_space<semaphore_mem>>
        %dma_start3A_281 = arith.constant 0 : i32
        %dma_start3A_282 = tpu.memref_slice %arg4[%multiple_of3A_64, %dma_start3A_281] : memref<5120x64xi32, #tpu.memory_space<hbm>> -> memref<16x64xi32, #tpu.memory_space<hbm>>
        %dma_start3A_283 = arith.constant 0 : i32
        %dma_start3A_284 = tpu.memref_slice %arg4[%multiple_of3A_64, %dma_start3A_283] : memref<5120x64xi32, #tpu.memory_space<hbm>> -> memref<16x64xi32, #tpu.memory_space<hbm>>
        tpu.enqueue_dma source(%dma_start3A_284 : memref<16x64xi32, #tpu.memory_space<hbm>>) target(%arg8 : memref<16x64xi32, #tpu.memory_space<vmem>>) target_semaphore(%run_scoped3A_280 : memref<!tpu.dma_semaphore, #tpu.memory_space<semaphore_mem>>)
        %dma_wait3A_285 = arith.constant 0 : i32
        %dma_wait3A_286 = tpu.memref_slice %arg4[%multiple_of3A_64, %dma_wait3A_285] : memref<5120x64xi32, #tpu.memory_space<hbm>> -> memref<16x64xi32, #tpu.memory_space<hbm>>
        %dma_wait3A_287 = arith.constant 0 : i32
        %dma_wait3A_288 = tpu.memref_slice %arg4[%multiple_of3A_64, %dma_wait3A_287] : memref<5120x64xi32, #tpu.memory_space<hbm>> -> memref<16x64xi32, #tpu.memory_space<hbm>>
        tpu.wait_dma2 semaphore(%run_scoped3A_280 : memref<!tpu.dma_semaphore, #tpu.memory_space<semaphore_mem>>) src(%dma_wait3A_288 : memref<16x64xi32, #tpu.memory_space<hbm>>) dst(%arg8 : memref<16x64xi32, #tpu.memory_space<vmem>>)
        tpu.yield
      }) : () -> ()
      %dma_start3A = arith.constant 0 : i32
      %dma_start3A_65 = arith.constant 0 : i32
      %dma_start3A_66 = arith.constant 0 : i32
      %dma_start3A_67 = arith.constant 0 : i32
      %dma_start3A_68 = tpu.memref_slice %arg9[%dma_start3A_65, %dma_start3A_66, %dma_start3A_67] : memref<4x64x128xf32, #tpu.memory_space<vmem>> -> memref<1x64x128xf32, #tpu.memory_space<vmem>>
      %dma_start3A_69 = tpu.memref_squeeze %dma_start3A_68 : memref<1x64x128xf32, #tpu.memory_space<vmem>> -> memref<64x128xf32, #tpu.memory_space<vmem>>
      %dma_start3A_70 = arith.constant 0 : i32
      %dma_start3A_71 = tpu.memref_slice %arg7[%dma_start3A, %dma_start3A_70] : memref<16x64xi32, #tpu.memory_space<vmem>> -> memref<1x64xi32, #tpu.memory_space<vmem>>
      %dma_start3A_72 = tpu.memref_squeeze %dma_start3A_71 : memref<1x64xi32, #tpu.memory_space<vmem>> -> memref<64xi32, #tpu.memory_space<vmem>>
      %dma_start3A_73 = arith.constant 0 : i32
      %dma_start3A_74 = arith.constant 0 : i32
      %dma_start3A_75 = tpu.memref_slice %arg2[%dma_start3A_73, %dma_start3A_74] : memref<10000x128xf32, #tpu.memory_space<hbm>> -> memref<10000x128xf32, #tpu.memory_space<hbm>>
      tpu.enqueue_indirect_dma source(%dma_start3A_75 : memref<10000x128xf32, #tpu.memory_space<hbm>>) target(%dma_start3A_69 : memref<64x128xf32, #tpu.memory_space<vmem>>) offsets(%dma_start3A_72 : memref<64xi32, #tpu.memory_space<vmem>>) semaphore(%arg12 : memref<!tpu.dma_semaphore, #tpu.memory_space<semaphore_mem>>)
      %dma_start3A_76 = arith.constant 1 : i32
      %dma_start3A_77 = arith.constant 1 : i32
      %dma_start3A_78 = arith.constant 0 : i32
      %dma_start3A_79 = arith.constant 0 : i32
      %dma_start3A_80 = tpu.memref_slice %arg9[%dma_start3A_77, %dma_start3A_78, %dma_start3A_79] : memref<4x64x128xf32, #tpu.memory_space<vmem>> -> memref<1x64x128xf32, #tpu.memory_space<vmem>>
      %dma_start3A_81 = tpu.memref_squeeze %dma_start3A_80 : memref<1x64x128xf32, #tpu.memory_space<vmem>> -> memref<64x128xf32, #tpu.memory_space<vmem>>
      %dma_start3A_82 = arith.constant 0 : i32
      %dma_start3A_83 = tpu.memref_slice %arg7[%dma_start3A_76, %dma_start3A_82] : memref<16x64xi32, #tpu.memory_space<vmem>> -> memref<1x64xi32, #tpu.memory_space<vmem>>
      %dma_start3A_84 = tpu.memref_squeeze %dma_start3A_83 : memref<1x64xi32, #tpu.memory_space<vmem>> -> memref<64xi32, #tpu.memory_space<vmem>>
      %dma_start3A_85 = arith.constant 0 : i32
      %dma_start3A_86 = arith.constant 0 : i32
      %dma_start3A_87 = tpu.memref_slice %arg2[%dma_start3A_85, %dma_start3A_86] : memref<10000x128xf32, #tpu.memory_space<hbm>> -> memref<10000x128xf32, #tpu.memory_space<hbm>>
      tpu.enqueue_indirect_dma source(%dma_start3A_87 : memref<10000x128xf32, #tpu.memory_space<hbm>>) target(%dma_start3A_81 : memref<64x128xf32, #tpu.memory_space<vmem>>) offsets(%dma_start3A_84 : memref<64xi32, #tpu.memory_space<vmem>>) semaphore(%arg13 : memref<!tpu.dma_semaphore, #tpu.memory_space<semaphore_mem>>)
      %dma_start3A_88 = arith.constant 2 : i32
      %dma_start3A_89 = arith.constant 2 : i32
      %dma_start3A_90 = arith.constant 0 : i32
      %dma_start3A_91 = arith.constant 0 : i32
      %dma_start3A_92 = tpu.memref_slice %arg9[%dma_start3A_89, %dma_start3A_90, %dma_start3A_91] : memref<4x64x128xf32, #tpu.memory_space<vmem>> -> memref<1x64x128xf32, #tpu.memory_space<vmem>>
      %dma_start3A_93 = tpu.memref_squeeze %dma_start3A_92 : memref<1x64x128xf32, #tpu.memory_space<vmem>> -> memref<64x128xf32, #tpu.memory_space<vmem>>
      %dma_start3A_94 = arith.constant 0 : i32
      %dma_start3A_95 = tpu.memref_slice %arg7[%dma_start3A_88, %dma_start3A_94] : memref<16x64xi32, #tpu.memory_space<vmem>> -> memref<1x64xi32, #tpu.memory_space<vmem>>
      %dma_start3A_96 = tpu.memref_squeeze %dma_start3A_95 : memref<1x64xi32, #tpu.memory_space<vmem>> -> memref<64xi32, #tpu.memory_space<vmem>>
      %dma_start3A_97 = arith.constant 0 : i32
      %dma_start3A_98 = arith.constant 0 : i32
      %dma_start3A_99 = tpu.memref_slice %arg2[%dma_start3A_97, %dma_start3A_98] : memref<10000x128xf32, #tpu.memory_space<hbm>> -> memref<10000x128xf32, #tpu.memory_space<hbm>>
      tpu.enqueue_indirect_dma source(%dma_start3A_99 : memref<10000x128xf32, #tpu.memory_space<hbm>>) target(%dma_start3A_93 : memref<64x128xf32, #tpu.memory_space<vmem>>) offsets(%dma_start3A_96 : memref<64xi32, #tpu.memory_space<vmem>>) semaphore(%arg14 : memref<!tpu.dma_semaphore, #tpu.memory_space<semaphore_mem>>)
      %dma_start3A_100 = arith.constant 3 : i32
      %dma_start3A_101 = arith.constant 3 : i32
      %dma_start3A_102 = arith.constant 0 : i32
      %dma_start3A_103 = arith.constant 0 : i32
      %dma_start3A_104 = tpu.memref_slice %arg9[%dma_start3A_101, %dma_start3A_102, %dma_start3A_103] : memref<4x64x128xf32, #tpu.memory_space<vmem>> -> memref<1x64x128xf32, #tpu.memory_space<vmem>>
      %dma_start3A_105 = tpu.memref_squeeze %dma_start3A_104 : memref<1x64x128xf32, #tpu.memory_space<vmem>> -> memref<64x128xf32, #tpu.memory_space<vmem>>
      %dma_start3A_106 = arith.constant 0 : i32
      %dma_start3A_107 = tpu.memref_slice %arg7[%dma_start3A_100, %dma_start3A_106] : memref<16x64xi32, #tpu.memory_space<vmem>> -> memref<1x64xi32, #tpu.memory_space<vmem>>
      %dma_start3A_108 = tpu.memref_squeeze %dma_start3A_107 : memref<1x64xi32, #tpu.memory_space<vmem>> -> memref<64xi32, #tpu.memory_space<vmem>>
      %dma_start3A_109 = arith.constant 0 : i32
      %dma_start3A_110 = arith.constant 0 : i32
      %dma_start3A_111 = tpu.memref_slice %arg2[%dma_start3A_109, %dma_start3A_110] : memref<10000x128xf32, #tpu.memory_space<hbm>> -> memref<10000x128xf32, #tpu.memory_space<hbm>>
      tpu.enqueue_indirect_dma source(%dma_start3A_111 : memref<10000x128xf32, #tpu.memory_space<hbm>>) target(%dma_start3A_105 : memref<64x128xf32, #tpu.memory_space<vmem>>) offsets(%dma_start3A_108 : memref<64xi32, #tpu.memory_space<vmem>>) semaphore(%arg15 : memref<!tpu.dma_semaphore, #tpu.memory_space<semaphore_mem>>)
      %scan3A_112 = arith.constant 0 : i32
      %scan3A_113 = arith.constant 3 : i32
      %scan3A_114 = arith.addi %scan3A_112, %scan3A_113 : i32
      %scan3A_115 = arith.constant 1 : i32
      scf.for %scan3A_280 = %scan3A_112 to %scan3A_114 step %scan3A_115  : i32 {
        %mul3A_281 = arith.constant 1 : i32
        %mul3A_282 = arith.muli %scan3A_280, %mul3A_281 : i32
        %add3A_283 = arith.constant 0 : i32
        %add3A_284 = arith.addi %add3A_283, %mul3A_282 : i32
        %mul3A_285 = arith.constant 4 : i32
        %mul3A_286 = arith.muli %add3A_284, %mul3A_285 : i32
        %add3A_287 = arith.constant 0 : i32
        %add3A_288 = arith.addi %mul3A_286, %add3A_287 : i32
        %dma_wait3A_289 = arith.constant 0 : i32
        %dma_wait3A_290 = arith.constant 0 : i32
        %dma_wait3A_291 = arith.constant 0 : i32
        %dma_wait3A_292 = tpu.memref_slice %arg9[%dma_wait3A_289, %dma_wait3A_290, %dma_wait3A_291] : memref<4x64x128xf32, #tpu.memory_space<vmem>> -> memref<1x64x128xf32, #tpu.memory_space<vmem>>
        %dma_wait3A_293 = tpu.memref_squeeze %dma_wait3A_292 : memref<1x64x128xf32, #tpu.memory_space<vmem>> -> memref<64x128xf32, #tpu.memory_space<vmem>>
        %dma_wait3A_294 = arith.constant 0 : i32
        %dma_wait3A_295 = tpu.memref_slice %arg7[%add3A_288, %dma_wait3A_294] : memref<16x64xi32, #tpu.memory_space<vmem>> -> memref<1x64xi32, #tpu.memory_space<vmem>>
        %dma_wait3A_296 = tpu.memref_squeeze %dma_wait3A_295 : memref<1x64xi32, #tpu.memory_space<vmem>> -> memref<64xi32, #tpu.memory_space<vmem>>
        %dma_wait3A_297 = arith.constant 0 : i32
        %dma_wait3A_298 = arith.constant 0 : i32
        %dma_wait3A_299 = tpu.memref_slice %arg2[%dma_wait3A_297, %dma_wait3A_298] : memref<10000x128xf32, #tpu.memory_space<hbm>> -> memref<10000x128xf32, #tpu.memory_space<hbm>>
        tpu.wait_indirect_dma semaphore(%arg12 : memref<!tpu.dma_semaphore, #tpu.memory_space<semaphore_mem>>) src(%dma_wait3A_299 : memref<10000x128xf32, #tpu.memory_space<hbm>>) dst(%dma_wait3A_293 : memref<64x128xf32, #tpu.memory_space<vmem>>)
        %add3A_300 = arith.constant 0 : i32
        %add3A_301 = arith.addi %mul3A_286, %add3A_300 : i32
        %dma_start3A_302 = arith.constant 0 : i32
        %dma_start3A_303 = arith.constant 0 : i32
        %dma_start3A_304 = arith.constant 0 : i32
        %dma_start3A_305 = tpu.memref_slice %arg9[%dma_start3A_302, %dma_start3A_303, %dma_start3A_304] : memref<4x64x128xf32, #tpu.memory_space<vmem>> -> memref<1x64x128xf32, #tpu.memory_space<vmem>>
        %dma_start3A_306 = tpu.memref_squeeze %dma_start3A_305 : memref<1x64x128xf32, #tpu.memory_space<vmem>> -> memref<64x128xf32, #tpu.memory_space<vmem>>
        %dma_start3A_307 = arith.constant 0 : i32
        %dma_start3A_308 = tpu.memref_slice %arg8[%add3A_301, %dma_start3A_307] : memref<16x64xi32, #tpu.memory_space<vmem>> -> memref<1x64xi32, #tpu.memory_space<vmem>>
        %dma_start3A_309 = tpu.memref_squeeze %dma_start3A_308 : memref<1x64xi32, #tpu.memory_space<vmem>> -> memref<64xi32, #tpu.memory_space<vmem>>
        %dma_start3A_310 = arith.constant 0 : i32
        %dma_start3A_311 = arith.constant 0 : i32
        %dma_start3A_312 = tpu.memref_slice %arg11[%dma_start3A_310, %dma_start3A_311] : memref<10240x128xf32, #tpu.memory_space<vmem_shared>> -> memref<10240x128xf32, #tpu.memory_space<vmem_shared>>
        tpu.enqueue_indirect_dma source(%dma_start3A_306 : memref<64x128xf32, #tpu.memory_space<vmem>>) target(%dma_start3A_312 : memref<10240x128xf32, #tpu.memory_space<vmem_shared>>) offsets(%dma_start3A_309 : memref<64xi32, #tpu.memory_space<vmem>>) semaphore(%arg16 : memref<!tpu.dma_semaphore, #tpu.memory_space<semaphore_mem>>) {add = true}
        %add3A_313 = arith.constant 1 : i32
        %add3A_314 = arith.addi %mul3A_286, %add3A_313 : i32
        %dma_wait3A_315 = arith.constant 1 : i32
        %dma_wait3A_316 = arith.constant 0 : i32
        %dma_wait3A_317 = arith.constant 0 : i32
        %dma_wait3A_318 = tpu.memref_slice %arg9[%dma_wait3A_315, %dma_wait3A_316, %dma_wait3A_317] : memref<4x64x128xf32, #tpu.memory_space<vmem>> -> memref<1x64x128xf32, #tpu.memory_space<vmem>>
        %dma_wait3A_319 = tpu.memref_squeeze %dma_wait3A_318 : memref<1x64x128xf32, #tpu.memory_space<vmem>> -> memref<64x128xf32, #tpu.memory_space<vmem>>
        %dma_wait3A_320 = arith.constant 0 : i32
        %dma_wait3A_321 = tpu.memref_slice %arg7[%add3A_314, %dma_wait3A_320] : memref<16x64xi32, #tpu.memory_space<vmem>> -> memref<1x64xi32, #tpu.memory_space<vmem>>
        %dma_wait3A_322 = tpu.memref_squeeze %dma_wait3A_321 : memref<1x64xi32, #tpu.memory_space<vmem>> -> memref<64xi32, #tpu.memory_space<vmem>>
        %dma_wait3A_323 = arith.constant 0 : i32
        %dma_wait3A_324 = arith.constant 0 : i32
        %dma_wait3A_325 = tpu.memref_slice %arg2[%dma_wait3A_323, %dma_wait3A_324] : memref<10000x128xf32, #tpu.memory_space<hbm>> -> memref<10000x128xf32, #tpu.memory_space<hbm>>
        tpu.wait_indirect_dma semaphore(%arg13 : memref<!tpu.dma_semaphore, #tpu.memory_space<semaphore_mem>>) src(%dma_wait3A_325 : memref<10000x128xf32, #tpu.memory_space<hbm>>) dst(%dma_wait3A_319 : memref<64x128xf32, #tpu.memory_space<vmem>>)
        %add3A_326 = arith.constant 1 : i32
        %add3A_327 = arith.addi %mul3A_286, %add3A_326 : i32
        %dma_start3A_328 = arith.constant 1 : i32
        %dma_start3A_329 = arith.constant 0 : i32
        %dma_start3A_330 = arith.constant 0 : i32
        %dma_start3A_331 = tpu.memref_slice %arg9[%dma_start3A_328, %dma_start3A_329, %dma_start3A_330] : memref<4x64x128xf32, #tpu.memory_space<vmem>> -> memref<1x64x128xf32, #tpu.memory_space<vmem>>
        %dma_start3A_332 = tpu.memref_squeeze %dma_start3A_331 : memref<1x64x128xf32, #tpu.memory_space<vmem>> -> memref<64x128xf32, #tpu.memory_space<vmem>>
        %dma_start3A_333 = arith.constant 0 : i32
        %dma_start3A_334 = tpu.memref_slice %arg8[%add3A_327, %dma_start3A_333] : memref<16x64xi32, #tpu.memory_space<vmem>> -> memref<1x64xi32, #tpu.memory_space<vmem>>
        %dma_start3A_335 = tpu.memref_squeeze %dma_start3A_334 : memref<1x64xi32, #tpu.memory_space<vmem>> -> memref<64xi32, #tpu.memory_space<vmem>>
        %dma_start3A_336 = arith.constant 0 : i32
        %dma_start3A_337 = arith.constant 0 : i32
        %dma_start3A_338 = tpu.memref_slice %arg11[%dma_start3A_336, %dma_start3A_337] : memref<10240x128xf32, #tpu.memory_space<vmem_shared>> -> memref<10240x128xf32, #tpu.memory_space<vmem_shared>>
        tpu.enqueue_indirect_dma source(%dma_start3A_332 : memref<64x128xf32, #tpu.memory_space<vmem>>) target(%dma_start3A_338 : memref<10240x128xf32, #tpu.memory_space<vmem_shared>>) offsets(%dma_start3A_335 : memref<64xi32, #tpu.memory_space<vmem>>) semaphore(%arg17 : memref<!tpu.dma_semaphore, #tpu.memory_space<semaphore_mem>>) {add = true}
        %add3A_339 = arith.constant 2 : i32
        %add3A_340 = arith.addi %mul3A_286, %add3A_339 : i32
        %dma_wait3A_341 = arith.constant 2 : i32
        %dma_wait3A_342 = arith.constant 0 : i32
        %dma_wait3A_343 = arith.constant 0 : i32
        %dma_wait3A_344 = tpu.memref_slice %arg9[%dma_wait3A_341, %dma_wait3A_342, %dma_wait3A_343] : memref<4x64x128xf32, #tpu.memory_space<vmem>> -> memref<1x64x128xf32, #tpu.memory_space<vmem>>
        %dma_wait3A_345 = tpu.memref_squeeze %dma_wait3A_344 : memref<1x64x128xf32, #tpu.memory_space<vmem>> -> memref<64x128xf32, #tpu.memory_space<vmem>>
        %dma_wait3A_346 = arith.constant 0 : i32
        %dma_wait3A_347 = tpu.memref_slice %arg7[%add3A_340, %dma_wait3A_346] : memref<16x64xi32, #tpu.memory_space<vmem>> -> memref<1x64xi32, #tpu.memory_space<vmem>>
        %dma_wait3A_348 = tpu.memref_squeeze %dma_wait3A_347 : memref<1x64xi32, #tpu.memory_space<vmem>> -> memref<64xi32, #tpu.memory_space<vmem>>
        %dma_wait3A_349 = arith.constant 0 : i32
        %dma_wait3A_350 = arith.constant 0 : i32
        %dma_wait3A_351 = tpu.memref_slice %arg2[%dma_wait3A_349, %dma_wait3A_350] : memref<10000x128xf32, #tpu.memory_space<hbm>> -> memref<10000x128xf32, #tpu.memory_space<hbm>>
        tpu.wait_indirect_dma semaphore(%arg14 : memref<!tpu.dma_semaphore, #tpu.memory_space<semaphore_mem>>) src(%dma_wait3A_351 : memref<10000x128xf32, #tpu.memory_space<hbm>>) dst(%dma_wait3A_345 : memref<64x128xf32, #tpu.memory_space<vmem>>)
        %add3A_352 = arith.constant 2 : i32
        %add3A_353 = arith.addi %mul3A_286, %add3A_352 : i32
        %dma_start3A_354 = arith.constant 2 : i32
        %dma_start3A_355 = arith.constant 0 : i32
        %dma_start3A_356 = arith.constant 0 : i32
        %dma_start3A_357 = tpu.memref_slice %arg9[%dma_start3A_354, %dma_start3A_355, %dma_start3A_356] : memref<4x64x128xf32, #tpu.memory_space<vmem>> -> memref<1x64x128xf32, #tpu.memory_space<vmem>>
        %dma_start3A_358 = tpu.memref_squeeze %dma_start3A_357 : memref<1x64x128xf32, #tpu.memory_space<vmem>> -> memref<64x128xf32, #tpu.memory_space<vmem>>
        %dma_start3A_359 = arith.constant 0 : i32
        %dma_start3A_360 = tpu.memref_slice %arg8[%add3A_353, %dma_start3A_359] : memref<16x64xi32, #tpu.memory_space<vmem>> -> memref<1x64xi32, #tpu.memory_space<vmem>>
        %dma_start3A_361 = tpu.memref_squeeze %dma_start3A_360 : memref<1x64xi32, #tpu.memory_space<vmem>> -> memref<64xi32, #tpu.memory_space<vmem>>
        %dma_start3A_362 = arith.constant 0 : i32
        %dma_start3A_363 = arith.constant 0 : i32
        %dma_start3A_364 = tpu.memref_slice %arg11[%dma_start3A_362, %dma_start3A_363] : memref<10240x128xf32, #tpu.memory_space<vmem_shared>> -> memref<10240x128xf32, #tpu.memory_space<vmem_shared>>
        tpu.enqueue_indirect_dma source(%dma_start3A_358 : memref<64x128xf32, #tpu.memory_space<vmem>>) target(%dma_start3A_364 : memref<10240x128xf32, #tpu.memory_space<vmem_shared>>) offsets(%dma_start3A_361 : memref<64xi32, #tpu.memory_space<vmem>>) semaphore(%arg18 : memref<!tpu.dma_semaphore, #tpu.memory_space<semaphore_mem>>) {add = true}
        %add3A_365 = arith.constant 3 : i32
        %add3A_366 = arith.addi %mul3A_286, %add3A_365 : i32
        %dma_wait3A_367 = arith.constant 3 : i32
        %dma_wait3A_368 = arith.constant 0 : i32
        %dma_wait3A_369 = arith.constant 0 : i32
        %dma_wait3A_370 = tpu.memref_slice %arg9[%dma_wait3A_367, %dma_wait3A_368, %dma_wait3A_369] : memref<4x64x128xf32, #tpu.memory_space<vmem>> -> memref<1x64x128xf32, #tpu.memory_space<vmem>>
        %dma_wait3A_371 = tpu.memref_squeeze %dma_wait3A_370 : memref<1x64x128xf32, #tpu.memory_space<vmem>> -> memref<64x128xf32, #tpu.memory_space<vmem>>
        %dma_wait3A_372 = arith.constant 0 : i32
        %dma_wait3A_373 = tpu.memref_slice %arg7[%add3A_366, %dma_wait3A_372] : memref<16x64xi32, #tpu.memory_space<vmem>> -> memref<1x64xi32, #tpu.memory_space<vmem>>
        %dma_wait3A_374 = tpu.memref_squeeze %dma_wait3A_373 : memref<1x64xi32, #tpu.memory_space<vmem>> -> memref<64xi32, #tpu.memory_space<vmem>>
        %dma_wait3A_375 = arith.constant 0 : i32
        %dma_wait3A_376 = arith.constant 0 : i32
        %dma_wait3A_377 = tpu.memref_slice %arg2[%dma_wait3A_375, %dma_wait3A_376] : memref<10000x128xf32, #tpu.memory_space<hbm>> -> memref<10000x128xf32, #tpu.memory_space<hbm>>
        tpu.wait_indirect_dma semaphore(%arg15 : memref<!tpu.dma_semaphore, #tpu.memory_space<semaphore_mem>>) src(%dma_wait3A_377 : memref<10000x128xf32, #tpu.memory_space<hbm>>) dst(%dma_wait3A_371 : memref<64x128xf32, #tpu.memory_space<vmem>>)
        %add3A_378 = arith.constant 3 : i32
        %add3A_379 = arith.addi %mul3A_286, %add3A_378 : i32
        %dma_start3A_380 = arith.constant 3 : i32
        %dma_start3A_381 = arith.constant 0 : i32
        %dma_start3A_382 = arith.constant 0 : i32
        %dma_start3A_383 = tpu.memref_slice %arg9[%dma_start3A_380, %dma_start3A_381, %dma_start3A_382] : memref<4x64x128xf32, #tpu.memory_space<vmem>> -> memref<1x64x128xf32, #tpu.memory_space<vmem>>
        %dma_start3A_384 = tpu.memref_squeeze %dma_start3A_383 : memref<1x64x128xf32, #tpu.memory_space<vmem>> -> memref<64x128xf32, #tpu.memory_space<vmem>>
        %dma_start3A_385 = arith.constant 0 : i32
        %dma_start3A_386 = tpu.memref_slice %arg8[%add3A_379, %dma_start3A_385] : memref<16x64xi32, #tpu.memory_space<vmem>> -> memref<1x64xi32, #tpu.memory_space<vmem>>
        %dma_start3A_387 = tpu.memref_squeeze %dma_start3A_386 : memref<1x64xi32, #tpu.memory_space<vmem>> -> memref<64xi32, #tpu.memory_space<vmem>>
        %dma_start3A_388 = arith.constant 0 : i32
        %dma_start3A_389 = arith.constant 0 : i32
        %dma_start3A_390 = tpu.memref_slice %arg11[%dma_start3A_388, %dma_start3A_389] : memref<10240x128xf32, #tpu.memory_space<vmem_shared>> -> memref<10240x128xf32, #tpu.memory_space<vmem_shared>>
        tpu.enqueue_indirect_dma source(%dma_start3A_384 : memref<64x128xf32, #tpu.memory_space<vmem>>) target(%dma_start3A_390 : memref<10240x128xf32, #tpu.memory_space<vmem_shared>>) offsets(%dma_start3A_387 : memref<64xi32, #tpu.memory_space<vmem>>) semaphore(%arg19 : memref<!tpu.dma_semaphore, #tpu.memory_space<semaphore_mem>>) {add = true}
        %add3A_391 = arith.constant 0 : i32
        %add3A_392 = arith.addi %mul3A_286, %add3A_391 : i32
        %scan3A_393 = arith.constant 0 : i32
        %scan3A_394 = arith.constant 4 : i32
        %scan3A_395 = arith.addi %scan3A_393, %scan3A_394 : i32
        %scan3A_396 = arith.constant 1 : i32
        scf.for %scan3A_531 = %scan3A_393 to %scan3A_395 step %scan3A_396  : i32 {
          %mul3A_532 = arith.constant 16 : i32
          %mul3A_533 = arith.muli %scan3A_531, %mul3A_532 : i32
          %add3A_534 = arith.constant 0 : i32
          %add3A_535 = arith.addi %add3A_534, %mul3A_533 : i32
          %get3A = arith.index_cast %add3A_392 : i32 to index
          %get3A_536 = arith.index_cast %add3A_535 : i32 to index
          %get3A_537 = tpu.vector_load %arg8[%get3A, %get3A_536] {strides = array<i32>} : memref<16x64xi32, #tpu.memory_space<vmem>>, vector<16xi32>,
          %shift_right_logical3A = arith.constant 7 : i32
          %shift_right_logical3A_538 = vector.broadcast %shift_right_logical3A : i32 to vector<16xi32>
          %shift_right_logical3A_539 = arith.shrui %get3A_537, %shift_right_logical3A_538 : vector<16xi32>
          %and3A = arith.constant 127 : i32
          %and3A_540 = vector.broadcast %and3A : i32 to vector<16xi32>
          %and3A_541 = arith.andi %get3A_537, %and3A_540 : vector<16xi32>
          tpu.vector_store_idx %arg10[%shift_right_logical3A_539, %and3A_541], %broadcast_in_dim3A_43 {add = true} : memref<80x128xf32, #tpu.memory_space<vmem>>[vector<16xi32>, vector<16xi32>], vector<16xf32>,
        }
        %scan3A_397 = arith.constant 4 : i32
        %add3A_398 = arith.constant 1 : i32
        %add3A_399 = arith.addi %mul3A_286, %add3A_398 : i32
        %scan3A_400 = arith.constant 0 : i32
        %scan3A_401 = arith.constant 4 : i32
        %scan3A_402 = arith.addi %scan3A_400, %scan3A_401 : i32
        %scan3A_403 = arith.constant 1 : i32
        scf.for %scan3A_531 = %scan3A_400 to %scan3A_402 step %scan3A_403  : i32 {
          %mul3A_532 = arith.constant 16 : i32
          %mul3A_533 = arith.muli %scan3A_531, %mul3A_532 : i32
          %add3A_534 = arith.constant 0 : i32
          %add3A_535 = arith.addi %add3A_534, %mul3A_533 : i32
          %get3A = arith.index_cast %add3A_399 : i32 to index
          %get3A_536 = arith.index_cast %add3A_535 : i32 to index
          %get3A_537 = tpu.vector_load %arg8[%get3A, %get3A_536] {strides = array<i32>} : memref<16x64xi32, #tpu.memory_space<vmem>>, vector<16xi32>,
          %shift_right_logical3A = arith.constant 7 : i32
          %shift_right_logical3A_538 = vector.broadcast %shift_right_logical3A : i32 to vector<16xi32>
          %shift_right_logical3A_539 = arith.shrui %get3A_537, %shift_right_logical3A_538 : vector<16xi32>
          %and3A = arith.constant 127 : i32
          %and3A_540 = vector.broadcast %and3A : i32 to vector<16xi32>
          %and3A_541 = arith.andi %get3A_537, %and3A_540 : vector<16xi32>
          tpu.vector_store_idx %arg10[%shift_right_logical3A_539, %and3A_541], %broadcast_in_dim3A_43 {add = true} : memref<80x128xf32, #tpu.memory_space<vmem>>[vector<16xi32>, vector<16xi32>], vector<16xf32>,
        }
        %scan3A_404 = arith.constant 4 : i32
        %add3A_405 = arith.constant 2 : i32
        %add3A_406 = arith.addi %mul3A_286, %add3A_405 : i32
        %scan3A_407 = arith.constant 0 : i32
        %scan3A_408 = arith.constant 4 : i32
        %scan3A_409 = arith.addi %scan3A_407, %scan3A_408 : i32
        %scan3A_410 = arith.constant 1 : i32
        scf.for %scan3A_531 = %scan3A_407 to %scan3A_409 step %scan3A_410  : i32 {
          %mul3A_532 = arith.constant 16 : i32
          %mul3A_533 = arith.muli %scan3A_531, %mul3A_532 : i32
          %add3A_534 = arith.constant 0 : i32
          %add3A_535 = arith.addi %add3A_534, %mul3A_533 : i32
          %get3A = arith.index_cast %add3A_406 : i32 to index
          %get3A_536 = arith.index_cast %add3A_535 : i32 to index
          %get3A_537 = tpu.vector_load %arg8[%get3A, %get3A_536] {strides = array<i32>} : memref<16x64xi32, #tpu.memory_space<vmem>>, vector<16xi32>,
          %shift_right_logical3A = arith.constant 7 : i32
          %shift_right_logical3A_538 = vector.broadcast %shift_right_logical3A : i32 to vector<16xi32>
          %shift_right_logical3A_539 = arith.shrui %get3A_537, %shift_right_logical3A_538 : vector<16xi32>
          %and3A = arith.constant 127 : i32
          %and3A_540 = vector.broadcast %and3A : i32 to vector<16xi32>
          %and3A_541 = arith.andi %get3A_537, %and3A_540 : vector<16xi32>
          tpu.vector_store_idx %arg10[%shift_right_logical3A_539, %and3A_541], %broadcast_in_dim3A_43 {add = true} : memref<80x128xf32, #tpu.memory_space<vmem>>[vector<16xi32>, vector<16xi32>], vector<16xf32>,
        }
        %scan3A_411 = arith.constant 4 : i32
        %add3A_412 = arith.constant 3 : i32
        %add3A_413 = arith.addi %mul3A_286, %add3A_412 : i32
        %scan3A_414 = arith.constant 0 : i32
        %scan3A_415 = arith.constant 4 : i32
        %scan3A_416 = arith.addi %scan3A_414, %scan3A_415 : i32
        %scan3A_417 = arith.constant 1 : i32
        scf.for %scan3A_531 = %scan3A_414 to %scan3A_416 step %scan3A_417  : i32 {
          %mul3A_532 = arith.constant 16 : i32
          %mul3A_533 = arith.muli %scan3A_531, %mul3A_532 : i32
          %add3A_534 = arith.constant 0 : i32
          %add3A_535 = arith.addi %add3A_534, %mul3A_533 : i32
          %get3A = arith.index_cast %add3A_413 : i32 to index
          %get3A_536 = arith.index_cast %add3A_535 : i32 to index
          %get3A_537 = tpu.vector_load %arg8[%get3A, %get3A_536] {strides = array<i32>} : memref<16x64xi32, #tpu.memory_space<vmem>>, vector<16xi32>,
          %shift_right_logical3A = arith.constant 7 : i32
          %shift_right_logical3A_538 = vector.broadcast %shift_right_logical3A : i32 to vector<16xi32>
          %shift_right_logical3A_539 = arith.shrui %get3A_537, %shift_right_logical3A_538 : vector<16xi32>
          %and3A = arith.constant 127 : i32
          %and3A_540 = vector.broadcast %and3A : i32 to vector<16xi32>
          %and3A_541 = arith.andi %get3A_537, %and3A_540 : vector<16xi32>
          tpu.vector_store_idx %arg10[%shift_right_logical3A_539, %and3A_541], %broadcast_in_dim3A_43 {add = true} : memref<80x128xf32, #tpu.memory_space<vmem>>[vector<16xi32>, vector<16xi32>], vector<16xf32>,
        }
        %scan3A_418 = arith.constant 4 : i32
        %add3A_419 = arith.constant 0 : i32
        %add3A_420 = arith.addi %mul3A_286, %add3A_419 : i32
        %dma_wait3A_421 = arith.constant 0 : i32
        %dma_wait3A_422 = arith.constant 0 : i32
        %dma_wait3A_423 = arith.constant 0 : i32
        %dma_wait3A_424 = tpu.memref_slice %arg9[%dma_wait3A_421, %dma_wait3A_422, %dma_wait3A_423] : memref<4x64x128xf32, #tpu.memory_space<vmem>> -> memref<1x64x128xf32, #tpu.memory_space<vmem>>
        %dma_wait3A_425 = tpu.memref_squeeze %dma_wait3A_424 : memref<1x64x128xf32, #tpu.memory_space<vmem>> -> memref<64x128xf32, #tpu.memory_space<vmem>>
        %dma_wait3A_426 = arith.constant 0 : i32
        %dma_wait3A_427 = tpu.memref_slice %arg8[%add3A_420, %dma_wait3A_426] : memref<16x64xi32, #tpu.memory_space<vmem>> -> memref<1x64xi32, #tpu.memory_space<vmem>>
        %dma_wait3A_428 = tpu.memref_squeeze %dma_wait3A_427 : memref<1x64xi32, #tpu.memory_space<vmem>> -> memref<64xi32, #tpu.memory_space<vmem>>
        %dma_wait3A_429 = arith.constant 0 : i32
        %dma_wait3A_430 = arith.constant 0 : i32
        %dma_wait3A_431 = tpu.memref_slice %arg11[%dma_wait3A_429, %dma_wait3A_430] : memref<10240x128xf32, #tpu.memory_space<vmem_shared>> -> memref<10240x128xf32, #tpu.memory_space<vmem_shared>>
        tpu.wait_indirect_dma semaphore(%arg16 : memref<!tpu.dma_semaphore, #tpu.memory_space<semaphore_mem>>) src(%dma_wait3A_425 : memref<64x128xf32, #tpu.memory_space<vmem>>) dst(%dma_wait3A_431 : memref<10240x128xf32, #tpu.memory_space<vmem_shared>>)
        %add3A_432 = arith.constant 4 : i32
        %add3A_433 = arith.addi %mul3A_286, %add3A_432 : i32
        %add3A_434 = arith.constant 0 : i32
        %add3A_435 = arith.addi %add3A_433, %add3A_434 : i32
        %dma_start3A_436 = arith.constant 0 : i32
        %dma_start3A_437 = arith.constant 0 : i32
        %dma_start3A_438 = arith.constant 0 : i32
        %dma_start3A_439 = tpu.memref_slice %arg9[%dma_start3A_436, %dma_start3A_437, %dma_start3A_438] : memref<4x64x128xf32, #tpu.memory_space<vmem>> -> memref<1x64x128xf32, #tpu.memory_space<vmem>>
        %dma_start3A_440 = tpu.memref_squeeze %dma_start3A_439 : memref<1x64x128xf32, #tpu.memory_space<vmem>> -> memref<64x128xf32, #tpu.memory_space<vmem>>
        %dma_start3A_441 = arith.constant 0 : i32
        %dma_start3A_442 = tpu.memref_slice %arg7[%add3A_435, %dma_start3A_441] : memref<16x64xi32, #tpu.memory_space<vmem>> -> memref<1x64xi32, #tpu.memory_space<vmem>>
        %dma_start3A_443 = tpu.memref_squeeze %dma_start3A_442 : memref<1x64xi32, #tpu.memory_space<vmem>> -> memref<64xi32, #tpu.memory_space<vmem>>
        %dma_start3A_444 = arith.constant 0 : i32
        %dma_start3A_445 = arith.constant 0 : i32
        %dma_start3A_446 = tpu.memref_slice %arg2[%dma_start3A_444, %dma_start3A_445] : memref<10000x128xf32, #tpu.memory_space<hbm>> -> memref<10000x128xf32, #tpu.memory_space<hbm>>
        tpu.enqueue_indirect_dma source(%dma_start3A_446 : memref<10000x128xf32, #tpu.memory_space<hbm>>) target(%dma_start3A_440 : memref<64x128xf32, #tpu.memory_space<vmem>>) offsets(%dma_start3A_443 : memref<64xi32, #tpu.memory_space<vmem>>) semaphore(%arg12 : memref<!tpu.dma_semaphore, #tpu.memory_space<semaphore_mem>>)
        %add3A_447 = arith.constant 1 : i32
        %add3A_448 = arith.addi %mul3A_286, %add3A_447 : i32
        %dma_wait3A_449 = arith.constant 1 : i32
        %dma_wait3A_450 = arith.constant 0 : i32
        %dma_wait3A_451 = arith.constant 0 : i32
        %dma_wait3A_452 = tpu.memref_slice %arg9[%dma_wait3A_449, %dma_wait3A_450, %dma_wait3A_451] : memref<4x64x128xf32, #tpu.memory_space<vmem>> -> memref<1x64x128xf32, #tpu.memory_space<vmem>>
        %dma_wait3A_453 = tpu.memref_squeeze %dma_wait3A_452 : memref<1x64x128xf32, #tpu.memory_space<vmem>> -> memref<64x128xf32, #tpu.memory_space<vmem>>
        %dma_wait3A_454 = arith.constant 0 : i32
        %dma_wait3A_455 = tpu.memref_slice %arg8[%add3A_448, %dma_wait3A_454] : memref<16x64xi32, #tpu.memory_space<vmem>> -> memref<1x64xi32, #tpu.memory_space<vmem>>
        %dma_wait3A_456 = tpu.memref_squeeze %dma_wait3A_455 : memref<1x64xi32, #tpu.memory_space<vmem>> -> memref<64xi32, #tpu.memory_space<vmem>>
        %dma_wait3A_457 = arith.constant 0 : i32
        %dma_wait3A_458 = arith.constant 0 : i32
        %dma_wait3A_459 = tpu.memref_slice %arg11[%dma_wait3A_457, %dma_wait3A_458] : memref<10240x128xf32, #tpu.memory_space<vmem_shared>> -> memref<10240x128xf32, #tpu.memory_space<vmem_shared>>
        tpu.wait_indirect_dma semaphore(%arg17 : memref<!tpu.dma_semaphore, #tpu.memory_space<semaphore_mem>>) src(%dma_wait3A_453 : memref<64x128xf32, #tpu.memory_space<vmem>>) dst(%dma_wait3A_459 : memref<10240x128xf32, #tpu.memory_space<vmem_shared>>)
        %add3A_460 = arith.constant 4 : i32
        %add3A_461 = arith.addi %mul3A_286, %add3A_460 : i32
        %add3A_462 = arith.constant 1 : i32
        %add3A_463 = arith.addi %add3A_461, %add3A_462 : i32
        %dma_start3A_464 = arith.constant 1 : i32
        %dma_start3A_465 = arith.constant 0 : i32
        %dma_start3A_466 = arith.constant 0 : i32
        %dma_start3A_467 = tpu.memref_slice %arg9[%dma_start3A_464, %dma_start3A_465, %dma_start3A_466] : memref<4x64x128xf32, #tpu.memory_space<vmem>> -> memref<1x64x128xf32, #tpu.memory_space<vmem>>
        %dma_start3A_468 = tpu.memref_squeeze %dma_start3A_467 : memref<1x64x128xf32, #tpu.memory_space<vmem>> -> memref<64x128xf32, #tpu.memory_space<vmem>>
        %dma_start3A_469 = arith.constant 0 : i32
        %dma_start3A_470 = tpu.memref_slice %arg7[%add3A_463, %dma_start3A_469] : memref<16x64xi32, #tpu.memory_space<vmem>> -> memref<1x64xi32, #tpu.memory_space<vmem>>
        %dma_start3A_471 = tpu.memref_squeeze %dma_start3A_470 : memref<1x64xi32, #tpu.memory_space<vmem>> -> memref<64xi32, #tpu.memory_space<vmem>>
        %dma_start3A_472 = arith.constant 0 : i32
        %dma_start3A_473 = arith.constant 0 : i32
        %dma_start3A_474 = tpu.memref_slice %arg2[%dma_start3A_472, %dma_start3A_473] : memref<10000x128xf32, #tpu.memory_space<hbm>> -> memref<10000x128xf32, #tpu.memory_space<hbm>>
        tpu.enqueue_indirect_dma source(%dma_start3A_474 : memref<10000x128xf32, #tpu.memory_space<hbm>>) target(%dma_start3A_468 : memref<64x128xf32, #tpu.memory_space<vmem>>) offsets(%dma_start3A_471 : memref<64xi32, #tpu.memory_space<vmem>>) semaphore(%arg13 : memref<!tpu.dma_semaphore, #tpu.memory_space<semaphore_mem>>)
        %add3A_475 = arith.constant 2 : i32
        %add3A_476 = arith.addi %mul3A_286, %add3A_475 : i32
        %dma_wait3A_477 = arith.constant 2 : i32
        %dma_wait3A_478 = arith.constant 0 : i32
        %dma_wait3A_479 = arith.constant 0 : i32
        %dma_wait3A_480 = tpu.memref_slice %arg9[%dma_wait3A_477, %dma_wait3A_478, %dma_wait3A_479] : memref<4x64x128xf32, #tpu.memory_space<vmem>> -> memref<1x64x128xf32, #tpu.memory_space<vmem>>
        %dma_wait3A_481 = tpu.memref_squeeze %dma_wait3A_480 : memref<1x64x128xf32, #tpu.memory_space<vmem>> -> memref<64x128xf32, #tpu.memory_space<vmem>>
        %dma_wait3A_482 = arith.constant 0 : i32
        %dma_wait3A_483 = tpu.memref_slice %arg8[%add3A_476, %dma_wait3A_482] : memref<16x64xi32, #tpu.memory_space<vmem>> -> memref<1x64xi32, #tpu.memory_space<vmem>>
        %dma_wait3A_484 = tpu.memref_squeeze %dma_wait3A_483 : memref<1x64xi32, #tpu.memory_space<vmem>> -> memref<64xi32, #tpu.memory_space<vmem>>
        %dma_wait3A_485 = arith.constant 0 : i32
        %dma_wait3A_486 = arith.constant 0 : i32
        %dma_wait3A_487 = tpu.memref_slice %arg11[%dma_wait3A_485, %dma_wait3A_486] : memref<10240x128xf32, #tpu.memory_space<vmem_shared>> -> memref<10240x128xf32, #tpu.memory_space<vmem_shared>>
        tpu.wait_indirect_dma semaphore(%arg18 : memref<!tpu.dma_semaphore, #tpu.memory_space<semaphore_mem>>) src(%dma_wait3A_481 : memref<64x128xf32, #tpu.memory_space<vmem>>) dst(%dma_wait3A_487 : memref<10240x128xf32, #tpu.memory_space<vmem_shared>>)
        %add3A_488 = arith.constant 4 : i32
        %add3A_489 = arith.addi %mul3A_286, %add3A_488 : i32
        %add3A_490 = arith.constant 2 : i32
        %add3A_491 = arith.addi %add3A_489, %add3A_490 : i32
        %dma_start3A_492 = arith.constant 2 : i32
        %dma_start3A_493 = arith.constant 0 : i32
        %dma_start3A_494 = arith.constant 0 : i32
        %dma_start3A_495 = tpu.memref_slice %arg9[%dma_start3A_492, %dma_start3A_493, %dma_start3A_494] : memref<4x64x128xf32, #tpu.memory_space<vmem>> -> memref<1x64x128xf32, #tpu.memory_space<vmem>>
        %dma_start3A_496 = tpu.memref_squeeze %dma_start3A_495 : memref<1x64x128xf32, #tpu.memory_space<vmem>> -> memref<64x128xf32, #tpu.memory_space<vmem>>
        %dma_start3A_497 = arith.constant 0 : i32
        %dma_start3A_498 = tpu.memref_slice %arg7[%add3A_491, %dma_start3A_497] : memref<16x64xi32, #tpu.memory_space<vmem>> -> memref<1x64xi32, #tpu.memory_space<vmem>>
        %dma_start3A_499 = tpu.memref_squeeze %dma_start3A_498 : memref<1x64xi32, #tpu.memory_space<vmem>> -> memref<64xi32, #tpu.memory_space<vmem>>
        %dma_start3A_500 = arith.constant 0 : i32
        %dma_start3A_501 = arith.constant 0 : i32
        %dma_start3A_502 = tpu.memref_slice %arg2[%dma_start3A_500, %dma_start3A_501] : memref<10000x128xf32, #tpu.memory_space<hbm>> -> memref<10000x128xf32, #tpu.memory_space<hbm>>
        tpu.enqueue_indirect_dma source(%dma_start3A_502 : memref<10000x128xf32, #tpu.memory_space<hbm>>) target(%dma_start3A_496 : memref<64x128xf32, #tpu.memory_space<vmem>>) offsets(%dma_start3A_499 : memref<64xi32, #tpu.memory_space<vmem>>) semaphore(%arg14 : memref<!tpu.dma_semaphore, #tpu.memory_space<semaphore_mem>>)
        %add3A_503 = arith.constant 3 : i32
        %add3A_504 = arith.addi %mul3A_286, %add3A_503 : i32
        %dma_wait3A_505 = arith.constant 3 : i32
        %dma_wait3A_506 = arith.constant 0 : i32
        %dma_wait3A_507 = arith.constant 0 : i32
        %dma_wait3A_508 = tpu.memref_slice %arg9[%dma_wait3A_505, %dma_wait3A_506, %dma_wait3A_507] : memref<4x64x128xf32, #tpu.memory_space<vmem>> -> memref<1x64x128xf32, #tpu.memory_space<vmem>>
        %dma_wait3A_509 = tpu.memref_squeeze %dma_wait3A_508 : memref<1x64x128xf32, #tpu.memory_space<vmem>> -> memref<64x128xf32, #tpu.memory_space<vmem>>
        %dma_wait3A_510 = arith.constant 0 : i32
        %dma_wait3A_511 = tpu.memref_slice %arg8[%add3A_504, %dma_wait3A_510] : memref<16x64xi32, #tpu.memory_space<vmem>> -> memref<1x64xi32, #tpu.memory_space<vmem>>
        %dma_wait3A_512 = tpu.memref_squeeze %dma_wait3A_511 : memref<1x64xi32, #tpu.memory_space<vmem>> -> memref<64xi32, #tpu.memory_space<vmem>>
        %dma_wait3A_513 = arith.constant 0 : i32
        %dma_wait3A_514 = arith.constant 0 : i32
        %dma_wait3A_515 = tpu.memref_slice %arg11[%dma_wait3A_513, %dma_wait3A_514] : memref<10240x128xf32, #tpu.memory_space<vmem_shared>> -> memref<10240x128xf32, #tpu.memory_space<vmem_shared>>
        tpu.wait_indirect_dma semaphore(%arg19 : memref<!tpu.dma_semaphore, #tpu.memory_space<semaphore_mem>>) src(%dma_wait3A_509 : memref<64x128xf32, #tpu.memory_space<vmem>>) dst(%dma_wait3A_515 : memref<10240x128xf32, #tpu.memory_space<vmem_shared>>)
        %add3A_516 = arith.constant 4 : i32
        %add3A_517 = arith.addi %mul3A_286, %add3A_516 : i32
        %add3A_518 = arith.constant 3 : i32
        %add3A_519 = arith.addi %add3A_517, %add3A_518 : i32
        %dma_start3A_520 = arith.constant 3 : i32
        %dma_start3A_521 = arith.constant 0 : i32
        %dma_start3A_522 = arith.constant 0 : i32
        %dma_start3A_523 = tpu.memref_slice %arg9[%dma_start3A_520, %dma_start3A_521, %dma_start3A_522] : memref<4x64x128xf32, #tpu.memory_space<vmem>> -> memref<1x64x128xf32, #tpu.memory_space<vmem>>
        %dma_start3A_524 = tpu.memref_squeeze %dma_start3A_523 : memref<1x64x128xf32, #tpu.memory_space<vmem>> -> memref<64x128xf32, #tpu.memory_space<vmem>>
        %dma_start3A_525 = arith.constant 0 : i32
        %dma_start3A_526 = tpu.memref_slice %arg7[%add3A_519, %dma_start3A_525] : memref<16x64xi32, #tpu.memory_space<vmem>> -> memref<1x64xi32, #tpu.memory_space<vmem>>
        %dma_start3A_527 = tpu.memref_squeeze %dma_start3A_526 : memref<1x64xi32, #tpu.memory_space<vmem>> -> memref<64xi32, #tpu.memory_space<vmem>>
        %dma_start3A_528 = arith.constant 0 : i32
        %dma_start3A_529 = arith.constant 0 : i32
        %dma_start3A_530 = tpu.memref_slice %arg2[%dma_start3A_528, %dma_start3A_529] : memref<10000x128xf32, #tpu.memory_space<hbm>> -> memref<10000x128xf32, #tpu.memory_space<hbm>>
        tpu.enqueue_indirect_dma source(%dma_start3A_530 : memref<10000x128xf32, #tpu.memory_space<hbm>>) target(%dma_start3A_524 : memref<64x128xf32, #tpu.memory_space<vmem>>) offsets(%dma_start3A_527 : memref<64xi32, #tpu.memory_space<vmem>>) semaphore(%arg15 : memref<!tpu.dma_semaphore, #tpu.memory_space<semaphore_mem>>)
      }
      %scan3A_116 = arith.constant 3 : i32
      %dma_wait3A = arith.constant 12 : i32
      %dma_wait3A_117 = arith.constant 0 : i32
      %dma_wait3A_118 = arith.constant 0 : i32
      %dma_wait3A_119 = arith.constant 0 : i32
      %dma_wait3A_120 = tpu.memref_slice %arg9[%dma_wait3A_117, %dma_wait3A_118, %dma_wait3A_119] : memref<4x64x128xf32, #tpu.memory_space<vmem>> -> memref<1x64x128xf32, #tpu.memory_space<vmem>>
      %dma_wait3A_121 = tpu.memref_squeeze %dma_wait3A_120 : memref<1x64x128xf32, #tpu.memory_space<vmem>> -> memref<64x128xf32, #tpu.memory_space<vmem>>
      %dma_wait3A_122 = arith.constant 0 : i32
      %dma_wait3A_123 = tpu.memref_slice %arg7[%dma_wait3A, %dma_wait3A_122] : memref<16x64xi32, #tpu.memory_space<vmem>> -> memref<1x64xi32, #tpu.memory_space<vmem>>
      %dma_wait3A_124 = tpu.memref_squeeze %dma_wait3A_123 : memref<1x64xi32, #tpu.memory_space<vmem>> -> memref<64xi32, #tpu.memory_space<vmem>>
      %dma_wait3A_125 = arith.constant 0 : i32
      %dma_wait3A_126 = arith.constant 0 : i32
      %dma_wait3A_127 = tpu.memref_slice %arg2[%dma_wait3A_125, %dma_wait3A_126] : memref<10000x128xf32, #tpu.memory_space<hbm>> -> memref<10000x128xf32, #tpu.memory_space<hbm>>
      tpu.wait_indirect_dma semaphore(%arg12 : memref<!tpu.dma_semaphore, #tpu.memory_space<semaphore_mem>>) src(%dma_wait3A_127 : memref<10000x128xf32, #tpu.memory_space<hbm>>) dst(%dma_wait3A_121 : memref<64x128xf32, #tpu.memory_space<vmem>>)
      %dma_start3A_128 = arith.constant 0 : i32
      %dma_start3A_129 = arith.constant 12 : i32
      %dma_start3A_130 = arith.constant 0 : i32
      %dma_start3A_131 = arith.constant 0 : i32
      %dma_start3A_132 = tpu.memref_slice %arg9[%dma_start3A_128, %dma_start3A_130, %dma_start3A_131] : memref<4x64x128xf32, #tpu.memory_space<vmem>> -> memref<1x64x128xf32, #tpu.memory_space<vmem>>
      %dma_start3A_133 = tpu.memref_squeeze %dma_start3A_132 : memref<1x64x128xf32, #tpu.memory_space<vmem>> -> memref<64x128xf32, #tpu.memory_space<vmem>>
      %dma_start3A_134 = arith.constant 0 : i32
      %dma_start3A_135 = tpu.memref_slice %arg8[%dma_start3A_129, %dma_start3A_134] : memref<16x64xi32, #tpu.memory_space<vmem>> -> memref<1x64xi32, #tpu.memory_space<vmem>>
      %dma_start3A_136 = tpu.memref_squeeze %dma_start3A_135 : memref<1x64xi32, #tpu.memory_space<vmem>> -> memref<64xi32, #tpu.memory_space<vmem>>
      %dma_start3A_137 = arith.constant 0 : i32
      %dma_start3A_138 = arith.constant 0 : i32
      %dma_start3A_139 = tpu.memref_slice %arg11[%dma_start3A_137, %dma_start3A_138] : memref<10240x128xf32, #tpu.memory_space<vmem_shared>> -> memref<10240x128xf32, #tpu.memory_space<vmem_shared>>
      tpu.enqueue_indirect_dma source(%dma_start3A_133 : memref<64x128xf32, #tpu.memory_space<vmem>>) target(%dma_start3A_139 : memref<10240x128xf32, #tpu.memory_space<vmem_shared>>) offsets(%dma_start3A_136 : memref<64xi32, #tpu.memory_space<vmem>>) semaphore(%arg16 : memref<!tpu.dma_semaphore, #tpu.memory_space<semaphore_mem>>) {add = true}
      %dma_wait3A_140 = arith.constant 13 : i32
      %dma_wait3A_141 = arith.constant 1 : i32
      %dma_wait3A_142 = arith.constant 0 : i32
      %dma_wait3A_143 = arith.constant 0 : i32
      %dma_wait3A_144 = tpu.memref_slice %arg9[%dma_wait3A_141, %dma_wait3A_142, %dma_wait3A_143] : memref<4x64x128xf32, #tpu.memory_space<vmem>> -> memref<1x64x128xf32, #tpu.memory_space<vmem>>
      %dma_wait3A_145 = tpu.memref_squeeze %dma_wait3A_144 : memref<1x64x128xf32, #tpu.memory_space<vmem>> -> memref<64x128xf32, #tpu.memory_space<vmem>>
      %dma_wait3A_146 = arith.constant 0 : i32
      %dma_wait3A_147 = tpu.memref_slice %arg7[%dma_wait3A_140, %dma_wait3A_146] : memref<16x64xi32, #tpu.memory_space<vmem>> -> memref<1x64xi32, #tpu.memory_space<vmem>>
      %dma_wait3A_148 = tpu.memref_squeeze %dma_wait3A_147 : memref<1x64xi32, #tpu.memory_space<vmem>> -> memref<64xi32, #tpu.memory_space<vmem>>
      %dma_wait3A_149 = arith.constant 0 : i32
      %dma_wait3A_150 = arith.constant 0 : i32
      %dma_wait3A_151 = tpu.memref_slice %arg2[%dma_wait3A_149, %dma_wait3A_150] : memref<10000x128xf32, #tpu.memory_space<hbm>> -> memref<10000x128xf32, #tpu.memory_space<hbm>>
      tpu.wait_indirect_dma semaphore(%arg13 : memref<!tpu.dma_semaphore, #tpu.memory_space<semaphore_mem>>) src(%dma_wait3A_151 : memref<10000x128xf32, #tpu.memory_space<hbm>>) dst(%dma_wait3A_145 : memref<64x128xf32, #tpu.memory_space<vmem>>)
      %dma_start3A_152 = arith.constant 1 : i32
      %dma_start3A_153 = arith.constant 13 : i32
      %dma_start3A_154 = arith.constant 0 : i32
      %dma_start3A_155 = arith.constant 0 : i32
      %dma_start3A_156 = tpu.memref_slice %arg9[%dma_start3A_152, %dma_start3A_154, %dma_start3A_155] : memref<4x64x128xf32, #tpu.memory_space<vmem>> -> memref<1x64x128xf32, #tpu.memory_space<vmem>>
      %dma_start3A_157 = tpu.memref_squeeze %dma_start3A_156 : memref<1x64x128xf32, #tpu.memory_space<vmem>> -> memref<64x128xf32, #tpu.memory_space<vmem>>
      %dma_start3A_158 = arith.constant 0 : i32
      %dma_start3A_159 = tpu.memref_slice %arg8[%dma_start3A_153, %dma_start3A_158] : memref<16x64xi32, #tpu.memory_space<vmem>> -> memref<1x64xi32, #tpu.memory_space<vmem>>
      %dma_start3A_160 = tpu.memref_squeeze %dma_start3A_159 : memref<1x64xi32, #tpu.memory_space<vmem>> -> memref<64xi32, #tpu.memory_space<vmem>>
      %dma_start3A_161 = arith.constant 0 : i32
      %dma_start3A_162 = arith.constant 0 : i32
      %dma_start3A_163 = tpu.memref_slice %arg11[%dma_start3A_161, %dma_start3A_162] : memref<10240x128xf32, #tpu.memory_space<vmem_shared>> -> memref<10240x128xf32, #tpu.memory_space<vmem_shared>>
      tpu.enqueue_indirect_dma source(%dma_start3A_157 : memref<64x128xf32, #tpu.memory_space<vmem>>) target(%dma_start3A_163 : memref<10240x128xf32, #tpu.memory_space<vmem_shared>>) offsets(%dma_start3A_160 : memref<64xi32, #tpu.memory_space<vmem>>) semaphore(%arg17 : memref<!tpu.dma_semaphore, #tpu.memory_space<semaphore_mem>>) {add = true}
      %dma_wait3A_164 = arith.constant 14 : i32
      %dma_wait3A_165 = arith.constant 2 : i32
      %dma_wait3A_166 = arith.constant 0 : i32
      %dma_wait3A_167 = arith.constant 0 : i32
      %dma_wait3A_168 = tpu.memref_slice %arg9[%dma_wait3A_165, %dma_wait3A_166, %dma_wait3A_167] : memref<4x64x128xf32, #tpu.memory_space<vmem>> -> memref<1x64x128xf32, #tpu.memory_space<vmem>>
      %dma_wait3A_169 = tpu.memref_squeeze %dma_wait3A_168 : memref<1x64x128xf32, #tpu.memory_space<vmem>> -> memref<64x128xf32, #tpu.memory_space<vmem>>
      %dma_wait3A_170 = arith.constant 0 : i32
      %dma_wait3A_171 = tpu.memref_slice %arg7[%dma_wait3A_164, %dma_wait3A_170] : memref<16x64xi32, #tpu.memory_space<vmem>> -> memref<1x64xi32, #tpu.memory_space<vmem>>
      %dma_wait3A_172 = tpu.memref_squeeze %dma_wait3A_171 : memref<1x64xi32, #tpu.memory_space<vmem>> -> memref<64xi32, #tpu.memory_space<vmem>>
      %dma_wait3A_173 = arith.constant 0 : i32
      %dma_wait3A_174 = arith.constant 0 : i32
      %dma_wait3A_175 = tpu.memref_slice %arg2[%dma_wait3A_173, %dma_wait3A_174] : memref<10000x128xf32, #tpu.memory_space<hbm>> -> memref<10000x128xf32, #tpu.memory_space<hbm>>
      tpu.wait_indirect_dma semaphore(%arg14 : memref<!tpu.dma_semaphore, #tpu.memory_space<semaphore_mem>>) src(%dma_wait3A_175 : memref<10000x128xf32, #tpu.memory_space<hbm>>) dst(%dma_wait3A_169 : memref<64x128xf32, #tpu.memory_space<vmem>>)
      %dma_start3A_176 = arith.constant 2 : i32
      %dma_start3A_177 = arith.constant 14 : i32
      %dma_start3A_178 = arith.constant 0 : i32
      %dma_start3A_179 = arith.constant 0 : i32
      %dma_start3A_180 = tpu.memref_slice %arg9[%dma_start3A_176, %dma_start3A_178, %dma_start3A_179] : memref<4x64x128xf32, #tpu.memory_space<vmem>> -> memref<1x64x128xf32, #tpu.memory_space<vmem>>
      %dma_start3A_181 = tpu.memref_squeeze %dma_start3A_180 : memref<1x64x128xf32, #tpu.memory_space<vmem>> -> memref<64x128xf32, #tpu.memory_space<vmem>>
      %dma_start3A_182 = arith.constant 0 : i32
      %dma_start3A_183 = tpu.memref_slice %arg8[%dma_start3A_177, %dma_start3A_182] : memref<16x64xi32, #tpu.memory_space<vmem>> -> memref<1x64xi32, #tpu.memory_space<vmem>>
      %dma_start3A_184 = tpu.memref_squeeze %dma_start3A_183 : memref<1x64xi32, #tpu.memory_space<vmem>> -> memref<64xi32, #tpu.memory_space<vmem>>
      %dma_start3A_185 = arith.constant 0 : i32
      %dma_start3A_186 = arith.constant 0 : i32
      %dma_start3A_187 = tpu.memref_slice %arg11[%dma_start3A_185, %dma_start3A_186] : memref<10240x128xf32, #tpu.memory_space<vmem_shared>> -> memref<10240x128xf32, #tpu.memory_space<vmem_shared>>
      tpu.enqueue_indirect_dma source(%dma_start3A_181 : memref<64x128xf32, #tpu.memory_space<vmem>>) target(%dma_start3A_187 : memref<10240x128xf32, #tpu.memory_space<vmem_shared>>) offsets(%dma_start3A_184 : memref<64xi32, #tpu.memory_space<vmem>>) semaphore(%arg18 : memref<!tpu.dma_semaphore, #tpu.memory_space<semaphore_mem>>) {add = true}
      %dma_wait3A_188 = arith.constant 15 : i32
      %dma_wait3A_189 = arith.constant 3 : i32
      %dma_wait3A_190 = arith.constant 0 : i32
      %dma_wait3A_191 = arith.constant 0 : i32
      %dma_wait3A_192 = tpu.memref_slice %arg9[%dma_wait3A_189, %dma_wait3A_190, %dma_wait3A_191] : memref<4x64x128xf32, #tpu.memory_space<vmem>> -> memref<1x64x128xf32, #tpu.memory_space<vmem>>
      %dma_wait3A_193 = tpu.memref_squeeze %dma_wait3A_192 : memref<1x64x128xf32, #tpu.memory_space<vmem>> -> memref<64x128xf32, #tpu.memory_space<vmem>>
      %dma_wait3A_194 = arith.constant 0 : i32
      %dma_wait3A_195 = tpu.memref_slice %arg7[%dma_wait3A_188, %dma_wait3A_194] : memref<16x64xi32, #tpu.memory_space<vmem>> -> memref<1x64xi32, #tpu.memory_space<vmem>>
      %dma_wait3A_196 = tpu.memref_squeeze %dma_wait3A_195 : memref<1x64xi32, #tpu.memory_space<vmem>> -> memref<64xi32, #tpu.memory_space<vmem>>
      %dma_wait3A_197 = arith.constant 0 : i32
      %dma_wait3A_198 = arith.constant 0 : i32
      %dma_wait3A_199 = tpu.memref_slice %arg2[%dma_wait3A_197, %dma_wait3A_198] : memref<10000x128xf32, #tpu.memory_space<hbm>> -> memref<10000x128xf32, #tpu.memory_space<hbm>>
      tpu.wait_indirect_dma semaphore(%arg15 : memref<!tpu.dma_semaphore, #tpu.memory_space<semaphore_mem>>) src(%dma_wait3A_199 : memref<10000x128xf32, #tpu.memory_space<hbm>>) dst(%dma_wait3A_193 : memref<64x128xf32, #tpu.memory_space<vmem>>)
      %dma_start3A_200 = arith.constant 3 : i32
      %dma_start3A_201 = arith.constant 15 : i32
      %dma_start3A_202 = arith.constant 0 : i32
      %dma_start3A_203 = arith.constant 0 : i32
      %dma_start3A_204 = tpu.memref_slice %arg9[%dma_start3A_200, %dma_start3A_202, %dma_start3A_203] : memref<4x64x128xf32, #tpu.memory_space<vmem>> -> memref<1x64x128xf32, #tpu.memory_space<vmem>>
      %dma_start3A_205 = tpu.memref_squeeze %dma_start3A_204 : memref<1x64x128xf32, #tpu.memory_space<vmem>> -> memref<64x128xf32, #tpu.memory_space<vmem>>
      %dma_start3A_206 = arith.constant 0 : i32
      %dma_start3A_207 = tpu.memref_slice %arg8[%dma_start3A_201, %dma_start3A_206] : memref<16x64xi32, #tpu.memory_space<vmem>> -> memref<1x64xi32, #tpu.memory_space<vmem>>
      %dma_start3A_208 = tpu.memref_squeeze %dma_start3A_207 : memref<1x64xi32, #tpu.memory_space<vmem>> -> memref<64xi32, #tpu.memory_space<vmem>>
      %dma_start3A_209 = arith.constant 0 : i32
      %dma_start3A_210 = arith.constant 0 : i32
      %dma_start3A_211 = tpu.memref_slice %arg11[%dma_start3A_209, %dma_start3A_210] : memref<10240x128xf32, #tpu.memory_space<vmem_shared>> -> memref<10240x128xf32, #tpu.memory_space<vmem_shared>>
      tpu.enqueue_indirect_dma source(%dma_start3A_205 : memref<64x128xf32, #tpu.memory_space<vmem>>) target(%dma_start3A_211 : memref<10240x128xf32, #tpu.memory_space<vmem_shared>>) offsets(%dma_start3A_208 : memref<64xi32, #tpu.memory_space<vmem>>) semaphore(%arg19 : memref<!tpu.dma_semaphore, #tpu.memory_space<semaphore_mem>>) {add = true}
      %scan3A_212 = arith.constant 0 : i32
      %scan3A_213 = arith.constant 4 : i32
      %scan3A_214 = arith.addi %scan3A_212, %scan3A_213 : i32
      %scan3A_215 = arith.constant 1 : i32
      scf.for %scan3A_280 = %scan3A_212 to %scan3A_214 step %scan3A_215  : i32 {
        %mul3A_281 = arith.constant 16 : i32
        %mul3A_282 = arith.muli %scan3A_280, %mul3A_281 : i32
        %add3A_283 = arith.constant 0 : i32
        %add3A_284 = arith.addi %add3A_283, %mul3A_282 : i32
        %get3A = arith.constant 12 : i32
        %get3A_285 = arith.index_cast %get3A : i32 to index
        %get3A_286 = arith.index_cast %add3A_284 : i32 to index
        %get3A_287 = tpu.vector_load %arg8[%get3A_285, %get3A_286] {strides = array<i32>} : memref<16x64xi32, #tpu.memory_space<vmem>>, vector<16xi32>,
        %shift_right_logical3A = arith.constant 7 : i32
        %shift_right_logical3A_288 = vector.broadcast %shift_right_logical3A : i32 to vector<16xi32>
        %shift_right_logical3A_289 = arith.shrui %get3A_287, %shift_right_logical3A_288 : vector<16xi32>
        %and3A = arith.constant 127 : i32
        %and3A_290 = vector.broadcast %and3A : i32 to vector<16xi32>
        %and3A_291 = arith.andi %get3A_287, %and3A_290 : vector<16xi32>
        tpu.vector_store_idx %arg10[%shift_right_logical3A_289, %and3A_291], %broadcast_in_dim3A_43 {add = true} : memref<80x128xf32, #tpu.memory_space<vmem>>[vector<16xi32>, vector<16xi32>], vector<16xf32>,
      }
      %scan3A_216 = arith.constant 4 : i32
      %scan3A_217 = arith.constant 0 : i32
      %scan3A_218 = arith.constant 4 : i32
      %scan3A_219 = arith.addi %scan3A_217, %scan3A_218 : i32
      %scan3A_220 = arith.constant 1 : i32
      scf.for %scan3A_280 = %scan3A_217 to %scan3A_219 step %scan3A_220  : i32 {
        %mul3A_281 = arith.constant 16 : i32
        %mul3A_282 = arith.muli %scan3A_280, %mul3A_281 : i32
        %add3A_283 = arith.constant 0 : i32
        %add3A_284 = arith.addi %add3A_283, %mul3A_282 : i32
        %get3A = arith.constant 13 : i32
        %get3A_285 = arith.index_cast %get3A : i32 to index
        %get3A_286 = arith.index_cast %add3A_284 : i32 to index
        %get3A_287 = tpu.vector_load %arg8[%get3A_285, %get3A_286] {strides = array<i32>} : memref<16x64xi32, #tpu.memory_space<vmem>>, vector<16xi32>,
        %shift_right_logical3A = arith.constant 7 : i32
        %shift_right_logical3A_288 = vector.broadcast %shift_right_logical3A : i32 to vector<16xi32>
        %shift_right_logical3A_289 = arith.shrui %get3A_287, %shift_right_logical3A_288 : vector<16xi32>
        %and3A = arith.constant 127 : i32
        %and3A_290 = vector.broadcast %and3A : i32 to vector<16xi32>
        %and3A_291 = arith.andi %get3A_287, %and3A_290 : vector<16xi32>
        tpu.vector_store_idx %arg10[%shift_right_logical3A_289, %and3A_291], %broadcast_in_dim3A_43 {add = true} : memref<80x128xf32, #tpu.memory_space<vmem>>[vector<16xi32>, vector<16xi32>], vector<16xf32>,
      }
      %scan3A_221 = arith.constant 4 : i32
      %scan3A_222 = arith.constant 0 : i32
      %scan3A_223 = arith.constant 4 : i32
      %scan3A_224 = arith.addi %scan3A_222, %scan3A_223 : i32
      %scan3A_225 = arith.constant 1 : i32
      scf.for %scan3A_280 = %scan3A_222 to %scan3A_224 step %scan3A_225  : i32 {
        %mul3A_281 = arith.constant 16 : i32
        %mul3A_282 = arith.muli %scan3A_280, %mul3A_281 : i32
        %add3A_283 = arith.constant 0 : i32
        %add3A_284 = arith.addi %add3A_283, %mul3A_282 : i32
        %get3A = arith.constant 14 : i32
        %get3A_285 = arith.index_cast %get3A : i32 to index
        %get3A_286 = arith.index_cast %add3A_284 : i32 to index
        %get3A_287 = tpu.vector_load %arg8[%get3A_285, %get3A_286] {strides = array<i32>} : memref<16x64xi32, #tpu.memory_space<vmem>>, vector<16xi32>,
        %shift_right_logical3A = arith.constant 7 : i32
        %shift_right_logical3A_288 = vector.broadcast %shift_right_logical3A : i32 to vector<16xi32>
        %shift_right_logical3A_289 = arith.shrui %get3A_287, %shift_right_logical3A_288 : vector<16xi32>
        %and3A = arith.constant 127 : i32
        %and3A_290 = vector.broadcast %and3A : i32 to vector<16xi32>
        %and3A_291 = arith.andi %get3A_287, %and3A_290 : vector<16xi32>
        tpu.vector_store_idx %arg10[%shift_right_logical3A_289, %and3A_291], %broadcast_in_dim3A_43 {add = true} : memref<80x128xf32, #tpu.memory_space<vmem>>[vector<16xi32>, vector<16xi32>], vector<16xf32>,
      }
      %scan3A_226 = arith.constant 4 : i32
      %scan3A_227 = arith.constant 0 : i32
      %scan3A_228 = arith.constant 4 : i32
      %scan3A_229 = arith.addi %scan3A_227, %scan3A_228 : i32
      %scan3A_230 = arith.constant 1 : i32
      scf.for %scan3A_280 = %scan3A_227 to %scan3A_229 step %scan3A_230  : i32 {
        %mul3A_281 = arith.constant 16 : i32
        %mul3A_282 = arith.muli %scan3A_280, %mul3A_281 : i32
        %add3A_283 = arith.constant 0 : i32
        %add3A_284 = arith.addi %add3A_283, %mul3A_282 : i32
        %get3A = arith.constant 15 : i32
        %get3A_285 = arith.index_cast %get3A : i32 to index
        %get3A_286 = arith.index_cast %add3A_284 : i32 to index
        %get3A_287 = tpu.vector_load %arg8[%get3A_285, %get3A_286] {strides = array<i32>} : memref<16x64xi32, #tpu.memory_space<vmem>>, vector<16xi32>,
        %shift_right_logical3A = arith.constant 7 : i32
        %shift_right_logical3A_288 = vector.broadcast %shift_right_logical3A : i32 to vector<16xi32>
        %shift_right_logical3A_289 = arith.shrui %get3A_287, %shift_right_logical3A_288 : vector<16xi32>
        %and3A = arith.constant 127 : i32
        %and3A_290 = vector.broadcast %and3A : i32 to vector<16xi32>
        %and3A_291 = arith.andi %get3A_287, %and3A_290 : vector<16xi32>
        tpu.vector_store_idx %arg10[%shift_right_logical3A_289, %and3A_291], %broadcast_in_dim3A_43 {add = true} : memref<80x128xf32, #tpu.memory_space<vmem>>[vector<16xi32>, vector<16xi32>], vector<16xf32>,
      }
      %scan3A_231 = arith.constant 4 : i32
      %dma_wait3A_232 = arith.constant 0 : i32
      %dma_wait3A_233 = arith.constant 12 : i32
      %dma_wait3A_234 = arith.constant 0 : i32
      %dma_wait3A_235 = arith.constant 0 : i32
      %dma_wait3A_236 = tpu.memref_slice %arg9[%dma_wait3A_232, %dma_wait3A_234, %dma_wait3A_235] : memref<4x64x128xf32, #tpu.memory_space<vmem>> -> memref<1x64x128xf32, #tpu.memory_space<vmem>>
      %dma_wait3A_237 = tpu.memref_squeeze %dma_wait3A_236 : memref<1x64x128xf32, #tpu.memory_space<vmem>> -> memref<64x128xf32, #tpu.memory_space<vmem>>
      %dma_wait3A_238 = arith.constant 0 : i32
      %dma_wait3A_239 = tpu.memref_slice %arg8[%dma_wait3A_233, %dma_wait3A_238] : memref<16x64xi32, #tpu.memory_space<vmem>> -> memref<1x64xi32, #tpu.memory_space<vmem>>
      %dma_wait3A_240 = tpu.memref_squeeze %dma_wait3A_239 : memref<1x64xi32, #tpu.memory_space<vmem>> -> memref<64xi32, #tpu.memory_space<vmem>>
      %dma_wait3A_241 = arith.constant 0 : i32
      %dma_wait3A_242 = arith.constant 0 : i32
      %dma_wait3A_243 = tpu.memref_slice %arg11[%dma_wait3A_241, %dma_wait3A_242] : memref<10240x128xf32, #tpu.memory_space<vmem_shared>> -> memref<10240x128xf32, #tpu.memory_space<vmem_shared>>
      tpu.wait_indirect_dma semaphore(%arg16 : memref<!tpu.dma_semaphore, #tpu.memory_space<semaphore_mem>>) src(%dma_wait3A_237 : memref<64x128xf32, #tpu.memory_space<vmem>>) dst(%dma_wait3A_243 : memref<10240x128xf32, #tpu.memory_space<vmem_shared>>)
      %dma_wait3A_244 = arith.constant 1 : i32
      %dma_wait3A_245 = arith.constant 13 : i32
      %dma_wait3A_246 = arith.constant 0 : i32
      %dma_wait3A_247 = arith.constant 0 : i32
      %dma_wait3A_248 = tpu.memref_slice %arg9[%dma_wait3A_244, %dma_wait3A_246, %dma_wait3A_247] : memref<4x64x128xf32, #tpu.memory_space<vmem>> -> memref<1x64x128xf32, #tpu.memory_space<vmem>>
      %dma_wait3A_249 = tpu.memref_squeeze %dma_wait3A_248 : memref<1x64x128xf32, #tpu.memory_space<vmem>> -> memref<64x128xf32, #tpu.memory_space<vmem>>
      %dma_wait3A_250 = arith.constant 0 : i32
      %dma_wait3A_251 = tpu.memref_slice %arg8[%dma_wait3A_245, %dma_wait3A_250] : memref<16x64xi32, #tpu.memory_space<vmem>> -> memref<1x64xi32, #tpu.memory_space<vmem>>
      %dma_wait3A_252 = tpu.memref_squeeze %dma_wait3A_251 : memref<1x64xi32, #tpu.memory_space<vmem>> -> memref<64xi32, #tpu.memory_space<vmem>>
      %dma_wait3A_253 = arith.constant 0 : i32
      %dma_wait3A_254 = arith.constant 0 : i32
      %dma_wait3A_255 = tpu.memref_slice %arg11[%dma_wait3A_253, %dma_wait3A_254] : memref<10240x128xf32, #tpu.memory_space<vmem_shared>> -> memref<10240x128xf32, #tpu.memory_space<vmem_shared>>
      tpu.wait_indirect_dma semaphore(%arg17 : memref<!tpu.dma_semaphore, #tpu.memory_space<semaphore_mem>>) src(%dma_wait3A_249 : memref<64x128xf32, #tpu.memory_space<vmem>>) dst(%dma_wait3A_255 : memref<10240x128xf32, #tpu.memory_space<vmem_shared>>)
      %dma_wait3A_256 = arith.constant 2 : i32
      %dma_wait3A_257 = arith.constant 14 : i32
      %dma_wait3A_258 = arith.constant 0 : i32
      %dma_wait3A_259 = arith.constant 0 : i32
      %dma_wait3A_260 = tpu.memref_slice %arg9[%dma_wait3A_256, %dma_wait3A_258, %dma_wait3A_259] : memref<4x64x128xf32, #tpu.memory_space<vmem>> -> memref<1x64x128xf32, #tpu.memory_space<vmem>>
      %dma_wait3A_261 = tpu.memref_squeeze %dma_wait3A_260 : memref<1x64x128xf32, #tpu.memory_space<vmem>> -> memref<64x128xf32, #tpu.memory_space<vmem>>
      %dma_wait3A_262 = arith.constant 0 : i32
      %dma_wait3A_263 = tpu.memref_slice %arg8[%dma_wait3A_257, %dma_wait3A_262] : memref<16x64xi32, #tpu.memory_space<vmem>> -> memref<1x64xi32, #tpu.memory_space<vmem>>
      %dma_wait3A_264 = tpu.memref_squeeze %dma_wait3A_263 : memref<1x64xi32, #tpu.memory_space<vmem>> -> memref<64xi32, #tpu.memory_space<vmem>>
      %dma_wait3A_265 = arith.constant 0 : i32
      %dma_wait3A_266 = arith.constant 0 : i32
      %dma_wait3A_267 = tpu.memref_slice %arg11[%dma_wait3A_265, %dma_wait3A_266] : memref<10240x128xf32, #tpu.memory_space<vmem_shared>> -> memref<10240x128xf32, #tpu.memory_space<vmem_shared>>
      tpu.wait_indirect_dma semaphore(%arg18 : memref<!tpu.dma_semaphore, #tpu.memory_space<semaphore_mem>>) src(%dma_wait3A_261 : memref<64x128xf32, #tpu.memory_space<vmem>>) dst(%dma_wait3A_267 : memref<10240x128xf32, #tpu.memory_space<vmem_shared>>)
      %dma_wait3A_268 = arith.constant 3 : i32
      %dma_wait3A_269 = arith.constant 15 : i32
      %dma_wait3A_270 = arith.constant 0 : i32
      %dma_wait3A_271 = arith.constant 0 : i32
      %dma_wait3A_272 = tpu.memref_slice %arg9[%dma_wait3A_268, %dma_wait3A_270, %dma_wait3A_271] : memref<4x64x128xf32, #tpu.memory_space<vmem>> -> memref<1x64x128xf32, #tpu.memory_space<vmem>>
      %dma_wait3A_273 = tpu.memref_squeeze %dma_wait3A_272 : memref<1x64x128xf32, #tpu.memory_space<vmem>> -> memref<64x128xf32, #tpu.memory_space<vmem>>
      %dma_wait3A_274 = arith.constant 0 : i32
      %dma_wait3A_275 = tpu.memref_slice %arg8[%dma_wait3A_269, %dma_wait3A_274] : memref<16x64xi32, #tpu.memory_space<vmem>> -> memref<1x64xi32, #tpu.memory_space<vmem>>
      %dma_wait3A_276 = tpu.memref_squeeze %dma_wait3A_275 : memref<1x64xi32, #tpu.memory_space<vmem>> -> memref<64xi32, #tpu.memory_space<vmem>>
      %dma_wait3A_277 = arith.constant 0 : i32
      %dma_wait3A_278 = arith.constant 0 : i32
      %dma_wait3A_279 = tpu.memref_slice %arg11[%dma_wait3A_277, %dma_wait3A_278] : memref<10240x128xf32, #tpu.memory_space<vmem_shared>> -> memref<10240x128xf32, #tpu.memory_space<vmem_shared>>
      tpu.wait_indirect_dma semaphore(%arg19 : memref<!tpu.dma_semaphore, #tpu.memory_space<semaphore_mem>>) src(%dma_wait3A_273 : memref<64x128xf32, #tpu.memory_space<vmem>>) dst(%dma_wait3A_279 : memref<10240x128xf32, #tpu.memory_space<vmem_shared>>)
    }
    %scan3A_48 = arith.constant 10 : i32
    %mul3A_49 = arith.constant 80 : i32
    %mul3A_50 = arith.muli %add3A, %mul3A_49 : i32
    %multiple_of3A = tpu.assume_multiple %mul3A_50, 8 : i32
    "tpu.region"() ({
      %run_scoped3A_56 = tpu.sem_alloc : memref<!tpu.dma_semaphore, #tpu.memory_space<semaphore_mem>>
      %dma_start3A = arith.constant 0 : i32
      %dma_start3A_57 = tpu.memref_slice %arg6[%multiple_of3A, %dma_start3A] : memref<2560x128xf32, #tpu.memory_space<hbm>> -> memref<80x128xf32, #tpu.memory_space<hbm>>
      %dma_start3A_58 = arith.constant 0 : i32
      %dma_start3A_59 = tpu.memref_slice %arg6[%multiple_of3A, %dma_start3A_58] : memref<2560x128xf32, #tpu.memory_space<hbm>> -> memref<80x128xf32, #tpu.memory_space<hbm>>
      tpu.enqueue_dma source(%arg10 : memref<80x128xf32, #tpu.memory_space<vmem>>) target(%dma_start3A_59 : memref<80x128xf32, #tpu.memory_space<hbm>>) target_semaphore(%run_scoped3A_56 : memref<!tpu.dma_semaphore, #tpu.memory_space<semaphore_mem>>)
      %dma_wait3A = arith.constant 0 : i32
      %dma_wait3A_60 = tpu.memref_slice %arg6[%multiple_of3A, %dma_wait3A] : memref<2560x128xf32, #tpu.memory_space<hbm>> -> memref<80x128xf32, #tpu.memory_space<hbm>>
      %dma_wait3A_61 = arith.constant 0 : i32
      %dma_wait3A_62 = tpu.memref_slice %arg6[%multiple_of3A, %dma_wait3A_61] : memref<2560x128xf32, #tpu.memory_space<hbm>> -> memref<80x128xf32, #tpu.memory_space<hbm>>
      tpu.wait_dma2 semaphore(%run_scoped3A_56 : memref<!tpu.dma_semaphore, #tpu.memory_space<semaphore_mem>>) src(%arg10 : memref<80x128xf32, #tpu.memory_space<vmem>>) dst(%dma_wait3A_62 : memref<80x128xf32, #tpu.memory_space<hbm>>)
      tpu.yield
    }) : () -> ()
    %barrier3A_51 = arith.constant 0 : index
    tpu.barrier barrier_id(%barrier3A_51)
    %mul3A_52 = arith.constant 10240 : i32
    %mul3A_53 = arith.muli %arg0, %mul3A_52 : i32
    %add3A_54 = arith.addi %mul3A_53, %mul3A_2 : i32
    %multiple_of3A_55 = tpu.assume_multiple %add3A_54, 8 : i32
    "tpu.region"() ({
      %run_scoped3A_56 = tpu.sem_alloc : memref<!tpu.dma_semaphore, #tpu.memory_space<semaphore_mem>>
      %dma_start3A = arith.constant 0 : i32
      %dma_start3A_57 = tpu.memref_slice %arg5[%multiple_of3A_55, %dma_start3A] : memref<20480x128xf32, #tpu.memory_space<hbm>> -> memref<640x128xf32, #tpu.memory_space<hbm>>
      %dma_start3A_58 = arith.constant 0 : i32
      %dma_start3A_59 = tpu.memref_slice %arg11[%mul3A_2, %dma_start3A_58] : memref<10240x128xf32, #tpu.memory_space<vmem_shared>> -> memref<640x128xf32, #tpu.memory_space<vmem_shared>>
      tpu.enqueue_dma source(%dma_start3A_59 : memref<640x128xf32, #tpu.memory_space<vmem_shared>>) target(%dma_start3A_57 : memref<640x128xf32, #tpu.memory_space<hbm>>) target_semaphore(%run_scoped3A_56 : memref<!tpu.dma_semaphore, #tpu.memory_space<semaphore_mem>>)
      %dma_wait3A = arith.constant 0 : i32
      %dma_wait3A_60 = tpu.memref_slice %arg5[%multiple_of3A_55, %dma_wait3A] : memref<20480x128xf32, #tpu.memory_space<hbm>> -> memref<640x128xf32, #tpu.memory_space<hbm>>
      %dma_wait3A_61 = arith.constant 0 : i32
      %dma_wait3A_62 = tpu.memref_slice %arg11[%mul3A_2, %dma_wait3A_61] : memref<10240x128xf32, #tpu.memory_space<vmem_shared>> -> memref<640x128xf32, #tpu.memory_space<vmem_shared>>
      tpu.wait_dma2 semaphore(%run_scoped3A_56 : memref<!tpu.dma_semaphore, #tpu.memory_space<semaphore_mem>>) src(%dma_wait3A_62 : memref<640x128xf32, #tpu.memory_space<vmem_shared>>) dst(%dma_wait3A_60 : memref<640x128xf32, #tpu.memory_space<hbm>>)
      tpu.yield
    }) : () -> ()
    return
  }
}

#map = affine_map<(d0, d1) -> (0, 0)>
module attributes {stable_mosaic.version = 14 : i64} {
  func.func @k(%arg0: i32, %arg1: i32, %arg2: memref<10000x128xf32, #tpu.memory_space<hbm>>, %arg3: memref<5120x64xi32, #tpu.memory_space<hbm>>, %arg4: memref<5120x64xi32, #tpu.memory_space<hbm>>, %arg5: memref<20480x128xf32, #tpu.memory_space<hbm>>, %arg6: memref<2560x128xf32, #tpu.memory_space<hbm>>, %arg7: memref<16x64xi32, #tpu.memory_space<vmem>>, %arg8: memref<16x64xi32, #tpu.memory_space<vmem>>, %arg9: memref<4x64x128xf32, #tpu.memory_space<vmem>>, %arg10: memref<80x128xf32, #tpu.memory_space<vmem>>, %arg11: memref<10240x128xf32, #tpu.memory_space<vmem_shared>>, %arg12: memref<!tpu.dma_semaphore, #tpu.memory_space<semaphore_mem>>, %arg13: memref<!tpu.dma_semaphore, #tpu.memory_space<semaphore_mem>>, %arg14: memref<!tpu.dma_semaphore, #tpu.memory_space<semaphore_mem>>, %arg15: memref<!tpu.dma_semaphore, #tpu.memory_space<semaphore_mem>>, %arg16: memref<!tpu.dma_semaphore, #tpu.memory_space<semaphore_mem>>, %arg17: memref<!tpu.dma_semaphore, #tpu.memory_space<semaphore_mem>>, %arg18: memref<!tpu.dma_semaphore, #tpu.memory_space<semaphore_mem>>, %arg19: memref<!tpu.dma_semaphore, #tpu.memory_space<semaphore_mem>>) attributes {dimension_semantics = [#tpu.dimension_semantics<core_parallel>, #tpu.dimension_semantics<subcore_parallel>], iteration_bounds = array<i64: 2, 16>, scalar_prefetch = 0 : i64, scratch_operands = 13 : i64, tpu.core_type = #tpu.core_type<sc_vector_subcore>, window_params = [{transform_indices = #map}, {transform_indices = #map}, {transform_indices = #map}, {transform_indices = #map}, {transform_indices = #map}]} {
    %mul3A = arith.constant 16 : i32
    %mul3A_0 = arith.muli %arg0, %mul3A : i32
    %add3A = arith.addi %mul3A_0, %arg1 : i32
    %mul3A_1 = arith.constant 640 : i32
    %mul3A_2 = arith.muli %arg1, %mul3A_1 : i32
    %scan3A = arith.constant 0 : i32
    %scan3A_3 = arith.constant 80 : i32
    %scan3A_4 = arith.addi %scan3A, %scan3A_3 : i32
    %scan3A_5 = arith.constant 1 : i32
    scf.for %scan3A_56 = %scan3A to %scan3A_4 step %scan3A_5  : i32 {
      %mul3A_57 = arith.constant 1 : i32
      %mul3A_58 = arith.muli %scan3A_56, %mul3A_57 : i32
      %add3A_59 = arith.constant 0 : i32
      %add3A_60 = arith.addi %add3A_59, %mul3A_58 : i32
      %scan3A_61 = arith.constant 0 : i32
      %scan3A_62 = arith.constant 8 : i32
      %scan3A_63 = arith.addi %scan3A_61, %scan3A_62 : i32
      %scan3A_64 = arith.constant 1 : i32
      scf.for %scan3A_66 = %scan3A_61 to %scan3A_63 step %scan3A_64  : i32 {
        %mul3A_67 = arith.constant 16 : i32
        %mul3A_68 = arith.muli %scan3A_66, %mul3A_67 : i32
        %add3A_69 = arith.constant 0 : i32
        %add3A_70 = arith.addi %add3A_69, %mul3A_68 : i32
        %broadcast_in_dim3A_71 = arith.constant 0.000000e+00 : f32
        %broadcast_in_dim3A_72 = vector.broadcast %broadcast_in_dim3A_71 : f32 to vector<16xf32>
        %swap3A = arith.index_cast %add3A_60 : i32 to index
        %swap3A_73 = arith.index_cast %add3A_70 : i32 to index
        %swap3A_74 = tpu.vector_load %arg10[%swap3A, %swap3A_73] {strides = array<i32>} : memref<80x128xf32, #tpu.memory_space<vmem>>, vector<16xf32>,
        tpu.vector_store %arg10[%swap3A, %swap3A_73], %broadcast_in_dim3A_72 {strides = array<i32>} : memref<80x128xf32, #tpu.memory_space<vmem>>, vector<16xf32>,
      }
      %scan3A_65 = arith.constant 8 : i32
    }
    %scan3A_6 = arith.constant 80 : i32
    %scan3A_7 = arith.constant 0 : i32
    %scan3A_8 = arith.constant 64 : i32
    %scan3A_9 = arith.addi %scan3A_7, %scan3A_8 : i32
    %scan3A_10 = arith.constant 1 : i32
    scf.for %scan3A_56 = %scan3A_7 to %scan3A_9 step %scan3A_10  : i32 {
      %mul3A_57 = arith.constant 1 : i32
      %mul3A_58 = arith.muli %scan3A_56, %mul3A_57 : i32
      %add3A_59 = arith.constant 0 : i32
      %add3A_60 = arith.addi %add3A_59, %mul3A_58 : i32
      %scan3A_61 = arith.constant 0 : i32
      %scan3A_62 = arith.constant 8 : i32
      %scan3A_63 = arith.addi %scan3A_61, %scan3A_62 : i32
      %scan3A_64 = arith.constant 1 : i32
      scf.for %scan3A_66 = %scan3A_61 to %scan3A_63 step %scan3A_64  : i32 {
        %mul3A_67 = arith.constant 16 : i32
        %mul3A_68 = arith.muli %scan3A_66, %mul3A_67 : i32
        %add3A_69 = arith.constant 0 : i32
        %add3A_70 = arith.addi %add3A_69, %mul3A_68 : i32
        %broadcast_in_dim3A_71 = arith.constant 0.000000e+00 : f32
        %broadcast_in_dim3A_72 = vector.broadcast %broadcast_in_dim3A_71 : f32 to vector<16xf32>
        %swap3A = arith.constant 0 : i32
        %swap3A_73 = arith.index_cast %swap3A : i32 to index
        %swap3A_74 = arith.index_cast %add3A_60 : i32 to index
        %swap3A_75 = arith.index_cast %add3A_70 : i32 to index
        %swap3A_76 = tpu.vector_load %arg9[%swap3A_73, %swap3A_74, %swap3A_75] {strides = array<i32>} : memref<4x64x128xf32, #tpu.memory_space<vmem>>, vector<16xf32>,
        tpu.vector_store %arg9[%swap3A_73, %swap3A_74, %swap3A_75], %broadcast_in_dim3A_72 {strides = array<i32>} : memref<4x64x128xf32, #tpu.memory_space<vmem>>, vector<16xf32>,
      }
      %scan3A_65 = arith.constant 8 : i32
    }
    %scan3A_11 = arith.constant 64 : i32
    %add3A_12 = arith.constant 0 : i32
    %add3A_13 = arith.addi %mul3A_2, %add3A_12 : i32
    %run_scoped3A = arith.constant 0 : i32
    "tpu.region"() ({
      %run_scoped3A_56 = tpu.sem_alloc : memref<!tpu.dma_semaphore, #tpu.memory_space<semaphore_mem>>
      %dma_start3A = arith.constant 0 : i32
      %dma_start3A_57 = arith.constant 0 : i32
      %dma_start3A_58 = tpu.memref_slice %arg9[%run_scoped3A, %dma_start3A, %dma_start3A_57] : memref<4x64x128xf32, #tpu.memory_space<vmem>> -> memref<1x64x128xf32, #tpu.memory_space<vmem>>
      %dma_start3A_59 = tpu.memref_squeeze %dma_start3A_58 : memref<1x64x128xf32, #tpu.memory_space<vmem>> -> memref<64x128xf32, #tpu.memory_space<vmem>>
      %dma_start3A_60 = arith.constant 0 : i32
      %dma_start3A_61 = tpu.memref_slice %arg11[%add3A_13, %dma_start3A_60] : memref<10240x128xf32, #tpu.memory_space<vmem_shared>> -> memref<64x128xf32, #tpu.memory_space<vmem_shared>>
      %dma_start3A_62 = arith.constant 0 : i32
      %dma_start3A_63 = tpu.memref_slice %arg11[%add3A_13, %dma_start3A_62] : memref<10240x128xf32, #tpu.memory_space<vmem_shared>> -> memref<64x128xf32, #tpu.memory_space<vmem_shared>>
      %dma_start3A_64 = arith.constant 0 : i32
      %dma_start3A_65 = arith.constant 0 : i32
      %dma_start3A_66 = tpu.memref_slice %arg9[%run_scoped3A, %dma_start3A_64, %dma_start3A_65] : memref<4x64x128xf32, #tpu.memory_space<vmem>> -> memref<1x64x128xf32, #tpu.memory_space<vmem>>
      %dma_start3A_67 = tpu.memref_squeeze %dma_start3A_66 : memref<1x64x128xf32, #tpu.memory_space<vmem>> -> memref<64x128xf32, #tpu.memory_space<vmem>>
      tpu.enqueue_dma source(%dma_start3A_67 : memref<64x128xf32, #tpu.memory_space<vmem>>) target(%dma_start3A_63 : memref<64x128xf32, #tpu.memory_space<vmem_shared>>) target_semaphore(%run_scoped3A_56 : memref<!tpu.dma_semaphore, #tpu.memory_space<semaphore_mem>>)
      %dma_wait3A = arith.constant 0 : i32
      %dma_wait3A_68 = arith.constant 0 : i32
      %dma_wait3A_69 = tpu.memref_slice %arg9[%run_scoped3A, %dma_wait3A, %dma_wait3A_68] : memref<4x64x128xf32, #tpu.memory_space<vmem>> -> memref<1x64x128xf32, #tpu.memory_space<vmem>>
      %dma_wait3A_70 = tpu.memref_squeeze %dma_wait3A_69 : memref<1x64x128xf32, #tpu.memory_space<vmem>> -> memref<64x128xf32, #tpu.memory_space<vmem>>
      %dma_wait3A_71 = arith.constant 0 : i32
      %dma_wait3A_72 = tpu.memref_slice %arg11[%add3A_13, %dma_wait3A_71] : memref<10240x128xf32, #tpu.memory_space<vmem_shared>> -> memref<64x128xf32, #tpu.memory_space<vmem_shared>>
      %dma_wait3A_73 = arith.constant 0 : i32
      %dma_wait3A_74 = tpu.memref_slice %arg11[%add3A_13, %dma_wait3A_73] : memref<10240x128xf32, #tpu.memory_space<vmem_shared>> -> memref<64x128xf32, #tpu.memory_space<vmem_shared>>
      %dma_wait3A_75 = arith.constant 0 : i32
      %dma_wait3A_76 = arith.constant 0 : i32
      %dma_wait3A_77 = tpu.memref_slice %arg9[%run_scoped3A, %dma_wait3A_75, %dma_wait3A_76] : memref<4x64x128xf32, #tpu.memory_space<vmem>> -> memref<1x64x128xf32, #tpu.memory_space<vmem>>
      %dma_wait3A_78 = tpu.memref_squeeze %dma_wait3A_77 : memref<1x64x128xf32, #tpu.memory_space<vmem>> -> memref<64x128xf32, #tpu.memory_space<vmem>>
      tpu.wait_dma2 semaphore(%run_scoped3A_56 : memref<!tpu.dma_semaphore, #tpu.memory_space<semaphore_mem>>) src(%dma_wait3A_78 : memref<64x128xf32, #tpu.memory_space<vmem>>) dst(%dma_wait3A_74 : memref<64x128xf32, #tpu.memory_space<vmem_shared>>)
      tpu.yield
    }) : () -> ()
    %add3A_14 = arith.constant 64 : i32
    %add3A_15 = arith.addi %mul3A_2, %add3A_14 : i32
    %run_scoped3A_16 = arith.constant 0 : i32
    "tpu.region"() ({
      %run_scoped3A_56 = tpu.sem_alloc : memref<!tpu.dma_semaphore, #tpu.memory_space<semaphore_mem>>
      %dma_start3A = arith.constant 0 : i32
      %dma_start3A_57 = arith.constant 0 : i32
      %dma_start3A_58 = tpu.memref_slice %arg9[%run_scoped3A_16, %dma_start3A, %dma_start3A_57] : memref<4x64x128xf32, #tpu.memory_space<vmem>> -> memref<1x64x128xf32, #tpu.memory_space<vmem>>
      %dma_start3A_59 = tpu.memref_squeeze %dma_start3A_58 : memref<1x64x128xf32, #tpu.memory_space<vmem>> -> memref<64x128xf32, #tpu.memory_space<vmem>>
      %dma_start3A_60 = arith.constant 0 : i32
      %dma_start3A_61 = tpu.memref_slice %arg11[%add3A_15, %dma_start3A_60] : memref<10240x128xf32, #tpu.memory_space<vmem_shared>> -> memref<64x128xf32, #tpu.memory_space<vmem_shared>>
      %dma_start3A_62 = arith.constant 0 : i32
      %dma_start3A_63 = tpu.memref_slice %arg11[%add3A_15, %dma_start3A_62] : memref<10240x128xf32, #tpu.memory_space<vmem_shared>> -> memref<64x128xf32, #tpu.memory_space<vmem_shared>>
      %dma_start3A_64 = arith.constant 0 : i32
      %dma_start3A_65 = arith.constant 0 : i32
      %dma_start3A_66 = tpu.memref_slice %arg9[%run_scoped3A_16, %dma_start3A_64, %dma_start3A_65] : memref<4x64x128xf32, #tpu.memory_space<vmem>> -> memref<1x64x128xf32, #tpu.memory_space<vmem>>
      %dma_start3A_67 = tpu.memref_squeeze %dma_start3A_66 : memref<1x64x128xf32, #tpu.memory_space<vmem>> -> memref<64x128xf32, #tpu.memory_space<vmem>>
      tpu.enqueue_dma source(%dma_start3A_67 : memref<64x128xf32, #tpu.memory_space<vmem>>) target(%dma_start3A_63 : memref<64x128xf32, #tpu.memory_space<vmem_shared>>) target_semaphore(%run_scoped3A_56 : memref<!tpu.dma_semaphore, #tpu.memory_space<semaphore_mem>>)
      %dma_wait3A = arith.constant 0 : i32
      %dma_wait3A_68 = arith.constant 0 : i32
      %dma_wait3A_69 = tpu.memref_slice %arg9[%run_scoped3A_16, %dma_wait3A, %dma_wait3A_68] : memref<4x64x128xf32, #tpu.memory_space<vmem>> -> memref<1x64x128xf32, #tpu.memory_space<vmem>>
      %dma_wait3A_70 = tpu.memref_squeeze %dma_wait3A_69 : memref<1x64x128xf32, #tpu.memory_space<vmem>> -> memref<64x128xf32, #tpu.memory_space<vmem>>
      %dma_wait3A_71 = arith.constant 0 : i32
      %dma_wait3A_72 = tpu.memref_slice %arg11[%add3A_15, %dma_wait3A_71] : memref<10240x128xf32, #tpu.memory_space<vmem_shared>> -> memref<64x128xf32, #tpu.memory_space<vmem_shared>>
      %dma_wait3A_73 = arith.constant 0 : i32
      %dma_wait3A_74 = tpu.memref_slice %arg11[%add3A_15, %dma_wait3A_73] : memref<10240x128xf32, #tpu.memory_space<vmem_shared>> -> memref<64x128xf32, #tpu.memory_space<vmem_shared>>
      %dma_wait3A_75 = arith.constant 0 : i32
      %dma_wait3A_76 = arith.constant 0 : i32
      %dma_wait3A_77 = tpu.memref_slice %arg9[%run_scoped3A_16, %dma_wait3A_75, %dma_wait3A_76] : memref<4x64x128xf32, #tpu.memory_space<vmem>> -> memref<1x64x128xf32, #tpu.memory_space<vmem>>
      %dma_wait3A_78 = tpu.memref_squeeze %dma_wait3A_77 : memref<1x64x128xf32, #tpu.memory_space<vmem>> -> memref<64x128xf32, #tpu.memory_space<vmem>>
      tpu.wait_dma2 semaphore(%run_scoped3A_56 : memref<!tpu.dma_semaphore, #tpu.memory_space<semaphore_mem>>) src(%dma_wait3A_78 : memref<64x128xf32, #tpu.memory_space<vmem>>) dst(%dma_wait3A_74 : memref<64x128xf32, #tpu.memory_space<vmem_shared>>)
      tpu.yield
    }) : () -> ()
    %add3A_17 = arith.constant 128 : i32
    %add3A_18 = arith.addi %mul3A_2, %add3A_17 : i32
    %run_scoped3A_19 = arith.constant 0 : i32
    "tpu.region"() ({
      %run_scoped3A_56 = tpu.sem_alloc : memref<!tpu.dma_semaphore, #tpu.memory_space<semaphore_mem>>
      %dma_start3A = arith.constant 0 : i32
      %dma_start3A_57 = arith.constant 0 : i32
      %dma_start3A_58 = tpu.memref_slice %arg9[%run_scoped3A_19, %dma_start3A, %dma_start3A_57] : memref<4x64x128xf32, #tpu.memory_space<vmem>> -> memref<1x64x128xf32, #tpu.memory_space<vmem>>
      %dma_start3A_59 = tpu.memref_squeeze %dma_start3A_58 : memref<1x64x128xf32, #tpu.memory_space<vmem>> -> memref<64x128xf32, #tpu.memory_space<vmem>>
      %dma_start3A_60 = arith.constant 0 : i32
      %dma_start3A_61 = tpu.memref_slice %arg11[%add3A_18, %dma_start3A_60] : memref<10240x128xf32, #tpu.memory_space<vmem_shared>> -> memref<64x128xf32, #tpu.memory_space<vmem_shared>>
      %dma_start3A_62 = arith.constant 0 : i32
      %dma_start3A_63 = tpu.memref_slice %arg11[%add3A_18, %dma_start3A_62] : memref<10240x128xf32, #tpu.memory_space<vmem_shared>> -> memref<64x128xf32, #tpu.memory_space<vmem_shared>>
      %dma_start3A_64 = arith.constant 0 : i32
      %dma_start3A_65 = arith.constant 0 : i32
      %dma_start3A_66 = tpu.memref_slice %arg9[%run_scoped3A_19, %dma_start3A_64, %dma_start3A_65] : memref<4x64x128xf32, #tpu.memory_space<vmem>> -> memref<1x64x128xf32, #tpu.memory_space<vmem>>
      %dma_start3A_67 = tpu.memref_squeeze %dma_start3A_66 : memref<1x64x128xf32, #tpu.memory_space<vmem>> -> memref<64x128xf32, #tpu.memory_space<vmem>>
      tpu.enqueue_dma source(%dma_start3A_67 : memref<64x128xf32, #tpu.memory_space<vmem>>) target(%dma_start3A_63 : memref<64x128xf32, #tpu.memory_space<vmem_shared>>) target_semaphore(%run_scoped3A_56 : memref<!tpu.dma_semaphore, #tpu.memory_space<semaphore_mem>>)
      %dma_wait3A = arith.constant 0 : i32
      %dma_wait3A_68 = arith.constant 0 : i32
      %dma_wait3A_69 = tpu.memref_slice %arg9[%run_scoped3A_19, %dma_wait3A, %dma_wait3A_68] : memref<4x64x128xf32, #tpu.memory_space<vmem>> -> memref<1x64x128xf32, #tpu.memory_space<vmem>>
      %dma_wait3A_70 = tpu.memref_squeeze %dma_wait3A_69 : memref<1x64x128xf32, #tpu.memory_space<vmem>> -> memref<64x128xf32, #tpu.memory_space<vmem>>
      %dma_wait3A_71 = arith.constant 0 : i32
      %dma_wait3A_72 = tpu.memref_slice %arg11[%add3A_18, %dma_wait3A_71] : memref<10240x128xf32, #tpu.memory_space<vmem_shared>> -> memref<64x128xf32, #tpu.memory_space<vmem_shared>>
      %dma_wait3A_73 = arith.constant 0 : i32
      %dma_wait3A_74 = tpu.memref_slice %arg11[%add3A_18, %dma_wait3A_73] : memref<10240x128xf32, #tpu.memory_space<vmem_shared>> -> memref<64x128xf32, #tpu.memory_space<vmem_shared>>
      %dma_wait3A_75 = arith.constant 0 : i32
      %dma_wait3A_76 = arith.constant 0 : i32
      %dma_wait3A_77 = tpu.memref_slice %arg9[%run_scoped3A_19, %dma_wait3A_75, %dma_wait3A_76] : memref<4x64x128xf32, #tpu.memory_space<vmem>> -> memref<1x64x128xf32, #tpu.memory_space<vmem>>
      %dma_wait3A_78 = tpu.memref_squeeze %dma_wait3A_77 : memref<1x64x128xf32, #tpu.memory_space<vmem>> -> memref<64x128xf32, #tpu.memory_space<vmem>>
      tpu.wait_dma2 semaphore(%run_scoped3A_56 : memref<!tpu.dma_semaphore, #tpu.memory_space<semaphore_mem>>) src(%dma_wait3A_78 : memref<64x128xf32, #tpu.memory_space<vmem>>) dst(%dma_wait3A_74 : memref<64x128xf32, #tpu.memory_space<vmem_shared>>)
      tpu.yield
    }) : () -> ()
    %add3A_20 = arith.constant 192 : i32
    %add3A_21 = arith.addi %mul3A_2, %add3A_20 : i32
    %run_scoped3A_22 = arith.constant 0 : i32
    "tpu.region"() ({
      %run_scoped3A_56 = tpu.sem_alloc : memref<!tpu.dma_semaphore, #tpu.memory_space<semaphore_mem>>
      %dma_start3A = arith.constant 0 : i32
      %dma_start3A_57 = arith.constant 0 : i32
      %dma_start3A_58 = tpu.memref_slice %arg9[%run_scoped3A_22, %dma_start3A, %dma_start3A_57] : memref<4x64x128xf32, #tpu.memory_space<vmem>> -> memref<1x64x128xf32, #tpu.memory_space<vmem>>
      %dma_start3A_59 = tpu.memref_squeeze %dma_start3A_58 : memref<1x64x128xf32, #tpu.memory_space<vmem>> -> memref<64x128xf32, #tpu.memory_space<vmem>>
      %dma_start3A_60 = arith.constant 0 : i32
      %dma_start3A_61 = tpu.memref_slice %arg11[%add3A_21, %dma_start3A_60] : memref<10240x128xf32, #tpu.memory_space<vmem_shared>> -> memref<64x128xf32, #tpu.memory_space<vmem_shared>>
      %dma_start3A_62 = arith.constant 0 : i32
      %dma_start3A_63 = tpu.memref_slice %arg11[%add3A_21, %dma_start3A_62] : memref<10240x128xf32, #tpu.memory_space<vmem_shared>> -> memref<64x128xf32, #tpu.memory_space<vmem_shared>>
      %dma_start3A_64 = arith.constant 0 : i32
      %dma_start3A_65 = arith.constant 0 : i32
      %dma_start3A_66 = tpu.memref_slice %arg9[%run_scoped3A_22, %dma_start3A_64, %dma_start3A_65] : memref<4x64x128xf32, #tpu.memory_space<vmem>> -> memref<1x64x128xf32, #tpu.memory_space<vmem>>
      %dma_start3A_67 = tpu.memref_squeeze %dma_start3A_66 : memref<1x64x128xf32, #tpu.memory_space<vmem>> -> memref<64x128xf32, #tpu.memory_space<vmem>>
      tpu.enqueue_dma source(%dma_start3A_67 : memref<64x128xf32, #tpu.memory_space<vmem>>) target(%dma_start3A_63 : memref<64x128xf32, #tpu.memory_space<vmem_shared>>) target_semaphore(%run_scoped3A_56 : memref<!tpu.dma_semaphore, #tpu.memory_space<semaphore_mem>>)
      %dma_wait3A = arith.constant 0 : i32
      %dma_wait3A_68 = arith.constant 0 : i32
      %dma_wait3A_69 = tpu.memref_slice %arg9[%run_scoped3A_22, %dma_wait3A, %dma_wait3A_68] : memref<4x64x128xf32, #tpu.memory_space<vmem>> -> memref<1x64x128xf32, #tpu.memory_space<vmem>>
      %dma_wait3A_70 = tpu.memref_squeeze %dma_wait3A_69 : memref<1x64x128xf32, #tpu.memory_space<vmem>> -> memref<64x128xf32, #tpu.memory_space<vmem>>
      %dma_wait3A_71 = arith.constant 0 : i32
      %dma_wait3A_72 = tpu.memref_slice %arg11[%add3A_21, %dma_wait3A_71] : memref<10240x128xf32, #tpu.memory_space<vmem_shared>> -> memref<64x128xf32, #tpu.memory_space<vmem_shared>>
      %dma_wait3A_73 = arith.constant 0 : i32
      %dma_wait3A_74 = tpu.memref_slice %arg11[%add3A_21, %dma_wait3A_73] : memref<10240x128xf32, #tpu.memory_space<vmem_shared>> -> memref<64x128xf32, #tpu.memory_space<vmem_shared>>
      %dma_wait3A_75 = arith.constant 0 : i32
      %dma_wait3A_76 = arith.constant 0 : i32
      %dma_wait3A_77 = tpu.memref_slice %arg9[%run_scoped3A_22, %dma_wait3A_75, %dma_wait3A_76] : memref<4x64x128xf32, #tpu.memory_space<vmem>> -> memref<1x64x128xf32, #tpu.memory_space<vmem>>
      %dma_wait3A_78 = tpu.memref_squeeze %dma_wait3A_77 : memref<1x64x128xf32, #tpu.memory_space<vmem>> -> memref<64x128xf32, #tpu.memory_space<vmem>>
      tpu.wait_dma2 semaphore(%run_scoped3A_56 : memref<!tpu.dma_semaphore, #tpu.memory_space<semaphore_mem>>) src(%dma_wait3A_78 : memref<64x128xf32, #tpu.memory_space<vmem>>) dst(%dma_wait3A_74 : memref<64x128xf32, #tpu.memory_space<vmem_shared>>)
      tpu.yield
    }) : () -> ()
    %add3A_23 = arith.constant 256 : i32
    %add3A_24 = arith.addi %mul3A_2, %add3A_23 : i32
    %run_scoped3A_25 = arith.constant 0 : i32
    "tpu.region"() ({
      %run_scoped3A_56 = tpu.sem_alloc : memref<!tpu.dma_semaphore, #tpu.memory_space<semaphore_mem>>
      %dma_start3A = arith.constant 0 : i32
      %dma_start3A_57 = arith.constant 0 : i32
      %dma_start3A_58 = tpu.memref_slice %arg9[%run_scoped3A_25, %dma_start3A, %dma_start3A_57] : memref<4x64x128xf32, #tpu.memory_space<vmem>> -> memref<1x64x128xf32, #tpu.memory_space<vmem>>
      %dma_start3A_59 = tpu.memref_squeeze %dma_start3A_58 : memref<1x64x128xf32, #tpu.memory_space<vmem>> -> memref<64x128xf32, #tpu.memory_space<vmem>>
      %dma_start3A_60 = arith.constant 0 : i32
      %dma_start3A_61 = tpu.memref_slice %arg11[%add3A_24, %dma_start3A_60] : memref<10240x128xf32, #tpu.memory_space<vmem_shared>> -> memref<64x128xf32, #tpu.memory_space<vmem_shared>>
      %dma_start3A_62 = arith.constant 0 : i32
      %dma_start3A_63 = tpu.memref_slice %arg11[%add3A_24, %dma_start3A_62] : memref<10240x128xf32, #tpu.memory_space<vmem_shared>> -> memref<64x128xf32, #tpu.memory_space<vmem_shared>>
      %dma_start3A_64 = arith.constant 0 : i32
      %dma_start3A_65 = arith.constant 0 : i32
      %dma_start3A_66 = tpu.memref_slice %arg9[%run_scoped3A_25, %dma_start3A_64, %dma_start3A_65] : memref<4x64x128xf32, #tpu.memory_space<vmem>> -> memref<1x64x128xf32, #tpu.memory_space<vmem>>
      %dma_start3A_67 = tpu.memref_squeeze %dma_start3A_66 : memref<1x64x128xf32, #tpu.memory_space<vmem>> -> memref<64x128xf32, #tpu.memory_space<vmem>>
      tpu.enqueue_dma source(%dma_start3A_67 : memref<64x128xf32, #tpu.memory_space<vmem>>) target(%dma_start3A_63 : memref<64x128xf32, #tpu.memory_space<vmem_shared>>) target_semaphore(%run_scoped3A_56 : memref<!tpu.dma_semaphore, #tpu.memory_space<semaphore_mem>>)
      %dma_wait3A = arith.constant 0 : i32
      %dma_wait3A_68 = arith.constant 0 : i32
      %dma_wait3A_69 = tpu.memref_slice %arg9[%run_scoped3A_25, %dma_wait3A, %dma_wait3A_68] : memref<4x64x128xf32, #tpu.memory_space<vmem>> -> memref<1x64x128xf32, #tpu.memory_space<vmem>>
      %dma_wait3A_70 = tpu.memref_squeeze %dma_wait3A_69 : memref<1x64x128xf32, #tpu.memory_space<vmem>> -> memref<64x128xf32, #tpu.memory_space<vmem>>
      %dma_wait3A_71 = arith.constant 0 : i32
      %dma_wait3A_72 = tpu.memref_slice %arg11[%add3A_24, %dma_wait3A_71] : memref<10240x128xf32, #tpu.memory_space<vmem_shared>> -> memref<64x128xf32, #tpu.memory_space<vmem_shared>>
      %dma_wait3A_73 = arith.constant 0 : i32
      %dma_wait3A_74 = tpu.memref_slice %arg11[%add3A_24, %dma_wait3A_73] : memref<10240x128xf32, #tpu.memory_space<vmem_shared>> -> memref<64x128xf32, #tpu.memory_space<vmem_shared>>
      %dma_wait3A_75 = arith.constant 0 : i32
      %dma_wait3A_76 = arith.constant 0 : i32
      %dma_wait3A_77 = tpu.memref_slice %arg9[%run_scoped3A_25, %dma_wait3A_75, %dma_wait3A_76] : memref<4x64x128xf32, #tpu.memory_space<vmem>> -> memref<1x64x128xf32, #tpu.memory_space<vmem>>
      %dma_wait3A_78 = tpu.memref_squeeze %dma_wait3A_77 : memref<1x64x128xf32, #tpu.memory_space<vmem>> -> memref<64x128xf32, #tpu.memory_space<vmem>>
      tpu.wait_dma2 semaphore(%run_scoped3A_56 : memref<!tpu.dma_semaphore, #tpu.memory_space<semaphore_mem>>) src(%dma_wait3A_78 : memref<64x128xf32, #tpu.memory_space<vmem>>) dst(%dma_wait3A_74 : memref<64x128xf32, #tpu.memory_space<vmem_shared>>)
      tpu.yield
    }) : () -> ()
    %add3A_26 = arith.constant 320 : i32
    %add3A_27 = arith.addi %mul3A_2, %add3A_26 : i32
    %run_scoped3A_28 = arith.constant 0 : i32
    "tpu.region"() ({
      %run_scoped3A_56 = tpu.sem_alloc : memref<!tpu.dma_semaphore, #tpu.memory_space<semaphore_mem>>
      %dma_start3A = arith.constant 0 : i32
      %dma_start3A_57 = arith.constant 0 : i32
      %dma_start3A_58 = tpu.memref_slice %arg9[%run_scoped3A_28, %dma_start3A, %dma_start3A_57] : memref<4x64x128xf32, #tpu.memory_space<vmem>> -> memref<1x64x128xf32, #tpu.memory_space<vmem>>
      %dma_start3A_59 = tpu.memref_squeeze %dma_start3A_58 : memref<1x64x128xf32, #tpu.memory_space<vmem>> -> memref<64x128xf32, #tpu.memory_space<vmem>>
      %dma_start3A_60 = arith.constant 0 : i32
      %dma_start3A_61 = tpu.memref_slice %arg11[%add3A_27, %dma_start3A_60] : memref<10240x128xf32, #tpu.memory_space<vmem_shared>> -> memref<64x128xf32, #tpu.memory_space<vmem_shared>>
      %dma_start3A_62 = arith.constant 0 : i32
      %dma_start3A_63 = tpu.memref_slice %arg11[%add3A_27, %dma_start3A_62] : memref<10240x128xf32, #tpu.memory_space<vmem_shared>> -> memref<64x128xf32, #tpu.memory_space<vmem_shared>>
      %dma_start3A_64 = arith.constant 0 : i32
      %dma_start3A_65 = arith.constant 0 : i32
      %dma_start3A_66 = tpu.memref_slice %arg9[%run_scoped3A_28, %dma_start3A_64, %dma_start3A_65] : memref<4x64x128xf32, #tpu.memory_space<vmem>> -> memref<1x64x128xf32, #tpu.memory_space<vmem>>
      %dma_start3A_67 = tpu.memref_squeeze %dma_start3A_66 : memref<1x64x128xf32, #tpu.memory_space<vmem>> -> memref<64x128xf32, #tpu.memory_space<vmem>>
      tpu.enqueue_dma source(%dma_start3A_67 : memref<64x128xf32, #tpu.memory_space<vmem>>) target(%dma_start3A_63 : memref<64x128xf32, #tpu.memory_space<vmem_shared>>) target_semaphore(%run_scoped3A_56 : memref<!tpu.dma_semaphore, #tpu.memory_space<semaphore_mem>>)
      %dma_wait3A = arith.constant 0 : i32
      %dma_wait3A_68 = arith.constant 0 : i32
      %dma_wait3A_69 = tpu.memref_slice %arg9[%run_scoped3A_28, %dma_wait3A, %dma_wait3A_68] : memref<4x64x128xf32, #tpu.memory_space<vmem>> -> memref<1x64x128xf32, #tpu.memory_space<vmem>>
      %dma_wait3A_70 = tpu.memref_squeeze %dma_wait3A_69 : memref<1x64x128xf32, #tpu.memory_space<vmem>> -> memref<64x128xf32, #tpu.memory_space<vmem>>
      %dma_wait3A_71 = arith.constant 0 : i32
      %dma_wait3A_72 = tpu.memref_slice %arg11[%add3A_27, %dma_wait3A_71] : memref<10240x128xf32, #tpu.memory_space<vmem_shared>> -> memref<64x128xf32, #tpu.memory_space<vmem_shared>>
      %dma_wait3A_73 = arith.constant 0 : i32
      %dma_wait3A_74 = tpu.memref_slice %arg11[%add3A_27, %dma_wait3A_73] : memref<10240x128xf32, #tpu.memory_space<vmem_shared>> -> memref<64x128xf32, #tpu.memory_space<vmem_shared>>
      %dma_wait3A_75 = arith.constant 0 : i32
      %dma_wait3A_76 = arith.constant 0 : i32
      %dma_wait3A_77 = tpu.memref_slice %arg9[%run_scoped3A_28, %dma_wait3A_75, %dma_wait3A_76] : memref<4x64x128xf32, #tpu.memory_space<vmem>> -> memref<1x64x128xf32, #tpu.memory_space<vmem>>
      %dma_wait3A_78 = tpu.memref_squeeze %dma_wait3A_77 : memref<1x64x128xf32, #tpu.memory_space<vmem>> -> memref<64x128xf32, #tpu.memory_space<vmem>>
      tpu.wait_dma2 semaphore(%run_scoped3A_56 : memref<!tpu.dma_semaphore, #tpu.memory_space<semaphore_mem>>) src(%dma_wait3A_78 : memref<64x128xf32, #tpu.memory_space<vmem>>) dst(%dma_wait3A_74 : memref<64x128xf32, #tpu.memory_space<vmem_shared>>)
      tpu.yield
    }) : () -> ()
    %add3A_29 = arith.constant 384 : i32
    %add3A_30 = arith.addi %mul3A_2, %add3A_29 : i32
    %run_scoped3A_31 = arith.constant 0 : i32
    "tpu.region"() ({
      %run_scoped3A_56 = tpu.sem_alloc : memref<!tpu.dma_semaphore, #tpu.memory_space<semaphore_mem>>
      %dma_start3A = arith.constant 0 : i32
      %dma_start3A_57 = arith.constant 0 : i32
      %dma_start3A_58 = tpu.memref_slice %arg9[%run_scoped3A_31, %dma_start3A, %dma_start3A_57] : memref<4x64x128xf32, #tpu.memory_space<vmem>> -> memref<1x64x128xf32, #tpu.memory_space<vmem>>
      %dma_start3A_59 = tpu.memref_squeeze %dma_start3A_58 : memref<1x64x128xf32, #tpu.memory_space<vmem>> -> memref<64x128xf32, #tpu.memory_space<vmem>>
      %dma_start3A_60 = arith.constant 0 : i32
      %dma_start3A_61 = tpu.memref_slice %arg11[%add3A_30, %dma_start3A_60] : memref<10240x128xf32, #tpu.memory_space<vmem_shared>> -> memref<64x128xf32, #tpu.memory_space<vmem_shared>>
      %dma_start3A_62 = arith.constant 0 : i32
      %dma_start3A_63 = tpu.memref_slice %arg11[%add3A_30, %dma_start3A_62] : memref<10240x128xf32, #tpu.memory_space<vmem_shared>> -> memref<64x128xf32, #tpu.memory_space<vmem_shared>>
      %dma_start3A_64 = arith.constant 0 : i32
      %dma_start3A_65 = arith.constant 0 : i32
      %dma_start3A_66 = tpu.memref_slice %arg9[%run_scoped3A_31, %dma_start3A_64, %dma_start3A_65] : memref<4x64x128xf32, #tpu.memory_space<vmem>> -> memref<1x64x128xf32, #tpu.memory_space<vmem>>
      %dma_start3A_67 = tpu.memref_squeeze %dma_start3A_66 : memref<1x64x128xf32, #tpu.memory_space<vmem>> -> memref<64x128xf32, #tpu.memory_space<vmem>>
      tpu.enqueue_dma source(%dma_start3A_67 : memref<64x128xf32, #tpu.memory_space<vmem>>) target(%dma_start3A_63 : memref<64x128xf32, #tpu.memory_space<vmem_shared>>) target_semaphore(%run_scoped3A_56 : memref<!tpu.dma_semaphore, #tpu.memory_space<semaphore_mem>>)
      %dma_wait3A = arith.constant 0 : i32
      %dma_wait3A_68 = arith.constant 0 : i32
      %dma_wait3A_69 = tpu.memref_slice %arg9[%run_scoped3A_31, %dma_wait3A, %dma_wait3A_68] : memref<4x64x128xf32, #tpu.memory_space<vmem>> -> memref<1x64x128xf32, #tpu.memory_space<vmem>>
      %dma_wait3A_70 = tpu.memref_squeeze %dma_wait3A_69 : memref<1x64x128xf32, #tpu.memory_space<vmem>> -> memref<64x128xf32, #tpu.memory_space<vmem>>
      %dma_wait3A_71 = arith.constant 0 : i32
      %dma_wait3A_72 = tpu.memref_slice %arg11[%add3A_30, %dma_wait3A_71] : memref<10240x128xf32, #tpu.memory_space<vmem_shared>> -> memref<64x128xf32, #tpu.memory_space<vmem_shared>>
      %dma_wait3A_73 = arith.constant 0 : i32
      %dma_wait3A_74 = tpu.memref_slice %arg11[%add3A_30, %dma_wait3A_73] : memref<10240x128xf32, #tpu.memory_space<vmem_shared>> -> memref<64x128xf32, #tpu.memory_space<vmem_shared>>
      %dma_wait3A_75 = arith.constant 0 : i32
      %dma_wait3A_76 = arith.constant 0 : i32
      %dma_wait3A_77 = tpu.memref_slice %arg9[%run_scoped3A_31, %dma_wait3A_75, %dma_wait3A_76] : memref<4x64x128xf32, #tpu.memory_space<vmem>> -> memref<1x64x128xf32, #tpu.memory_space<vmem>>
      %dma_wait3A_78 = tpu.memref_squeeze %dma_wait3A_77 : memref<1x64x128xf32, #tpu.memory_space<vmem>> -> memref<64x128xf32, #tpu.memory_space<vmem>>
      tpu.wait_dma2 semaphore(%run_scoped3A_56 : memref<!tpu.dma_semaphore, #tpu.memory_space<semaphore_mem>>) src(%dma_wait3A_78 : memref<64x128xf32, #tpu.memory_space<vmem>>) dst(%dma_wait3A_74 : memref<64x128xf32, #tpu.memory_space<vmem_shared>>)
      tpu.yield
    }) : () -> ()
    %add3A_32 = arith.constant 448 : i32
    %add3A_33 = arith.addi %mul3A_2, %add3A_32 : i32
    %run_scoped3A_34 = arith.constant 0 : i32
    "tpu.region"() ({
      %run_scoped3A_56 = tpu.sem_alloc : memref<!tpu.dma_semaphore, #tpu.memory_space<semaphore_mem>>
      %dma_start3A = arith.constant 0 : i32
      %dma_start3A_57 = arith.constant 0 : i32
      %dma_start3A_58 = tpu.memref_slice %arg9[%run_scoped3A_34, %dma_start3A, %dma_start3A_57] : memref<4x64x128xf32, #tpu.memory_space<vmem>> -> memref<1x64x128xf32, #tpu.memory_space<vmem>>
      %dma_start3A_59 = tpu.memref_squeeze %dma_start3A_58 : memref<1x64x128xf32, #tpu.memory_space<vmem>> -> memref<64x128xf32, #tpu.memory_space<vmem>>
      %dma_start3A_60 = arith.constant 0 : i32
      %dma_start3A_61 = tpu.memref_slice %arg11[%add3A_33, %dma_start3A_60] : memref<10240x128xf32, #tpu.memory_space<vmem_shared>> -> memref<64x128xf32, #tpu.memory_space<vmem_shared>>
      %dma_start3A_62 = arith.constant 0 : i32
      %dma_start3A_63 = tpu.memref_slice %arg11[%add3A_33, %dma_start3A_62] : memref<10240x128xf32, #tpu.memory_space<vmem_shared>> -> memref<64x128xf32, #tpu.memory_space<vmem_shared>>
      %dma_start3A_64 = arith.constant 0 : i32
      %dma_start3A_65 = arith.constant 0 : i32
      %dma_start3A_66 = tpu.memref_slice %arg9[%run_scoped3A_34, %dma_start3A_64, %dma_start3A_65] : memref<4x64x128xf32, #tpu.memory_space<vmem>> -> memref<1x64x128xf32, #tpu.memory_space<vmem>>
      %dma_start3A_67 = tpu.memref_squeeze %dma_start3A_66 : memref<1x64x128xf32, #tpu.memory_space<vmem>> -> memref<64x128xf32, #tpu.memory_space<vmem>>
      tpu.enqueue_dma source(%dma_start3A_67 : memref<64x128xf32, #tpu.memory_space<vmem>>) target(%dma_start3A_63 : memref<64x128xf32, #tpu.memory_space<vmem_shared>>) target_semaphore(%run_scoped3A_56 : memref<!tpu.dma_semaphore, #tpu.memory_space<semaphore_mem>>)
      %dma_wait3A = arith.constant 0 : i32
      %dma_wait3A_68 = arith.constant 0 : i32
      %dma_wait3A_69 = tpu.memref_slice %arg9[%run_scoped3A_34, %dma_wait3A, %dma_wait3A_68] : memref<4x64x128xf32, #tpu.memory_space<vmem>> -> memref<1x64x128xf32, #tpu.memory_space<vmem>>
      %dma_wait3A_70 = tpu.memref_squeeze %dma_wait3A_69 : memref<1x64x128xf32, #tpu.memory_space<vmem>> -> memref<64x128xf32, #tpu.memory_space<vmem>>
      %dma_wait3A_71 = arith.constant 0 : i32
      %dma_wait3A_72 = tpu.memref_slice %arg11[%add3A_33, %dma_wait3A_71] : memref<10240x128xf32, #tpu.memory_space<vmem_shared>> -> memref<64x128xf32, #tpu.memory_space<vmem_shared>>
      %dma_wait3A_73 = arith.constant 0 : i32
      %dma_wait3A_74 = tpu.memref_slice %arg11[%add3A_33, %dma_wait3A_73] : memref<10240x128xf32, #tpu.memory_space<vmem_shared>> -> memref<64x128xf32, #tpu.memory_space<vmem_shared>>
      %dma_wait3A_75 = arith.constant 0 : i32
      %dma_wait3A_76 = arith.constant 0 : i32
      %dma_wait3A_77 = tpu.memref_slice %arg9[%run_scoped3A_34, %dma_wait3A_75, %dma_wait3A_76] : memref<4x64x128xf32, #tpu.memory_space<vmem>> -> memref<1x64x128xf32, #tpu.memory_space<vmem>>
      %dma_wait3A_78 = tpu.memref_squeeze %dma_wait3A_77 : memref<1x64x128xf32, #tpu.memory_space<vmem>> -> memref<64x128xf32, #tpu.memory_space<vmem>>
      tpu.wait_dma2 semaphore(%run_scoped3A_56 : memref<!tpu.dma_semaphore, #tpu.memory_space<semaphore_mem>>) src(%dma_wait3A_78 : memref<64x128xf32, #tpu.memory_space<vmem>>) dst(%dma_wait3A_74 : memref<64x128xf32, #tpu.memory_space<vmem_shared>>)
      tpu.yield
    }) : () -> ()
    %add3A_35 = arith.constant 512 : i32
    %add3A_36 = arith.addi %mul3A_2, %add3A_35 : i32
    %run_scoped3A_37 = arith.constant 0 : i32
    "tpu.region"() ({
      %run_scoped3A_56 = tpu.sem_alloc : memref<!tpu.dma_semaphore, #tpu.memory_space<semaphore_mem>>
      %dma_start3A = arith.constant 0 : i32
      %dma_start3A_57 = arith.constant 0 : i32
      %dma_start3A_58 = tpu.memref_slice %arg9[%run_scoped3A_37, %dma_start3A, %dma_start3A_57] : memref<4x64x128xf32, #tpu.memory_space<vmem>> -> memref<1x64x128xf32, #tpu.memory_space<vmem>>
      %dma_start3A_59 = tpu.memref_squeeze %dma_start3A_58 : memref<1x64x128xf32, #tpu.memory_space<vmem>> -> memref<64x128xf32, #tpu.memory_space<vmem>>
      %dma_start3A_60 = arith.constant 0 : i32
      %dma_start3A_61 = tpu.memref_slice %arg11[%add3A_36, %dma_start3A_60] : memref<10240x128xf32, #tpu.memory_space<vmem_shared>> -> memref<64x128xf32, #tpu.memory_space<vmem_shared>>
      %dma_start3A_62 = arith.constant 0 : i32
      %dma_start3A_63 = tpu.memref_slice %arg11[%add3A_36, %dma_start3A_62] : memref<10240x128xf32, #tpu.memory_space<vmem_shared>> -> memref<64x128xf32, #tpu.memory_space<vmem_shared>>
      %dma_start3A_64 = arith.constant 0 : i32
      %dma_start3A_65 = arith.constant 0 : i32
      %dma_start3A_66 = tpu.memref_slice %arg9[%run_scoped3A_37, %dma_start3A_64, %dma_start3A_65] : memref<4x64x128xf32, #tpu.memory_space<vmem>> -> memref<1x64x128xf32, #tpu.memory_space<vmem>>
      %dma_start3A_67 = tpu.memref_squeeze %dma_start3A_66 : memref<1x64x128xf32, #tpu.memory_space<vmem>> -> memref<64x128xf32, #tpu.memory_space<vmem>>
      tpu.enqueue_dma source(%dma_start3A_67 : memref<64x128xf32, #tpu.memory_space<vmem>>) target(%dma_start3A_63 : memref<64x128xf32, #tpu.memory_space<vmem_shared>>) target_semaphore(%run_scoped3A_56 : memref<!tpu.dma_semaphore, #tpu.memory_space<semaphore_mem>>)
      %dma_wait3A = arith.constant 0 : i32
      %dma_wait3A_68 = arith.constant 0 : i32
      %dma_wait3A_69 = tpu.memref_slice %arg9[%run_scoped3A_37, %dma_wait3A, %dma_wait3A_68] : memref<4x64x128xf32, #tpu.memory_space<vmem>> -> memref<1x64x128xf32, #tpu.memory_space<vmem>>
      %dma_wait3A_70 = tpu.memref_squeeze %dma_wait3A_69 : memref<1x64x128xf32, #tpu.memory_space<vmem>> -> memref<64x128xf32, #tpu.memory_space<vmem>>
      %dma_wait3A_71 = arith.constant 0 : i32
      %dma_wait3A_72 = tpu.memref_slice %arg11[%add3A_36, %dma_wait3A_71] : memref<10240x128xf32, #tpu.memory_space<vmem_shared>> -> memref<64x128xf32, #tpu.memory_space<vmem_shared>>
      %dma_wait3A_73 = arith.constant 0 : i32
      %dma_wait3A_74 = tpu.memref_slice %arg11[%add3A_36, %dma_wait3A_73] : memref<10240x128xf32, #tpu.memory_space<vmem_shared>> -> memref<64x128xf32, #tpu.memory_space<vmem_shared>>
      %dma_wait3A_75 = arith.constant 0 : i32
      %dma_wait3A_76 = arith.constant 0 : i32
      %dma_wait3A_77 = tpu.memref_slice %arg9[%run_scoped3A_37, %dma_wait3A_75, %dma_wait3A_76] : memref<4x64x128xf32, #tpu.memory_space<vmem>> -> memref<1x64x128xf32, #tpu.memory_space<vmem>>
      %dma_wait3A_78 = tpu.memref_squeeze %dma_wait3A_77 : memref<1x64x128xf32, #tpu.memory_space<vmem>> -> memref<64x128xf32, #tpu.memory_space<vmem>>
      tpu.wait_dma2 semaphore(%run_scoped3A_56 : memref<!tpu.dma_semaphore, #tpu.memory_space<semaphore_mem>>) src(%dma_wait3A_78 : memref<64x128xf32, #tpu.memory_space<vmem>>) dst(%dma_wait3A_74 : memref<64x128xf32, #tpu.memory_space<vmem_shared>>)
      tpu.yield
    }) : () -> ()
    %add3A_38 = arith.constant 576 : i32
    %add3A_39 = arith.addi %mul3A_2, %add3A_38 : i32
    %run_scoped3A_40 = arith.constant 0 : i32
    "tpu.region"() ({
      %run_scoped3A_56 = tpu.sem_alloc : memref<!tpu.dma_semaphore, #tpu.memory_space<semaphore_mem>>
      %dma_start3A = arith.constant 0 : i32
      %dma_start3A_57 = arith.constant 0 : i32
      %dma_start3A_58 = tpu.memref_slice %arg9[%run_scoped3A_40, %dma_start3A, %dma_start3A_57] : memref<4x64x128xf32, #tpu.memory_space<vmem>> -> memref<1x64x128xf32, #tpu.memory_space<vmem>>
      %dma_start3A_59 = tpu.memref_squeeze %dma_start3A_58 : memref<1x64x128xf32, #tpu.memory_space<vmem>> -> memref<64x128xf32, #tpu.memory_space<vmem>>
      %dma_start3A_60 = arith.constant 0 : i32
      %dma_start3A_61 = tpu.memref_slice %arg11[%add3A_39, %dma_start3A_60] : memref<10240x128xf32, #tpu.memory_space<vmem_shared>> -> memref<64x128xf32, #tpu.memory_space<vmem_shared>>
      %dma_start3A_62 = arith.constant 0 : i32
      %dma_start3A_63 = tpu.memref_slice %arg11[%add3A_39, %dma_start3A_62] : memref<10240x128xf32, #tpu.memory_space<vmem_shared>> -> memref<64x128xf32, #tpu.memory_space<vmem_shared>>
      %dma_start3A_64 = arith.constant 0 : i32
      %dma_start3A_65 = arith.constant 0 : i32
      %dma_start3A_66 = tpu.memref_slice %arg9[%run_scoped3A_40, %dma_start3A_64, %dma_start3A_65] : memref<4x64x128xf32, #tpu.memory_space<vmem>> -> memref<1x64x128xf32, #tpu.memory_space<vmem>>
      %dma_start3A_67 = tpu.memref_squeeze %dma_start3A_66 : memref<1x64x128xf32, #tpu.memory_space<vmem>> -> memref<64x128xf32, #tpu.memory_space<vmem>>
      tpu.enqueue_dma source(%dma_start3A_67 : memref<64x128xf32, #tpu.memory_space<vmem>>) target(%dma_start3A_63 : memref<64x128xf32, #tpu.memory_space<vmem_shared>>) target_semaphore(%run_scoped3A_56 : memref<!tpu.dma_semaphore, #tpu.memory_space<semaphore_mem>>)
      %dma_wait3A = arith.constant 0 : i32
      %dma_wait3A_68 = arith.constant 0 : i32
      %dma_wait3A_69 = tpu.memref_slice %arg9[%run_scoped3A_40, %dma_wait3A, %dma_wait3A_68] : memref<4x64x128xf32, #tpu.memory_space<vmem>> -> memref<1x64x128xf32, #tpu.memory_space<vmem>>
      %dma_wait3A_70 = tpu.memref_squeeze %dma_wait3A_69 : memref<1x64x128xf32, #tpu.memory_space<vmem>> -> memref<64x128xf32, #tpu.memory_space<vmem>>
      %dma_wait3A_71 = arith.constant 0 : i32
      %dma_wait3A_72 = tpu.memref_slice %arg11[%add3A_39, %dma_wait3A_71] : memref<10240x128xf32, #tpu.memory_space<vmem_shared>> -> memref<64x128xf32, #tpu.memory_space<vmem_shared>>
      %dma_wait3A_73 = arith.constant 0 : i32
      %dma_wait3A_74 = tpu.memref_slice %arg11[%add3A_39, %dma_wait3A_73] : memref<10240x128xf32, #tpu.memory_space<vmem_shared>> -> memref<64x128xf32, #tpu.memory_space<vmem_shared>>
      %dma_wait3A_75 = arith.constant 0 : i32
      %dma_wait3A_76 = arith.constant 0 : i32
      %dma_wait3A_77 = tpu.memref_slice %arg9[%run_scoped3A_40, %dma_wait3A_75, %dma_wait3A_76] : memref<4x64x128xf32, #tpu.memory_space<vmem>> -> memref<1x64x128xf32, #tpu.memory_space<vmem>>
      %dma_wait3A_78 = tpu.memref_squeeze %dma_wait3A_77 : memref<1x64x128xf32, #tpu.memory_space<vmem>> -> memref<64x128xf32, #tpu.memory_space<vmem>>
      tpu.wait_dma2 semaphore(%run_scoped3A_56 : memref<!tpu.dma_semaphore, #tpu.memory_space<semaphore_mem>>) src(%dma_wait3A_78 : memref<64x128xf32, #tpu.memory_space<vmem>>) dst(%dma_wait3A_74 : memref<64x128xf32, #tpu.memory_space<vmem_shared>>)
      tpu.yield
    }) : () -> ()
    %barrier3A = arith.constant 0 : index
    tpu.barrier barrier_id(%barrier3A)
    %mul3A_41 = arith.constant 160 : i32
    %mul3A_42 = arith.muli %add3A, %mul3A_41 : i32
    %broadcast_in_dim3A = arith.constant 1.000000e+00 : f32
    %broadcast_in_dim3A_43 = vector.broadcast %broadcast_in_dim3A : f32 to vector<16xf32>
    %scan3A_44 = arith.constant 0 : i32
    %scan3A_45 = arith.constant 10 : i32
    %scan3A_46 = arith.addi %scan3A_44, %scan3A_45 : i32
    %scan3A_47 = arith.constant 1 : i32
    scf.for %scan3A_56 = %scan3A_44 to %scan3A_46 step %scan3A_47  : i32 {
      %mul3A_57 = arith.constant 1 : i32
      %mul3A_58 = arith.muli %scan3A_56, %mul3A_57 : i32
      %add3A_59 = arith.constant 0 : i32
      %add3A_60 = arith.addi %add3A_59, %mul3A_58 : i32
      %mul3A_61 = arith.constant 16 : i32
      %mul3A_62 = arith.muli %add3A_60, %mul3A_61 : i32
      %add3A_63 = arith.addi %mul3A_42, %mul3A_62 : i32
      %multiple_of3A_64 = tpu.assume_multiple %add3A_63, 8 : i32
      "tpu.region"() ({
        %run_scoped3A_280 = tpu.sem_alloc : memref<!tpu.dma_semaphore, #tpu.memory_space<semaphore_mem>>
        %dma_start3A_281 = arith.constant 0 : i32
        %dma_start3A_282 = tpu.memref_slice %arg3[%multiple_of3A_64, %dma_start3A_281] : memref<5120x64xi32, #tpu.memory_space<hbm>> -> memref<16x64xi32, #tpu.memory_space<hbm>>
        %dma_start3A_283 = arith.constant 0 : i32
        %dma_start3A_284 = tpu.memref_slice %arg3[%multiple_of3A_64, %dma_start3A_283] : memref<5120x64xi32, #tpu.memory_space<hbm>> -> memref<16x64xi32, #tpu.memory_space<hbm>>
        tpu.enqueue_dma source(%dma_start3A_284 : memref<16x64xi32, #tpu.memory_space<hbm>>) target(%arg7 : memref<16x64xi32, #tpu.memory_space<vmem>>) target_semaphore(%run_scoped3A_280 : memref<!tpu.dma_semaphore, #tpu.memory_space<semaphore_mem>>)
        %dma_wait3A_285 = arith.constant 0 : i32
        %dma_wait3A_286 = tpu.memref_slice %arg3[%multiple_of3A_64, %dma_wait3A_285] : memref<5120x64xi32, #tpu.memory_space<hbm>> -> memref<16x64xi32, #tpu.memory_space<hbm>>
        %dma_wait3A_287 = arith.constant 0 : i32
        %dma_wait3A_288 = tpu.memref_slice %arg3[%multiple_of3A_64, %dma_wait3A_287] : memref<5120x64xi32, #tpu.memory_space<hbm>> -> memref<16x64xi32, #tpu.memory_space<hbm>>
        tpu.wait_dma2 semaphore(%run_scoped3A_280 : memref<!tpu.dma_semaphore, #tpu.memory_space<semaphore_mem>>) src(%dma_wait3A_288 : memref<16x64xi32, #tpu.memory_space<hbm>>) dst(%arg7 : memref<16x64xi32, #tpu.memory_space<vmem>>)
        tpu.yield
      }) : () -> ()
      "tpu.region"() ({
        %run_scoped3A_280 = tpu.sem_alloc : memref<!tpu.dma_semaphore, #tpu.memory_space<semaphore_mem>>
        %dma_start3A_281 = arith.constant 0 : i32
        %dma_start3A_282 = tpu.memref_slice %arg4[%multiple_of3A_64, %dma_start3A_281] : memref<5120x64xi32, #tpu.memory_space<hbm>> -> memref<16x64xi32, #tpu.memory_space<hbm>>
        %dma_start3A_283 = arith.constant 0 : i32
        %dma_start3A_284 = tpu.memref_slice %arg4[%multiple_of3A_64, %dma_start3A_283] : memref<5120x64xi32, #tpu.memory_space<hbm>> -> memref<16x64xi32, #tpu.memory_space<hbm>>
        tpu.enqueue_dma source(%dma_start3A_284 : memref<16x64xi32, #tpu.memory_space<hbm>>) target(%arg8 : memref<16x64xi32, #tpu.memory_space<vmem>>) target_semaphore(%run_scoped3A_280 : memref<!tpu.dma_semaphore, #tpu.memory_space<semaphore_mem>>)
        %dma_wait3A_285 = arith.constant 0 : i32
        %dma_wait3A_286 = tpu.memref_slice %arg4[%multiple_of3A_64, %dma_wait3A_285] : memref<5120x64xi32, #tpu.memory_space<hbm>> -> memref<16x64xi32, #tpu.memory_space<hbm>>
        %dma_wait3A_287 = arith.constant 0 : i32
        %dma_wait3A_288 = tpu.memref_slice %arg4[%multiple_of3A_64, %dma_wait3A_287] : memref<5120x64xi32, #tpu.memory_space<hbm>> -> memref<16x64xi32, #tpu.memory_space<hbm>>
        tpu.wait_dma2 semaphore(%run_scoped3A_280 : memref<!tpu.dma_semaphore, #tpu.memory_space<semaphore_mem>>) src(%dma_wait3A_288 : memref<16x64xi32, #tpu.memory_space<hbm>>) dst(%arg8 : memref<16x64xi32, #tpu.memory_space<vmem>>)
        tpu.yield
      }) : () -> ()
      %dma_start3A = arith.constant 0 : i32
      %dma_start3A_65 = arith.constant 0 : i32
      %dma_start3A_66 = arith.constant 0 : i32
      %dma_start3A_67 = arith.constant 0 : i32
      %dma_start3A_68 = tpu.memref_slice %arg9[%dma_start3A_65, %dma_start3A_66, %dma_start3A_67] : memref<4x64x128xf32, #tpu.memory_space<vmem>> -> memref<1x64x128xf32, #tpu.memory_space<vmem>>
      %dma_start3A_69 = tpu.memref_squeeze %dma_start3A_68 : memref<1x64x128xf32, #tpu.memory_space<vmem>> -> memref<64x128xf32, #tpu.memory_space<vmem>>
      %dma_start3A_70 = arith.constant 0 : i32
      %dma_start3A_71 = tpu.memref_slice %arg7[%dma_start3A, %dma_start3A_70] : memref<16x64xi32, #tpu.memory_space<vmem>> -> memref<1x64xi32, #tpu.memory_space<vmem>>
      %dma_start3A_72 = tpu.memref_squeeze %dma_start3A_71 : memref<1x64xi32, #tpu.memory_space<vmem>> -> memref<64xi32, #tpu.memory_space<vmem>>
      %dma_start3A_73 = arith.constant 0 : i32
      %dma_start3A_74 = arith.constant 0 : i32
      %dma_start3A_75 = tpu.memref_slice %arg2[%dma_start3A_73, %dma_start3A_74] : memref<10000x128xf32, #tpu.memory_space<hbm>> -> memref<10000x128xf32, #tpu.memory_space<hbm>>
      tpu.enqueue_indirect_dma source(%dma_start3A_75 : memref<10000x128xf32, #tpu.memory_space<hbm>>) target(%dma_start3A_69 : memref<64x128xf32, #tpu.memory_space<vmem>>) offsets(%dma_start3A_72 : memref<64xi32, #tpu.memory_space<vmem>>) semaphore(%arg12 : memref<!tpu.dma_semaphore, #tpu.memory_space<semaphore_mem>>)
      %dma_start3A_76 = arith.constant 1 : i32
      %dma_start3A_77 = arith.constant 1 : i32
      %dma_start3A_78 = arith.constant 0 : i32
      %dma_start3A_79 = arith.constant 0 : i32
      %dma_start3A_80 = tpu.memref_slice %arg9[%dma_start3A_77, %dma_start3A_78, %dma_start3A_79] : memref<4x64x128xf32, #tpu.memory_space<vmem>> -> memref<1x64x128xf32, #tpu.memory_space<vmem>>
      %dma_start3A_81 = tpu.memref_squeeze %dma_start3A_80 : memref<1x64x128xf32, #tpu.memory_space<vmem>> -> memref<64x128xf32, #tpu.memory_space<vmem>>
      %dma_start3A_82 = arith.constant 0 : i32
      %dma_start3A_83 = tpu.memref_slice %arg7[%dma_start3A_76, %dma_start3A_82] : memref<16x64xi32, #tpu.memory_space<vmem>> -> memref<1x64xi32, #tpu.memory_space<vmem>>
      %dma_start3A_84 = tpu.memref_squeeze %dma_start3A_83 : memref<1x64xi32, #tpu.memory_space<vmem>> -> memref<64xi32, #tpu.memory_space<vmem>>
      %dma_start3A_85 = arith.constant 0 : i32
      %dma_start3A_86 = arith.constant 0 : i32
      %dma_start3A_87 = tpu.memref_slice %arg2[%dma_start3A_85, %dma_start3A_86] : memref<10000x128xf32, #tpu.memory_space<hbm>> -> memref<10000x128xf32, #tpu.memory_space<hbm>>
      tpu.enqueue_indirect_dma source(%dma_start3A_87 : memref<10000x128xf32, #tpu.memory_space<hbm>>) target(%dma_start3A_81 : memref<64x128xf32, #tpu.memory_space<vmem>>) offsets(%dma_start3A_84 : memref<64xi32, #tpu.memory_space<vmem>>) semaphore(%arg13 : memref<!tpu.dma_semaphore, #tpu.memory_space<semaphore_mem>>)
      %dma_start3A_88 = arith.constant 2 : i32
      %dma_start3A_89 = arith.constant 2 : i32
      %dma_start3A_90 = arith.constant 0 : i32
      %dma_start3A_91 = arith.constant 0 : i32
      %dma_start3A_92 = tpu.memref_slice %arg9[%dma_start3A_89, %dma_start3A_90, %dma_start3A_91] : memref<4x64x128xf32, #tpu.memory_space<vmem>> -> memref<1x64x128xf32, #tpu.memory_space<vmem>>
      %dma_start3A_93 = tpu.memref_squeeze %dma_start3A_92 : memref<1x64x128xf32, #tpu.memory_space<vmem>> -> memref<64x128xf32, #tpu.memory_space<vmem>>
      %dma_start3A_94 = arith.constant 0 : i32
      %dma_start3A_95 = tpu.memref_slice %arg7[%dma_start3A_88, %dma_start3A_94] : memref<16x64xi32, #tpu.memory_space<vmem>> -> memref<1x64xi32, #tpu.memory_space<vmem>>
      %dma_start3A_96 = tpu.memref_squeeze %dma_start3A_95 : memref<1x64xi32, #tpu.memory_space<vmem>> -> memref<64xi32, #tpu.memory_space<vmem>>
      %dma_start3A_97 = arith.constant 0 : i32
      %dma_start3A_98 = arith.constant 0 : i32
      %dma_start3A_99 = tpu.memref_slice %arg2[%dma_start3A_97, %dma_start3A_98] : memref<10000x128xf32, #tpu.memory_space<hbm>> -> memref<10000x128xf32, #tpu.memory_space<hbm>>
      tpu.enqueue_indirect_dma source(%dma_start3A_99 : memref<10000x128xf32, #tpu.memory_space<hbm>>) target(%dma_start3A_93 : memref<64x128xf32, #tpu.memory_space<vmem>>) offsets(%dma_start3A_96 : memref<64xi32, #tpu.memory_space<vmem>>) semaphore(%arg14 : memref<!tpu.dma_semaphore, #tpu.memory_space<semaphore_mem>>)
      %dma_start3A_100 = arith.constant 3 : i32
      %dma_start3A_101 = arith.constant 3 : i32
      %dma_start3A_102 = arith.constant 0 : i32
      %dma_start3A_103 = arith.constant 0 : i32
      %dma_start3A_104 = tpu.memref_slice %arg9[%dma_start3A_101, %dma_start3A_102, %dma_start3A_103] : memref<4x64x128xf32, #tpu.memory_space<vmem>> -> memref<1x64x128xf32, #tpu.memory_space<vmem>>
      %dma_start3A_105 = tpu.memref_squeeze %dma_start3A_104 : memref<1x64x128xf32, #tpu.memory_space<vmem>> -> memref<64x128xf32, #tpu.memory_space<vmem>>
      %dma_start3A_106 = arith.constant 0 : i32
      %dma_start3A_107 = tpu.memref_slice %arg7[%dma_start3A_100, %dma_start3A_106] : memref<16x64xi32, #tpu.memory_space<vmem>> -> memref<1x64xi32, #tpu.memory_space<vmem>>
      %dma_start3A_108 = tpu.memref_squeeze %dma_start3A_107 : memref<1x64xi32, #tpu.memory_space<vmem>> -> memref<64xi32, #tpu.memory_space<vmem>>
      %dma_start3A_109 = arith.constant 0 : i32
      %dma_start3A_110 = arith.constant 0 : i32
      %dma_start3A_111 = tpu.memref_slice %arg2[%dma_start3A_109, %dma_start3A_110] : memref<10000x128xf32, #tpu.memory_space<hbm>> -> memref<10000x128xf32, #tpu.memory_space<hbm>>
      tpu.enqueue_indirect_dma source(%dma_start3A_111 : memref<10000x128xf32, #tpu.memory_space<hbm>>) target(%dma_start3A_105 : memref<64x128xf32, #tpu.memory_space<vmem>>) offsets(%dma_start3A_108 : memref<64xi32, #tpu.memory_space<vmem>>) semaphore(%arg15 : memref<!tpu.dma_semaphore, #tpu.memory_space<semaphore_mem>>)
      %scan3A_112 = arith.constant 0 : i32
      %scan3A_113 = arith.constant 3 : i32
      %scan3A_114 = arith.addi %scan3A_112, %scan3A_113 : i32
      %scan3A_115 = arith.constant 1 : i32
      scf.for %scan3A_280 = %scan3A_112 to %scan3A_114 step %scan3A_115  : i32 {
        %mul3A_281 = arith.constant 1 : i32
        %mul3A_282 = arith.muli %scan3A_280, %mul3A_281 : i32
        %add3A_283 = arith.constant 0 : i32
        %add3A_284 = arith.addi %add3A_283, %mul3A_282 : i32
        %mul3A_285 = arith.constant 4 : i32
        %mul3A_286 = arith.muli %add3A_284, %mul3A_285 : i32
        %add3A_287 = arith.constant 0 : i32
        %add3A_288 = arith.addi %mul3A_286, %add3A_287 : i32
        %dma_wait3A_289 = arith.constant 0 : i32
        %dma_wait3A_290 = arith.constant 0 : i32
        %dma_wait3A_291 = arith.constant 0 : i32
        %dma_wait3A_292 = tpu.memref_slice %arg9[%dma_wait3A_289, %dma_wait3A_290, %dma_wait3A_291] : memref<4x64x128xf32, #tpu.memory_space<vmem>> -> memref<1x64x128xf32, #tpu.memory_space<vmem>>
        %dma_wait3A_293 = tpu.memref_squeeze %dma_wait3A_292 : memref<1x64x128xf32, #tpu.memory_space<vmem>> -> memref<64x128xf32, #tpu.memory_space<vmem>>
        %dma_wait3A_294 = arith.constant 0 : i32
        %dma_wait3A_295 = tpu.memref_slice %arg7[%add3A_288, %dma_wait3A_294] : memref<16x64xi32, #tpu.memory_space<vmem>> -> memref<1x64xi32, #tpu.memory_space<vmem>>
        %dma_wait3A_296 = tpu.memref_squeeze %dma_wait3A_295 : memref<1x64xi32, #tpu.memory_space<vmem>> -> memref<64xi32, #tpu.memory_space<vmem>>
        %dma_wait3A_297 = arith.constant 0 : i32
        %dma_wait3A_298 = arith.constant 0 : i32
        %dma_wait3A_299 = tpu.memref_slice %arg2[%dma_wait3A_297, %dma_wait3A_298] : memref<10000x128xf32, #tpu.memory_space<hbm>> -> memref<10000x128xf32, #tpu.memory_space<hbm>>
        tpu.wait_indirect_dma semaphore(%arg12 : memref<!tpu.dma_semaphore, #tpu.memory_space<semaphore_mem>>) src(%dma_wait3A_299 : memref<10000x128xf32, #tpu.memory_space<hbm>>) dst(%dma_wait3A_293 : memref<64x128xf32, #tpu.memory_space<vmem>>)
        %add3A_300 = arith.constant 0 : i32
        %add3A_301 = arith.addi %mul3A_286, %add3A_300 : i32
        %dma_start3A_302 = arith.constant 0 : i32
        %dma_start3A_303 = arith.constant 0 : i32
        %dma_start3A_304 = arith.constant 0 : i32
        %dma_start3A_305 = tpu.memref_slice %arg9[%dma_start3A_302, %dma_start3A_303, %dma_start3A_304] : memref<4x64x128xf32, #tpu.memory_space<vmem>> -> memref<1x64x128xf32, #tpu.memory_space<vmem>>
        %dma_start3A_306 = tpu.memref_squeeze %dma_start3A_305 : memref<1x64x128xf32, #tpu.memory_space<vmem>> -> memref<64x128xf32, #tpu.memory_space<vmem>>
        %dma_start3A_307 = arith.constant 0 : i32
        %dma_start3A_308 = tpu.memref_slice %arg8[%add3A_301, %dma_start3A_307] : memref<16x64xi32, #tpu.memory_space<vmem>> -> memref<1x64xi32, #tpu.memory_space<vmem>>
        %dma_start3A_309 = tpu.memref_squeeze %dma_start3A_308 : memref<1x64xi32, #tpu.memory_space<vmem>> -> memref<64xi32, #tpu.memory_space<vmem>>
        %dma_start3A_310 = arith.constant 0 : i32
        %dma_start3A_311 = arith.constant 0 : i32
        %dma_start3A_312 = tpu.memref_slice %arg11[%dma_start3A_310, %dma_start3A_311] : memref<10240x128xf32, #tpu.memory_space<vmem_shared>> -> memref<10240x128xf32, #tpu.memory_space<vmem_shared>>
        tpu.enqueue_indirect_dma source(%dma_start3A_306 : memref<64x128xf32, #tpu.memory_space<vmem>>) target(%dma_start3A_312 : memref<10240x128xf32, #tpu.memory_space<vmem_shared>>) offsets(%dma_start3A_309 : memref<64xi32, #tpu.memory_space<vmem>>) semaphore(%arg16 : memref<!tpu.dma_semaphore, #tpu.memory_space<semaphore_mem>>) {add = true}
        %add3A_313 = arith.constant 1 : i32
        %add3A_314 = arith.addi %mul3A_286, %add3A_313 : i32
        %dma_wait3A_315 = arith.constant 1 : i32
        %dma_wait3A_316 = arith.constant 0 : i32
        %dma_wait3A_317 = arith.constant 0 : i32
        %dma_wait3A_318 = tpu.memref_slice %arg9[%dma_wait3A_315, %dma_wait3A_316, %dma_wait3A_317] : memref<4x64x128xf32, #tpu.memory_space<vmem>> -> memref<1x64x128xf32, #tpu.memory_space<vmem>>
        %dma_wait3A_319 = tpu.memref_squeeze %dma_wait3A_318 : memref<1x64x128xf32, #tpu.memory_space<vmem>> -> memref<64x128xf32, #tpu.memory_space<vmem>>
        %dma_wait3A_320 = arith.constant 0 : i32
        %dma_wait3A_321 = tpu.memref_slice %arg7[%add3A_314, %dma_wait3A_320] : memref<16x64xi32, #tpu.memory_space<vmem>> -> memref<1x64xi32, #tpu.memory_space<vmem>>
        %dma_wait3A_322 = tpu.memref_squeeze %dma_wait3A_321 : memref<1x64xi32, #tpu.memory_space<vmem>> -> memref<64xi32, #tpu.memory_space<vmem>>
        %dma_wait3A_323 = arith.constant 0 : i32
        %dma_wait3A_324 = arith.constant 0 : i32
        %dma_wait3A_325 = tpu.memref_slice %arg2[%dma_wait3A_323, %dma_wait3A_324] : memref<10000x128xf32, #tpu.memory_space<hbm>> -> memref<10000x128xf32, #tpu.memory_space<hbm>>
        tpu.wait_indirect_dma semaphore(%arg13 : memref<!tpu.dma_semaphore, #tpu.memory_space<semaphore_mem>>) src(%dma_wait3A_325 : memref<10000x128xf32, #tpu.memory_space<hbm>>) dst(%dma_wait3A_319 : memref<64x128xf32, #tpu.memory_space<vmem>>)
        %add3A_326 = arith.constant 1 : i32
        %add3A_327 = arith.addi %mul3A_286, %add3A_326 : i32
        %dma_start3A_328 = arith.constant 1 : i32
        %dma_start3A_329 = arith.constant 0 : i32
        %dma_start3A_330 = arith.constant 0 : i32
        %dma_start3A_331 = tpu.memref_slice %arg9[%dma_start3A_328, %dma_start3A_329, %dma_start3A_330] : memref<4x64x128xf32, #tpu.memory_space<vmem>> -> memref<1x64x128xf32, #tpu.memory_space<vmem>>
        %dma_start3A_332 = tpu.memref_squeeze %dma_start3A_331 : memref<1x64x128xf32, #tpu.memory_space<vmem>> -> memref<64x128xf32, #tpu.memory_space<vmem>>
        %dma_start3A_333 = arith.constant 0 : i32
        %dma_start3A_334 = tpu.memref_slice %arg8[%add3A_327, %dma_start3A_333] : memref<16x64xi32, #tpu.memory_space<vmem>> -> memref<1x64xi32, #tpu.memory_space<vmem>>
        %dma_start3A_335 = tpu.memref_squeeze %dma_start3A_334 : memref<1x64xi32, #tpu.memory_space<vmem>> -> memref<64xi32, #tpu.memory_space<vmem>>
        %dma_start3A_336 = arith.constant 0 : i32
        %dma_start3A_337 = arith.constant 0 : i32
        %dma_start3A_338 = tpu.memref_slice %arg11[%dma_start3A_336, %dma_start3A_337] : memref<10240x128xf32, #tpu.memory_space<vmem_shared>> -> memref<10240x128xf32, #tpu.memory_space<vmem_shared>>
        tpu.enqueue_indirect_dma source(%dma_start3A_332 : memref<64x128xf32, #tpu.memory_space<vmem>>) target(%dma_start3A_338 : memref<10240x128xf32, #tpu.memory_space<vmem_shared>>) offsets(%dma_start3A_335 : memref<64xi32, #tpu.memory_space<vmem>>) semaphore(%arg17 : memref<!tpu.dma_semaphore, #tpu.memory_space<semaphore_mem>>) {add = true}
        %add3A_339 = arith.constant 2 : i32
        %add3A_340 = arith.addi %mul3A_286, %add3A_339 : i32
        %dma_wait3A_341 = arith.constant 2 : i32
        %dma_wait3A_342 = arith.constant 0 : i32
        %dma_wait3A_343 = arith.constant 0 : i32
        %dma_wait3A_344 = tpu.memref_slice %arg9[%dma_wait3A_341, %dma_wait3A_342, %dma_wait3A_343] : memref<4x64x128xf32, #tpu.memory_space<vmem>> -> memref<1x64x128xf32, #tpu.memory_space<vmem>>
        %dma_wait3A_345 = tpu.memref_squeeze %dma_wait3A_344 : memref<1x64x128xf32, #tpu.memory_space<vmem>> -> memref<64x128xf32, #tpu.memory_space<vmem>>
        %dma_wait3A_346 = arith.constant 0 : i32
        %dma_wait3A_347 = tpu.memref_slice %arg7[%add3A_340, %dma_wait3A_346] : memref<16x64xi32, #tpu.memory_space<vmem>> -> memref<1x64xi32, #tpu.memory_space<vmem>>
        %dma_wait3A_348 = tpu.memref_squeeze %dma_wait3A_347 : memref<1x64xi32, #tpu.memory_space<vmem>> -> memref<64xi32, #tpu.memory_space<vmem>>
        %dma_wait3A_349 = arith.constant 0 : i32
        %dma_wait3A_350 = arith.constant 0 : i32
        %dma_wait3A_351 = tpu.memref_slice %arg2[%dma_wait3A_349, %dma_wait3A_350] : memref<10000x128xf32, #tpu.memory_space<hbm>> -> memref<10000x128xf32, #tpu.memory_space<hbm>>
        tpu.wait_indirect_dma semaphore(%arg14 : memref<!tpu.dma_semaphore, #tpu.memory_space<semaphore_mem>>) src(%dma_wait3A_351 : memref<10000x128xf32, #tpu.memory_space<hbm>>) dst(%dma_wait3A_345 : memref<64x128xf32, #tpu.memory_space<vmem>>)
        %add3A_352 = arith.constant 2 : i32
        %add3A_353 = arith.addi %mul3A_286, %add3A_352 : i32
        %dma_start3A_354 = arith.constant 2 : i32
        %dma_start3A_355 = arith.constant 0 : i32
        %dma_start3A_356 = arith.constant 0 : i32
        %dma_start3A_357 = tpu.memref_slice %arg9[%dma_start3A_354, %dma_start3A_355, %dma_start3A_356] : memref<4x64x128xf32, #tpu.memory_space<vmem>> -> memref<1x64x128xf32, #tpu.memory_space<vmem>>
        %dma_start3A_358 = tpu.memref_squeeze %dma_start3A_357 : memref<1x64x128xf32, #tpu.memory_space<vmem>> -> memref<64x128xf32, #tpu.memory_space<vmem>>
        %dma_start3A_359 = arith.constant 0 : i32
        %dma_start3A_360 = tpu.memref_slice %arg8[%add3A_353, %dma_start3A_359] : memref<16x64xi32, #tpu.memory_space<vmem>> -> memref<1x64xi32, #tpu.memory_space<vmem>>
        %dma_start3A_361 = tpu.memref_squeeze %dma_start3A_360 : memref<1x64xi32, #tpu.memory_space<vmem>> -> memref<64xi32, #tpu.memory_space<vmem>>
        %dma_start3A_362 = arith.constant 0 : i32
        %dma_start3A_363 = arith.constant 0 : i32
        %dma_start3A_364 = tpu.memref_slice %arg11[%dma_start3A_362, %dma_start3A_363] : memref<10240x128xf32, #tpu.memory_space<vmem_shared>> -> memref<10240x128xf32, #tpu.memory_space<vmem_shared>>
        tpu.enqueue_indirect_dma source(%dma_start3A_358 : memref<64x128xf32, #tpu.memory_space<vmem>>) target(%dma_start3A_364 : memref<10240x128xf32, #tpu.memory_space<vmem_shared>>) offsets(%dma_start3A_361 : memref<64xi32, #tpu.memory_space<vmem>>) semaphore(%arg18 : memref<!tpu.dma_semaphore, #tpu.memory_space<semaphore_mem>>) {add = true}
        %add3A_365 = arith.constant 3 : i32
        %add3A_366 = arith.addi %mul3A_286, %add3A_365 : i32
        %dma_wait3A_367 = arith.constant 3 : i32
        %dma_wait3A_368 = arith.constant 0 : i32
        %dma_wait3A_369 = arith.constant 0 : i32
        %dma_wait3A_370 = tpu.memref_slice %arg9[%dma_wait3A_367, %dma_wait3A_368, %dma_wait3A_369] : memref<4x64x128xf32, #tpu.memory_space<vmem>> -> memref<1x64x128xf32, #tpu.memory_space<vmem>>
        %dma_wait3A_371 = tpu.memref_squeeze %dma_wait3A_370 : memref<1x64x128xf32, #tpu.memory_space<vmem>> -> memref<64x128xf32, #tpu.memory_space<vmem>>
        %dma_wait3A_372 = arith.constant 0 : i32
        %dma_wait3A_373 = tpu.memref_slice %arg7[%add3A_366, %dma_wait3A_372] : memref<16x64xi32, #tpu.memory_space<vmem>> -> memref<1x64xi32, #tpu.memory_space<vmem>>
        %dma_wait3A_374 = tpu.memref_squeeze %dma_wait3A_373 : memref<1x64xi32, #tpu.memory_space<vmem>> -> memref<64xi32, #tpu.memory_space<vmem>>
        %dma_wait3A_375 = arith.constant 0 : i32
        %dma_wait3A_376 = arith.constant 0 : i32
        %dma_wait3A_377 = tpu.memref_slice %arg2[%dma_wait3A_375, %dma_wait3A_376] : memref<10000x128xf32, #tpu.memory_space<hbm>> -> memref<10000x128xf32, #tpu.memory_space<hbm>>
        tpu.wait_indirect_dma semaphore(%arg15 : memref<!tpu.dma_semaphore, #tpu.memory_space<semaphore_mem>>) src(%dma_wait3A_377 : memref<10000x128xf32, #tpu.memory_space<hbm>>) dst(%dma_wait3A_371 : memref<64x128xf32, #tpu.memory_space<vmem>>)
        %add3A_378 = arith.constant 3 : i32
        %add3A_379 = arith.addi %mul3A_286, %add3A_378 : i32
        %dma_start3A_380 = arith.constant 3 : i32
        %dma_start3A_381 = arith.constant 0 : i32
        %dma_start3A_382 = arith.constant 0 : i32
        %dma_start3A_383 = tpu.memref_slice %arg9[%dma_start3A_380, %dma_start3A_381, %dma_start3A_382] : memref<4x64x128xf32, #tpu.memory_space<vmem>> -> memref<1x64x128xf32, #tpu.memory_space<vmem>>
        %dma_start3A_384 = tpu.memref_squeeze %dma_start3A_383 : memref<1x64x128xf32, #tpu.memory_space<vmem>> -> memref<64x128xf32, #tpu.memory_space<vmem>>
        %dma_start3A_385 = arith.constant 0 : i32
        %dma_start3A_386 = tpu.memref_slice %arg8[%add3A_379, %dma_start3A_385] : memref<16x64xi32, #tpu.memory_space<vmem>> -> memref<1x64xi32, #tpu.memory_space<vmem>>
        %dma_start3A_387 = tpu.memref_squeeze %dma_start3A_386 : memref<1x64xi32, #tpu.memory_space<vmem>> -> memref<64xi32, #tpu.memory_space<vmem>>
        %dma_start3A_388 = arith.constant 0 : i32
        %dma_start3A_389 = arith.constant 0 : i32
        %dma_start3A_390 = tpu.memref_slice %arg11[%dma_start3A_388, %dma_start3A_389] : memref<10240x128xf32, #tpu.memory_space<vmem_shared>> -> memref<10240x128xf32, #tpu.memory_space<vmem_shared>>
        tpu.enqueue_indirect_dma source(%dma_start3A_384 : memref<64x128xf32, #tpu.memory_space<vmem>>) target(%dma_start3A_390 : memref<10240x128xf32, #tpu.memory_space<vmem_shared>>) offsets(%dma_start3A_387 : memref<64xi32, #tpu.memory_space<vmem>>) semaphore(%arg19 : memref<!tpu.dma_semaphore, #tpu.memory_space<semaphore_mem>>) {add = true}
        %add3A_391 = arith.constant 0 : i32
        %add3A_392 = arith.addi %mul3A_286, %add3A_391 : i32
        %scan3A_393 = arith.constant 0 : i32
        %scan3A_394 = arith.constant 4 : i32
        %scan3A_395 = arith.addi %scan3A_393, %scan3A_394 : i32
        %scan3A_396 = arith.constant 1 : i32
        scf.for %scan3A_531 = %scan3A_393 to %scan3A_395 step %scan3A_396  : i32 {
          %mul3A_532 = arith.constant 16 : i32
          %mul3A_533 = arith.muli %scan3A_531, %mul3A_532 : i32
          %add3A_534 = arith.constant 0 : i32
          %add3A_535 = arith.addi %add3A_534, %mul3A_533 : i32
          %get3A = arith.index_cast %add3A_392 : i32 to index
          %get3A_536 = arith.index_cast %add3A_535 : i32 to index
          %get3A_537 = tpu.vector_load %arg8[%get3A, %get3A_536] {strides = array<i32>} : memref<16x64xi32, #tpu.memory_space<vmem>>, vector<16xi32>,
          %shift_right_logical3A = arith.constant 7 : i32
          %shift_right_logical3A_538 = vector.broadcast %shift_right_logical3A : i32 to vector<16xi32>
          %shift_right_logical3A_539 = arith.shrui %get3A_537, %shift_right_logical3A_538 : vector<16xi32>
          %and3A = arith.constant 127 : i32
          %and3A_540 = vector.broadcast %and3A : i32 to vector<16xi32>
          %and3A_541 = arith.andi %get3A_537, %and3A_540 : vector<16xi32>
          tpu.vector_store_idx %arg10[%shift_right_logical3A_539, %and3A_541], %broadcast_in_dim3A_43 {add = true} : memref<80x128xf32, #tpu.memory_space<vmem>>[vector<16xi32>, vector<16xi32>], vector<16xf32>,
        }
        %scan3A_397 = arith.constant 4 : i32
        %add3A_398 = arith.constant 1 : i32
        %add3A_399 = arith.addi %mul3A_286, %add3A_398 : i32
        %scan3A_400 = arith.constant 0 : i32
        %scan3A_401 = arith.constant 4 : i32
        %scan3A_402 = arith.addi %scan3A_400, %scan3A_401 : i32
        %scan3A_403 = arith.constant 1 : i32
        scf.for %scan3A_531 = %scan3A_400 to %scan3A_402 step %scan3A_403  : i32 {
          %mul3A_532 = arith.constant 16 : i32
          %mul3A_533 = arith.muli %scan3A_531, %mul3A_532 : i32
          %add3A_534 = arith.constant 0 : i32
          %add3A_535 = arith.addi %add3A_534, %mul3A_533 : i32
          %get3A = arith.index_cast %add3A_399 : i32 to index
          %get3A_536 = arith.index_cast %add3A_535 : i32 to index
          %get3A_537 = tpu.vector_load %arg8[%get3A, %get3A_536] {strides = array<i32>} : memref<16x64xi32, #tpu.memory_space<vmem>>, vector<16xi32>,
          %shift_right_logical3A = arith.constant 7 : i32
          %shift_right_logical3A_538 = vector.broadcast %shift_right_logical3A : i32 to vector<16xi32>
          %shift_right_logical3A_539 = arith.shrui %get3A_537, %shift_right_logical3A_538 : vector<16xi32>
          %and3A = arith.constant 127 : i32
          %and3A_540 = vector.broadcast %and3A : i32 to vector<16xi32>
          %and3A_541 = arith.andi %get3A_537, %and3A_540 : vector<16xi32>
          tpu.vector_store_idx %arg10[%shift_right_logical3A_539, %and3A_541], %broadcast_in_dim3A_43 {add = true} : memref<80x128xf32, #tpu.memory_space<vmem>>[vector<16xi32>, vector<16xi32>], vector<16xf32>,
        }
        %scan3A_404 = arith.constant 4 : i32
        %add3A_405 = arith.constant 2 : i32
        %add3A_406 = arith.addi %mul3A_286, %add3A_405 : i32
        %scan3A_407 = arith.constant 0 : i32
        %scan3A_408 = arith.constant 4 : i32
        %scan3A_409 = arith.addi %scan3A_407, %scan3A_408 : i32
        %scan3A_410 = arith.constant 1 : i32
        scf.for %scan3A_531 = %scan3A_407 to %scan3A_409 step %scan3A_410  : i32 {
          %mul3A_532 = arith.constant 16 : i32
          %mul3A_533 = arith.muli %scan3A_531, %mul3A_532 : i32
          %add3A_534 = arith.constant 0 : i32
          %add3A_535 = arith.addi %add3A_534, %mul3A_533 : i32
          %get3A = arith.index_cast %add3A_406 : i32 to index
          %get3A_536 = arith.index_cast %add3A_535 : i32 to index
          %get3A_537 = tpu.vector_load %arg8[%get3A, %get3A_536] {strides = array<i32>} : memref<16x64xi32, #tpu.memory_space<vmem>>, vector<16xi32>,
          %shift_right_logical3A = arith.constant 7 : i32
          %shift_right_logical3A_538 = vector.broadcast %shift_right_logical3A : i32 to vector<16xi32>
          %shift_right_logical3A_539 = arith.shrui %get3A_537, %shift_right_logical3A_538 : vector<16xi32>
          %and3A = arith.constant 127 : i32
          %and3A_540 = vector.broadcast %and3A : i32 to vector<16xi32>
          %and3A_541 = arith.andi %get3A_537, %and3A_540 : vector<16xi32>
          tpu.vector_store_idx %arg10[%shift_right_logical3A_539, %and3A_541], %broadcast_in_dim3A_43 {add = true} : memref<80x128xf32, #tpu.memory_space<vmem>>[vector<16xi32>, vector<16xi32>], vector<16xf32>,
        }
        %scan3A_411 = arith.constant 4 : i32
        %add3A_412 = arith.constant 3 : i32
        %add3A_413 = arith.addi %mul3A_286, %add3A_412 : i32
        %scan3A_414 = arith.constant 0 : i32
        %scan3A_415 = arith.constant 4 : i32
        %scan3A_416 = arith.addi %scan3A_414, %scan3A_415 : i32
        %scan3A_417 = arith.constant 1 : i32
        scf.for %scan3A_531 = %scan3A_414 to %scan3A_416 step %scan3A_417  : i32 {
          %mul3A_532 = arith.constant 16 : i32
          %mul3A_533 = arith.muli %scan3A_531, %mul3A_532 : i32
          %add3A_534 = arith.constant 0 : i32
          %add3A_535 = arith.addi %add3A_534, %mul3A_533 : i32
          %get3A = arith.index_cast %add3A_413 : i32 to index
          %get3A_536 = arith.index_cast %add3A_535 : i32 to index
          %get3A_537 = tpu.vector_load %arg8[%get3A, %get3A_536] {strides = array<i32>} : memref<16x64xi32, #tpu.memory_space<vmem>>, vector<16xi32>,
          %shift_right_logical3A = arith.constant 7 : i32
          %shift_right_logical3A_538 = vector.broadcast %shift_right_logical3A : i32 to vector<16xi32>
          %shift_right_logical3A_539 = arith.shrui %get3A_537, %shift_right_logical3A_538 : vector<16xi32>
          %and3A = arith.constant 127 : i32
          %and3A_540 = vector.broadcast %and3A : i32 to vector<16xi32>
          %and3A_541 = arith.andi %get3A_537, %and3A_540 : vector<16xi32>
          tpu.vector_store_idx %arg10[%shift_right_logical3A_539, %and3A_541], %broadcast_in_dim3A_43 {add = true} : memref<80x128xf32, #tpu.memory_space<vmem>>[vector<16xi32>, vector<16xi32>], vector<16xf32>,
        }
        %scan3A_418 = arith.constant 4 : i32
        %add3A_419 = arith.constant 0 : i32
        %add3A_420 = arith.addi %mul3A_286, %add3A_419 : i32
        %dma_wait3A_421 = arith.constant 0 : i32
        %dma_wait3A_422 = arith.constant 0 : i32
        %dma_wait3A_423 = arith.constant 0 : i32
        %dma_wait3A_424 = tpu.memref_slice %arg9[%dma_wait3A_421, %dma_wait3A_422, %dma_wait3A_423] : memref<4x64x128xf32, #tpu.memory_space<vmem>> -> memref<1x64x128xf32, #tpu.memory_space<vmem>>
        %dma_wait3A_425 = tpu.memref_squeeze %dma_wait3A_424 : memref<1x64x128xf32, #tpu.memory_space<vmem>> -> memref<64x128xf32, #tpu.memory_space<vmem>>
        %dma_wait3A_426 = arith.constant 0 : i32
        %dma_wait3A_427 = tpu.memref_slice %arg8[%add3A_420, %dma_wait3A_426] : memref<16x64xi32, #tpu.memory_space<vmem>> -> memref<1x64xi32, #tpu.memory_space<vmem>>
        %dma_wait3A_428 = tpu.memref_squeeze %dma_wait3A_427 : memref<1x64xi32, #tpu.memory_space<vmem>> -> memref<64xi32, #tpu.memory_space<vmem>>
        %dma_wait3A_429 = arith.constant 0 : i32
        %dma_wait3A_430 = arith.constant 0 : i32
        %dma_wait3A_431 = tpu.memref_slice %arg11[%dma_wait3A_429, %dma_wait3A_430] : memref<10240x128xf32, #tpu.memory_space<vmem_shared>> -> memref<10240x128xf32, #tpu.memory_space<vmem_shared>>
        tpu.wait_indirect_dma semaphore(%arg16 : memref<!tpu.dma_semaphore, #tpu.memory_space<semaphore_mem>>) src(%dma_wait3A_425 : memref<64x128xf32, #tpu.memory_space<vmem>>) dst(%dma_wait3A_431 : memref<10240x128xf32, #tpu.memory_space<vmem_shared>>)
        %add3A_432 = arith.constant 4 : i32
        %add3A_433 = arith.addi %mul3A_286, %add3A_432 : i32
        %add3A_434 = arith.constant 0 : i32
        %add3A_435 = arith.addi %add3A_433, %add3A_434 : i32
        %dma_start3A_436 = arith.constant 0 : i32
        %dma_start3A_437 = arith.constant 0 : i32
        %dma_start3A_438 = arith.constant 0 : i32
        %dma_start3A_439 = tpu.memref_slice %arg9[%dma_start3A_436, %dma_start3A_437, %dma_start3A_438] : memref<4x64x128xf32, #tpu.memory_space<vmem>> -> memref<1x64x128xf32, #tpu.memory_space<vmem>>
        %dma_start3A_440 = tpu.memref_squeeze %dma_start3A_439 : memref<1x64x128xf32, #tpu.memory_space<vmem>> -> memref<64x128xf32, #tpu.memory_space<vmem>>
        %dma_start3A_441 = arith.constant 0 : i32
        %dma_start3A_442 = tpu.memref_slice %arg7[%add3A_435, %dma_start3A_441] : memref<16x64xi32, #tpu.memory_space<vmem>> -> memref<1x64xi32, #tpu.memory_space<vmem>>
        %dma_start3A_443 = tpu.memref_squeeze %dma_start3A_442 : memref<1x64xi32, #tpu.memory_space<vmem>> -> memref<64xi32, #tpu.memory_space<vmem>>
        %dma_start3A_444 = arith.constant 0 : i32
        %dma_start3A_445 = arith.constant 0 : i32
        %dma_start3A_446 = tpu.memref_slice %arg2[%dma_start3A_444, %dma_start3A_445] : memref<10000x128xf32, #tpu.memory_space<hbm>> -> memref<10000x128xf32, #tpu.memory_space<hbm>>
        tpu.enqueue_indirect_dma source(%dma_start3A_446 : memref<10000x128xf32, #tpu.memory_space<hbm>>) target(%dma_start3A_440 : memref<64x128xf32, #tpu.memory_space<vmem>>) offsets(%dma_start3A_443 : memref<64xi32, #tpu.memory_space<vmem>>) semaphore(%arg12 : memref<!tpu.dma_semaphore, #tpu.memory_space<semaphore_mem>>)
        %add3A_447 = arith.constant 1 : i32
        %add3A_448 = arith.addi %mul3A_286, %add3A_447 : i32
        %dma_wait3A_449 = arith.constant 1 : i32
        %dma_wait3A_450 = arith.constant 0 : i32
        %dma_wait3A_451 = arith.constant 0 : i32
        %dma_wait3A_452 = tpu.memref_slice %arg9[%dma_wait3A_449, %dma_wait3A_450, %dma_wait3A_451] : memref<4x64x128xf32, #tpu.memory_space<vmem>> -> memref<1x64x128xf32, #tpu.memory_space<vmem>>
        %dma_wait3A_453 = tpu.memref_squeeze %dma_wait3A_452 : memref<1x64x128xf32, #tpu.memory_space<vmem>> -> memref<64x128xf32, #tpu.memory_space<vmem>>
        %dma_wait3A_454 = arith.constant 0 : i32
        %dma_wait3A_455 = tpu.memref_slice %arg8[%add3A_448, %dma_wait3A_454] : memref<16x64xi32, #tpu.memory_space<vmem>> -> memref<1x64xi32, #tpu.memory_space<vmem>>
        %dma_wait3A_456 = tpu.memref_squeeze %dma_wait3A_455 : memref<1x64xi32, #tpu.memory_space<vmem>> -> memref<64xi32, #tpu.memory_space<vmem>>
        %dma_wait3A_457 = arith.constant 0 : i32
        %dma_wait3A_458 = arith.constant 0 : i32
        %dma_wait3A_459 = tpu.memref_slice %arg11[%dma_wait3A_457, %dma_wait3A_458] : memref<10240x128xf32, #tpu.memory_space<vmem_shared>> -> memref<10240x128xf32, #tpu.memory_space<vmem_shared>>
        tpu.wait_indirect_dma semaphore(%arg17 : memref<!tpu.dma_semaphore, #tpu.memory_space<semaphore_mem>>) src(%dma_wait3A_453 : memref<64x128xf32, #tpu.memory_space<vmem>>) dst(%dma_wait3A_459 : memref<10240x128xf32, #tpu.memory_space<vmem_shared>>)
        %add3A_460 = arith.constant 4 : i32
        %add3A_461 = arith.addi %mul3A_286, %add3A_460 : i32
        %add3A_462 = arith.constant 1 : i32
        %add3A_463 = arith.addi %add3A_461, %add3A_462 : i32
        %dma_start3A_464 = arith.constant 1 : i32
        %dma_start3A_465 = arith.constant 0 : i32
        %dma_start3A_466 = arith.constant 0 : i32
        %dma_start3A_467 = tpu.memref_slice %arg9[%dma_start3A_464, %dma_start3A_465, %dma_start3A_466] : memref<4x64x128xf32, #tpu.memory_space<vmem>> -> memref<1x64x128xf32, #tpu.memory_space<vmem>>
        %dma_start3A_468 = tpu.memref_squeeze %dma_start3A_467 : memref<1x64x128xf32, #tpu.memory_space<vmem>> -> memref<64x128xf32, #tpu.memory_space<vmem>>
        %dma_start3A_469 = arith.constant 0 : i32
        %dma_start3A_470 = tpu.memref_slice %arg7[%add3A_463, %dma_start3A_469] : memref<16x64xi32, #tpu.memory_space<vmem>> -> memref<1x64xi32, #tpu.memory_space<vmem>>
        %dma_start3A_471 = tpu.memref_squeeze %dma_start3A_470 : memref<1x64xi32, #tpu.memory_space<vmem>> -> memref<64xi32, #tpu.memory_space<vmem>>
        %dma_start3A_472 = arith.constant 0 : i32
        %dma_start3A_473 = arith.constant 0 : i32
        %dma_start3A_474 = tpu.memref_slice %arg2[%dma_start3A_472, %dma_start3A_473] : memref<10000x128xf32, #tpu.memory_space<hbm>> -> memref<10000x128xf32, #tpu.memory_space<hbm>>
        tpu.enqueue_indirect_dma source(%dma_start3A_474 : memref<10000x128xf32, #tpu.memory_space<hbm>>) target(%dma_start3A_468 : memref<64x128xf32, #tpu.memory_space<vmem>>) offsets(%dma_start3A_471 : memref<64xi32, #tpu.memory_space<vmem>>) semaphore(%arg13 : memref<!tpu.dma_semaphore, #tpu.memory_space<semaphore_mem>>)
        %add3A_475 = arith.constant 2 : i32
        %add3A_476 = arith.addi %mul3A_286, %add3A_475 : i32
        %dma_wait3A_477 = arith.constant 2 : i32
        %dma_wait3A_478 = arith.constant 0 : i32
        %dma_wait3A_479 = arith.constant 0 : i32
        %dma_wait3A_480 = tpu.memref_slice %arg9[%dma_wait3A_477, %dma_wait3A_478, %dma_wait3A_479] : memref<4x64x128xf32, #tpu.memory_space<vmem>> -> memref<1x64x128xf32, #tpu.memory_space<vmem>>
        %dma_wait3A_481 = tpu.memref_squeeze %dma_wait3A_480 : memref<1x64x128xf32, #tpu.memory_space<vmem>> -> memref<64x128xf32, #tpu.memory_space<vmem>>
        %dma_wait3A_482 = arith.constant 0 : i32
        %dma_wait3A_483 = tpu.memref_slice %arg8[%add3A_476, %dma_wait3A_482] : memref<16x64xi32, #tpu.memory_space<vmem>> -> memref<1x64xi32, #tpu.memory_space<vmem>>
        %dma_wait3A_484 = tpu.memref_squeeze %dma_wait3A_483 : memref<1x64xi32, #tpu.memory_space<vmem>> -> memref<64xi32, #tpu.memory_space<vmem>>
        %dma_wait3A_485 = arith.constant 0 : i32
        %dma_wait3A_486 = arith.constant 0 : i32
        %dma_wait3A_487 = tpu.memref_slice %arg11[%dma_wait3A_485, %dma_wait3A_486] : memref<10240x128xf32, #tpu.memory_space<vmem_shared>> -> memref<10240x128xf32, #tpu.memory_space<vmem_shared>>
        tpu.wait_indirect_dma semaphore(%arg18 : memref<!tpu.dma_semaphore, #tpu.memory_space<semaphore_mem>>) src(%dma_wait3A_481 : memref<64x128xf32, #tpu.memory_space<vmem>>) dst(%dma_wait3A_487 : memref<10240x128xf32, #tpu.memory_space<vmem_shared>>)
        %add3A_488 = arith.constant 4 : i32
        %add3A_489 = arith.addi %mul3A_286, %add3A_488 : i32
        %add3A_490 = arith.constant 2 : i32
        %add3A_491 = arith.addi %add3A_489, %add3A_490 : i32
        %dma_start3A_492 = arith.constant 2 : i32
        %dma_start3A_493 = arith.constant 0 : i32
        %dma_start3A_494 = arith.constant 0 : i32
        %dma_start3A_495 = tpu.memref_slice %arg9[%dma_start3A_492, %dma_start3A_493, %dma_start3A_494] : memref<4x64x128xf32, #tpu.memory_space<vmem>> -> memref<1x64x128xf32, #tpu.memory_space<vmem>>
        %dma_start3A_496 = tpu.memref_squeeze %dma_start3A_495 : memref<1x64x128xf32, #tpu.memory_space<vmem>> -> memref<64x128xf32, #tpu.memory_space<vmem>>
        %dma_start3A_497 = arith.constant 0 : i32
        %dma_start3A_498 = tpu.memref_slice %arg7[%add3A_491, %dma_start3A_497] : memref<16x64xi32, #tpu.memory_space<vmem>> -> memref<1x64xi32, #tpu.memory_space<vmem>>
        %dma_start3A_499 = tpu.memref_squeeze %dma_start3A_498 : memref<1x64xi32, #tpu.memory_space<vmem>> -> memref<64xi32, #tpu.memory_space<vmem>>
        %dma_start3A_500 = arith.constant 0 : i32
        %dma_start3A_501 = arith.constant 0 : i32
        %dma_start3A_502 = tpu.memref_slice %arg2[%dma_start3A_500, %dma_start3A_501] : memref<10000x128xf32, #tpu.memory_space<hbm>> -> memref<10000x128xf32, #tpu.memory_space<hbm>>
        tpu.enqueue_indirect_dma source(%dma_start3A_502 : memref<10000x128xf32, #tpu.memory_space<hbm>>) target(%dma_start3A_496 : memref<64x128xf32, #tpu.memory_space<vmem>>) offsets(%dma_start3A_499 : memref<64xi32, #tpu.memory_space<vmem>>) semaphore(%arg14 : memref<!tpu.dma_semaphore, #tpu.memory_space<semaphore_mem>>)
        %add3A_503 = arith.constant 3 : i32
        %add3A_504 = arith.addi %mul3A_286, %add3A_503 : i32
        %dma_wait3A_505 = arith.constant 3 : i32
        %dma_wait3A_506 = arith.constant 0 : i32
        %dma_wait3A_507 = arith.constant 0 : i32
        %dma_wait3A_508 = tpu.memref_slice %arg9[%dma_wait3A_505, %dma_wait3A_506, %dma_wait3A_507] : memref<4x64x128xf32, #tpu.memory_space<vmem>> -> memref<1x64x128xf32, #tpu.memory_space<vmem>>
        %dma_wait3A_509 = tpu.memref_squeeze %dma_wait3A_508 : memref<1x64x128xf32, #tpu.memory_space<vmem>> -> memref<64x128xf32, #tpu.memory_space<vmem>>
        %dma_wait3A_510 = arith.constant 0 : i32
        %dma_wait3A_511 = tpu.memref_slice %arg8[%add3A_504, %dma_wait3A_510] : memref<16x64xi32, #tpu.memory_space<vmem>> -> memref<1x64xi32, #tpu.memory_space<vmem>>
        %dma_wait3A_512 = tpu.memref_squeeze %dma_wait3A_511 : memref<1x64xi32, #tpu.memory_space<vmem>> -> memref<64xi32, #tpu.memory_space<vmem>>
        %dma_wait3A_513 = arith.constant 0 : i32
        %dma_wait3A_514 = arith.constant 0 : i32
        %dma_wait3A_515 = tpu.memref_slice %arg11[%dma_wait3A_513, %dma_wait3A_514] : memref<10240x128xf32, #tpu.memory_space<vmem_shared>> -> memref<10240x128xf32, #tpu.memory_space<vmem_shared>>
        tpu.wait_indirect_dma semaphore(%arg19 : memref<!tpu.dma_semaphore, #tpu.memory_space<semaphore_mem>>) src(%dma_wait3A_509 : memref<64x128xf32, #tpu.memory_space<vmem>>) dst(%dma_wait3A_515 : memref<10240x128xf32, #tpu.memory_space<vmem_shared>>)
        %add3A_516 = arith.constant 4 : i32
        %add3A_517 = arith.addi %mul3A_286, %add3A_516 : i32
        %add3A_518 = arith.constant 3 : i32
        %add3A_519 = arith.addi %add3A_517, %add3A_518 : i32
        %dma_start3A_520 = arith.constant 3 : i32
        %dma_start3A_521 = arith.constant 0 : i32
        %dma_start3A_522 = arith.constant 0 : i32
        %dma_start3A_523 = tpu.memref_slice %arg9[%dma_start3A_520, %dma_start3A_521, %dma_start3A_522] : memref<4x64x128xf32, #tpu.memory_space<vmem>> -> memref<1x64x128xf32, #tpu.memory_space<vmem>>
        %dma_start3A_524 = tpu.memref_squeeze %dma_start3A_523 : memref<1x64x128xf32, #tpu.memory_space<vmem>> -> memref<64x128xf32, #tpu.memory_space<vmem>>
        %dma_start3A_525 = arith.constant 0 : i32
        %dma_start3A_526 = tpu.memref_slice %arg7[%add3A_519, %dma_start3A_525] : memref<16x64xi32, #tpu.memory_space<vmem>> -> memref<1x64xi32, #tpu.memory_space<vmem>>
        %dma_start3A_527 = tpu.memref_squeeze %dma_start3A_526 : memref<1x64xi32, #tpu.memory_space<vmem>> -> memref<64xi32, #tpu.memory_space<vmem>>
        %dma_start3A_528 = arith.constant 0 : i32
        %dma_start3A_529 = arith.constant 0 : i32
        %dma_start3A_530 = tpu.memref_slice %arg2[%dma_start3A_528, %dma_start3A_529] : memref<10000x128xf32, #tpu.memory_space<hbm>> -> memref<10000x128xf32, #tpu.memory_space<hbm>>
        tpu.enqueue_indirect_dma source(%dma_start3A_530 : memref<10000x128xf32, #tpu.memory_space<hbm>>) target(%dma_start3A_524 : memref<64x128xf32, #tpu.memory_space<vmem>>) offsets(%dma_start3A_527 : memref<64xi32, #tpu.memory_space<vmem>>) semaphore(%arg15 : memref<!tpu.dma_semaphore, #tpu.memory_space<semaphore_mem>>)
      }
      %scan3A_116 = arith.constant 3 : i32
      %dma_wait3A = arith.constant 12 : i32
      %dma_wait3A_117 = arith.constant 0 : i32
      %dma_wait3A_118 = arith.constant 0 : i32
      %dma_wait3A_119 = arith.constant 0 : i32
      %dma_wait3A_120 = tpu.memref_slice %arg9[%dma_wait3A_117, %dma_wait3A_118, %dma_wait3A_119] : memref<4x64x128xf32, #tpu.memory_space<vmem>> -> memref<1x64x128xf32, #tpu.memory_space<vmem>>
      %dma_wait3A_121 = tpu.memref_squeeze %dma_wait3A_120 : memref<1x64x128xf32, #tpu.memory_space<vmem>> -> memref<64x128xf32, #tpu.memory_space<vmem>>
      %dma_wait3A_122 = arith.constant 0 : i32
      %dma_wait3A_123 = tpu.memref_slice %arg7[%dma_wait3A, %dma_wait3A_122] : memref<16x64xi32, #tpu.memory_space<vmem>> -> memref<1x64xi32, #tpu.memory_space<vmem>>
      %dma_wait3A_124 = tpu.memref_squeeze %dma_wait3A_123 : memref<1x64xi32, #tpu.memory_space<vmem>> -> memref<64xi32, #tpu.memory_space<vmem>>
      %dma_wait3A_125 = arith.constant 0 : i32
      %dma_wait3A_126 = arith.constant 0 : i32
      %dma_wait3A_127 = tpu.memref_slice %arg2[%dma_wait3A_125, %dma_wait3A_126] : memref<10000x128xf32, #tpu.memory_space<hbm>> -> memref<10000x128xf32, #tpu.memory_space<hbm>>
      tpu.wait_indirect_dma semaphore(%arg12 : memref<!tpu.dma_semaphore, #tpu.memory_space<semaphore_mem>>) src(%dma_wait3A_127 : memref<10000x128xf32, #tpu.memory_space<hbm>>) dst(%dma_wait3A_121 : memref<64x128xf32, #tpu.memory_space<vmem>>)
      %dma_start3A_128 = arith.constant 0 : i32
      %dma_start3A_129 = arith.constant 12 : i32
      %dma_start3A_130 = arith.constant 0 : i32
      %dma_start3A_131 = arith.constant 0 : i32
      %dma_start3A_132 = tpu.memref_slice %arg9[%dma_start3A_128, %dma_start3A_130, %dma_start3A_131] : memref<4x64x128xf32, #tpu.memory_space<vmem>> -> memref<1x64x128xf32, #tpu.memory_space<vmem>>
      %dma_start3A_133 = tpu.memref_squeeze %dma_start3A_132 : memref<1x64x128xf32, #tpu.memory_space<vmem>> -> memref<64x128xf32, #tpu.memory_space<vmem>>
      %dma_start3A_134 = arith.constant 0 : i32
      %dma_start3A_135 = tpu.memref_slice %arg8[%dma_start3A_129, %dma_start3A_134] : memref<16x64xi32, #tpu.memory_space<vmem>> -> memref<1x64xi32, #tpu.memory_space<vmem>>
      %dma_start3A_136 = tpu.memref_squeeze %dma_start3A_135 : memref<1x64xi32, #tpu.memory_space<vmem>> -> memref<64xi32, #tpu.memory_space<vmem>>
      %dma_start3A_137 = arith.constant 0 : i32
      %dma_start3A_138 = arith.constant 0 : i32
      %dma_start3A_139 = tpu.memref_slice %arg11[%dma_start3A_137, %dma_start3A_138] : memref<10240x128xf32, #tpu.memory_space<vmem_shared>> -> memref<10240x128xf32, #tpu.memory_space<vmem_shared>>
      tpu.enqueue_indirect_dma source(%dma_start3A_133 : memref<64x128xf32, #tpu.memory_space<vmem>>) target(%dma_start3A_139 : memref<10240x128xf32, #tpu.memory_space<vmem_shared>>) offsets(%dma_start3A_136 : memref<64xi32, #tpu.memory_space<vmem>>) semaphore(%arg16 : memref<!tpu.dma_semaphore, #tpu.memory_space<semaphore_mem>>) {add = true}
      %dma_wait3A_140 = arith.constant 13 : i32
      %dma_wait3A_141 = arith.constant 1 : i32
      %dma_wait3A_142 = arith.constant 0 : i32
      %dma_wait3A_143 = arith.constant 0 : i32
      %dma_wait3A_144 = tpu.memref_slice %arg9[%dma_wait3A_141, %dma_wait3A_142, %dma_wait3A_143] : memref<4x64x128xf32, #tpu.memory_space<vmem>> -> memref<1x64x128xf32, #tpu.memory_space<vmem>>
      %dma_wait3A_145 = tpu.memref_squeeze %dma_wait3A_144 : memref<1x64x128xf32, #tpu.memory_space<vmem>> -> memref<64x128xf32, #tpu.memory_space<vmem>>
      %dma_wait3A_146 = arith.constant 0 : i32
      %dma_wait3A_147 = tpu.memref_slice %arg7[%dma_wait3A_140, %dma_wait3A_146] : memref<16x64xi32, #tpu.memory_space<vmem>> -> memref<1x64xi32, #tpu.memory_space<vmem>>
      %dma_wait3A_148 = tpu.memref_squeeze %dma_wait3A_147 : memref<1x64xi32, #tpu.memory_space<vmem>> -> memref<64xi32, #tpu.memory_space<vmem>>
      %dma_wait3A_149 = arith.constant 0 : i32
      %dma_wait3A_150 = arith.constant 0 : i32
      %dma_wait3A_151 = tpu.memref_slice %arg2[%dma_wait3A_149, %dma_wait3A_150] : memref<10000x128xf32, #tpu.memory_space<hbm>> -> memref<10000x128xf32, #tpu.memory_space<hbm>>
      tpu.wait_indirect_dma semaphore(%arg13 : memref<!tpu.dma_semaphore, #tpu.memory_space<semaphore_mem>>) src(%dma_wait3A_151 : memref<10000x128xf32, #tpu.memory_space<hbm>>) dst(%dma_wait3A_145 : memref<64x128xf32, #tpu.memory_space<vmem>>)
      %dma_start3A_152 = arith.constant 1 : i32
      %dma_start3A_153 = arith.constant 13 : i32
      %dma_start3A_154 = arith.constant 0 : i32
      %dma_start3A_155 = arith.constant 0 : i32
      %dma_start3A_156 = tpu.memref_slice %arg9[%dma_start3A_152, %dma_start3A_154, %dma_start3A_155] : memref<4x64x128xf32, #tpu.memory_space<vmem>> -> memref<1x64x128xf32, #tpu.memory_space<vmem>>
      %dma_start3A_157 = tpu.memref_squeeze %dma_start3A_156 : memref<1x64x128xf32, #tpu.memory_space<vmem>> -> memref<64x128xf32, #tpu.memory_space<vmem>>
      %dma_start3A_158 = arith.constant 0 : i32
      %dma_start3A_159 = tpu.memref_slice %arg8[%dma_start3A_153, %dma_start3A_158] : memref<16x64xi32, #tpu.memory_space<vmem>> -> memref<1x64xi32, #tpu.memory_space<vmem>>
      %dma_start3A_160 = tpu.memref_squeeze %dma_start3A_159 : memref<1x64xi32, #tpu.memory_space<vmem>> -> memref<64xi32, #tpu.memory_space<vmem>>
      %dma_start3A_161 = arith.constant 0 : i32
      %dma_start3A_162 = arith.constant 0 : i32
      %dma_start3A_163 = tpu.memref_slice %arg11[%dma_start3A_161, %dma_start3A_162] : memref<10240x128xf32, #tpu.memory_space<vmem_shared>> -> memref<10240x128xf32, #tpu.memory_space<vmem_shared>>
      tpu.enqueue_indirect_dma source(%dma_start3A_157 : memref<64x128xf32, #tpu.memory_space<vmem>>) target(%dma_start3A_163 : memref<10240x128xf32, #tpu.memory_space<vmem_shared>>) offsets(%dma_start3A_160 : memref<64xi32, #tpu.memory_space<vmem>>) semaphore(%arg17 : memref<!tpu.dma_semaphore, #tpu.memory_space<semaphore_mem>>) {add = true}
      %dma_wait3A_164 = arith.constant 14 : i32
      %dma_wait3A_165 = arith.constant 2 : i32
      %dma_wait3A_166 = arith.constant 0 : i32
      %dma_wait3A_167 = arith.constant 0 : i32
      %dma_wait3A_168 = tpu.memref_slice %arg9[%dma_wait3A_165, %dma_wait3A_166, %dma_wait3A_167] : memref<4x64x128xf32, #tpu.memory_space<vmem>> -> memref<1x64x128xf32, #tpu.memory_space<vmem>>
      %dma_wait3A_169 = tpu.memref_squeeze %dma_wait3A_168 : memref<1x64x128xf32, #tpu.memory_space<vmem>> -> memref<64x128xf32, #tpu.memory_space<vmem>>
      %dma_wait3A_170 = arith.constant 0 : i32
      %dma_wait3A_171 = tpu.memref_slice %arg7[%dma_wait3A_164, %dma_wait3A_170] : memref<16x64xi32, #tpu.memory_space<vmem>> -> memref<1x64xi32, #tpu.memory_space<vmem>>
      %dma_wait3A_172 = tpu.memref_squeeze %dma_wait3A_171 : memref<1x64xi32, #tpu.memory_space<vmem>> -> memref<64xi32, #tpu.memory_space<vmem>>
      %dma_wait3A_173 = arith.constant 0 : i32
      %dma_wait3A_174 = arith.constant 0 : i32
      %dma_wait3A_175 = tpu.memref_slice %arg2[%dma_wait3A_173, %dma_wait3A_174] : memref<10000x128xf32, #tpu.memory_space<hbm>> -> memref<10000x128xf32, #tpu.memory_space<hbm>>
      tpu.wait_indirect_dma semaphore(%arg14 : memref<!tpu.dma_semaphore, #tpu.memory_space<semaphore_mem>>) src(%dma_wait3A_175 : memref<10000x128xf32, #tpu.memory_space<hbm>>) dst(%dma_wait3A_169 : memref<64x128xf32, #tpu.memory_space<vmem>>)
      %dma_start3A_176 = arith.constant 2 : i32
      %dma_start3A_177 = arith.constant 14 : i32
      %dma_start3A_178 = arith.constant 0 : i32
      %dma_start3A_179 = arith.constant 0 : i32
      %dma_start3A_180 = tpu.memref_slice %arg9[%dma_start3A_176, %dma_start3A_178, %dma_start3A_179] : memref<4x64x128xf32, #tpu.memory_space<vmem>> -> memref<1x64x128xf32, #tpu.memory_space<vmem>>
      %dma_start3A_181 = tpu.memref_squeeze %dma_start3A_180 : memref<1x64x128xf32, #tpu.memory_space<vmem>> -> memref<64x128xf32, #tpu.memory_space<vmem>>
      %dma_start3A_182 = arith.constant 0 : i32
      %dma_start3A_183 = tpu.memref_slice %arg8[%dma_start3A_177, %dma_start3A_182] : memref<16x64xi32, #tpu.memory_space<vmem>> -> memref<1x64xi32, #tpu.memory_space<vmem>>
      %dma_start3A_184 = tpu.memref_squeeze %dma_start3A_183 : memref<1x64xi32, #tpu.memory_space<vmem>> -> memref<64xi32, #tpu.memory_space<vmem>>
      %dma_start3A_185 = arith.constant 0 : i32
      %dma_start3A_186 = arith.constant 0 : i32
      %dma_start3A_187 = tpu.memref_slice %arg11[%dma_start3A_185, %dma_start3A_186] : memref<10240x128xf32, #tpu.memory_space<vmem_shared>> -> memref<10240x128xf32, #tpu.memory_space<vmem_shared>>
      tpu.enqueue_indirect_dma source(%dma_start3A_181 : memref<64x128xf32, #tpu.memory_space<vmem>>) target(%dma_start3A_187 : memref<10240x128xf32, #tpu.memory_space<vmem_shared>>) offsets(%dma_start3A_184 : memref<64xi32, #tpu.memory_space<vmem>>) semaphore(%arg18 : memref<!tpu.dma_semaphore, #tpu.memory_space<semaphore_mem>>) {add = true}
      %dma_wait3A_188 = arith.constant 15 : i32
      %dma_wait3A_189 = arith.constant 3 : i32
      %dma_wait3A_190 = arith.constant 0 : i32
      %dma_wait3A_191 = arith.constant 0 : i32
      %dma_wait3A_192 = tpu.memref_slice %arg9[%dma_wait3A_189, %dma_wait3A_190, %dma_wait3A_191] : memref<4x64x128xf32, #tpu.memory_space<vmem>> -> memref<1x64x128xf32, #tpu.memory_space<vmem>>
      %dma_wait3A_193 = tpu.memref_squeeze %dma_wait3A_192 : memref<1x64x128xf32, #tpu.memory_space<vmem>> -> memref<64x128xf32, #tpu.memory_space<vmem>>
      %dma_wait3A_194 = arith.constant 0 : i32
      %dma_wait3A_195 = tpu.memref_slice %arg7[%dma_wait3A_188, %dma_wait3A_194] : memref<16x64xi32, #tpu.memory_space<vmem>> -> memref<1x64xi32, #tpu.memory_space<vmem>>
      %dma_wait3A_196 = tpu.memref_squeeze %dma_wait3A_195 : memref<1x64xi32, #tpu.memory_space<vmem>> -> memref<64xi32, #tpu.memory_space<vmem>>
      %dma_wait3A_197 = arith.constant 0 : i32
      %dma_wait3A_198 = arith.constant 0 : i32
      %dma_wait3A_199 = tpu.memref_slice %arg2[%dma_wait3A_197, %dma_wait3A_198] : memref<10000x128xf32, #tpu.memory_space<hbm>> -> memref<10000x128xf32, #tpu.memory_space<hbm>>
      tpu.wait_indirect_dma semaphore(%arg15 : memref<!tpu.dma_semaphore, #tpu.memory_space<semaphore_mem>>) src(%dma_wait3A_199 : memref<10000x128xf32, #tpu.memory_space<hbm>>) dst(%dma_wait3A_193 : memref<64x128xf32, #tpu.memory_space<vmem>>)
      %dma_start3A_200 = arith.constant 3 : i32
      %dma_start3A_201 = arith.constant 15 : i32
      %dma_start3A_202 = arith.constant 0 : i32
      %dma_start3A_203 = arith.constant 0 : i32
      %dma_start3A_204 = tpu.memref_slice %arg9[%dma_start3A_200, %dma_start3A_202, %dma_start3A_203] : memref<4x64x128xf32, #tpu.memory_space<vmem>> -> memref<1x64x128xf32, #tpu.memory_space<vmem>>
      %dma_start3A_205 = tpu.memref_squeeze %dma_start3A_204 : memref<1x64x128xf32, #tpu.memory_space<vmem>> -> memref<64x128xf32, #tpu.memory_space<vmem>>
      %dma_start3A_206 = arith.constant 0 : i32
      %dma_start3A_207 = tpu.memref_slice %arg8[%dma_start3A_201, %dma_start3A_206] : memref<16x64xi32, #tpu.memory_space<vmem>> -> memref<1x64xi32, #tpu.memory_space<vmem>>
      %dma_start3A_208 = tpu.memref_squeeze %dma_start3A_207 : memref<1x64xi32, #tpu.memory_space<vmem>> -> memref<64xi32, #tpu.memory_space<vmem>>
      %dma_start3A_209 = arith.constant 0 : i32
      %dma_start3A_210 = arith.constant 0 : i32
      %dma_start3A_211 = tpu.memref_slice %arg11[%dma_start3A_209, %dma_start3A_210] : memref<10240x128xf32, #tpu.memory_space<vmem_shared>> -> memref<10240x128xf32, #tpu.memory_space<vmem_shared>>
      tpu.enqueue_indirect_dma source(%dma_start3A_205 : memref<64x128xf32, #tpu.memory_space<vmem>>) target(%dma_start3A_211 : memref<10240x128xf32, #tpu.memory_space<vmem_shared>>) offsets(%dma_start3A_208 : memref<64xi32, #tpu.memory_space<vmem>>) semaphore(%arg19 : memref<!tpu.dma_semaphore, #tpu.memory_space<semaphore_mem>>) {add = true}
      %scan3A_212 = arith.constant 0 : i32
      %scan3A_213 = arith.constant 4 : i32
      %scan3A_214 = arith.addi %scan3A_212, %scan3A_213 : i32
      %scan3A_215 = arith.constant 1 : i32
      scf.for %scan3A_280 = %scan3A_212 to %scan3A_214 step %scan3A_215  : i32 {
        %mul3A_281 = arith.constant 16 : i32
        %mul3A_282 = arith.muli %scan3A_280, %mul3A_281 : i32
        %add3A_283 = arith.constant 0 : i32
        %add3A_284 = arith.addi %add3A_283, %mul3A_282 : i32
        %get3A = arith.constant 12 : i32
        %get3A_285 = arith.index_cast %get3A : i32 to index
        %get3A_286 = arith.index_cast %add3A_284 : i32 to index
        %get3A_287 = tpu.vector_load %arg8[%get3A_285, %get3A_286] {strides = array<i32>} : memref<16x64xi32, #tpu.memory_space<vmem>>, vector<16xi32>,
        %shift_right_logical3A = arith.constant 7 : i32
        %shift_right_logical3A_288 = vector.broadcast %shift_right_logical3A : i32 to vector<16xi32>
        %shift_right_logical3A_289 = arith.shrui %get3A_287, %shift_right_logical3A_288 : vector<16xi32>
        %and3A = arith.constant 127 : i32
        %and3A_290 = vector.broadcast %and3A : i32 to vector<16xi32>
        %and3A_291 = arith.andi %get3A_287, %and3A_290 : vector<16xi32>
        tpu.vector_store_idx %arg10[%shift_right_logical3A_289, %and3A_291], %broadcast_in_dim3A_43 {add = true} : memref<80x128xf32, #tpu.memory_space<vmem>>[vector<16xi32>, vector<16xi32>], vector<16xf32>,
      }
      %scan3A_216 = arith.constant 4 : i32
      %scan3A_217 = arith.constant 0 : i32
      %scan3A_218 = arith.constant 4 : i32
      %scan3A_219 = arith.addi %scan3A_217, %scan3A_218 : i32
      %scan3A_220 = arith.constant 1 : i32
      scf.for %scan3A_280 = %scan3A_217 to %scan3A_219 step %scan3A_220  : i32 {
        %mul3A_281 = arith.constant 16 : i32
        %mul3A_282 = arith.muli %scan3A_280, %mul3A_281 : i32
        %add3A_283 = arith.constant 0 : i32
        %add3A_284 = arith.addi %add3A_283, %mul3A_282 : i32
        %get3A = arith.constant 13 : i32
        %get3A_285 = arith.index_cast %get3A : i32 to index
        %get3A_286 = arith.index_cast %add3A_284 : i32 to index
        %get3A_287 = tpu.vector_load %arg8[%get3A_285, %get3A_286] {strides = array<i32>} : memref<16x64xi32, #tpu.memory_space<vmem>>, vector<16xi32>,
        %shift_right_logical3A = arith.constant 7 : i32
        %shift_right_logical3A_288 = vector.broadcast %shift_right_logical3A : i32 to vector<16xi32>
        %shift_right_logical3A_289 = arith.shrui %get3A_287, %shift_right_logical3A_288 : vector<16xi32>
        %and3A = arith.constant 127 : i32
        %and3A_290 = vector.broadcast %and3A : i32 to vector<16xi32>
        %and3A_291 = arith.andi %get3A_287, %and3A_290 : vector<16xi32>
        tpu.vector_store_idx %arg10[%shift_right_logical3A_289, %and3A_291], %broadcast_in_dim3A_43 {add = true} : memref<80x128xf32, #tpu.memory_space<vmem>>[vector<16xi32>, vector<16xi32>], vector<16xf32>,
      }
      %scan3A_221 = arith.constant 4 : i32
      %scan3A_222 = arith.constant 0 : i32
      %scan3A_223 = arith.constant 4 : i32
      %scan3A_224 = arith.addi %scan3A_222, %scan3A_223 : i32
      %scan3A_225 = arith.constant 1 : i32
      scf.for %scan3A_280 = %scan3A_222 to %scan3A_224 step %scan3A_225  : i32 {
        %mul3A_281 = arith.constant 16 : i32
        %mul3A_282 = arith.muli %scan3A_280, %mul3A_281 : i32
        %add3A_283 = arith.constant 0 : i32
        %add3A_284 = arith.addi %add3A_283, %mul3A_282 : i32
        %get3A = arith.constant 14 : i32
        %get3A_285 = arith.index_cast %get3A : i32 to index
        %get3A_286 = arith.index_cast %add3A_284 : i32 to index
        %get3A_287 = tpu.vector_load %arg8[%get3A_285, %get3A_286] {strides = array<i32>} : memref<16x64xi32, #tpu.memory_space<vmem>>, vector<16xi32>,
        %shift_right_logical3A = arith.constant 7 : i32
        %shift_right_logical3A_288 = vector.broadcast %shift_right_logical3A : i32 to vector<16xi32>
        %shift_right_logical3A_289 = arith.shrui %get3A_287, %shift_right_logical3A_288 : vector<16xi32>
        %and3A = arith.constant 127 : i32
        %and3A_290 = vector.broadcast %and3A : i32 to vector<16xi32>
        %and3A_291 = arith.andi %get3A_287, %and3A_290 : vector<16xi32>
        tpu.vector_store_idx %arg10[%shift_right_logical3A_289, %and3A_291], %broadcast_in_dim3A_43 {add = true} : memref<80x128xf32, #tpu.memory_space<vmem>>[vector<16xi32>, vector<16xi32>], vector<16xf32>,
      }
      %scan3A_226 = arith.constant 4 : i32
      %scan3A_227 = arith.constant 0 : i32
      %scan3A_228 = arith.constant 4 : i32
      %scan3A_229 = arith.addi %scan3A_227, %scan3A_228 : i32
      %scan3A_230 = arith.constant 1 : i32
      scf.for %scan3A_280 = %scan3A_227 to %scan3A_229 step %scan3A_230  : i32 {
        %mul3A_281 = arith.constant 16 : i32
        %mul3A_282 = arith.muli %scan3A_280, %mul3A_281 : i32
        %add3A_283 = arith.constant 0 : i32
        %add3A_284 = arith.addi %add3A_283, %mul3A_282 : i32
        %get3A = arith.constant 15 : i32
        %get3A_285 = arith.index_cast %get3A : i32 to index
        %get3A_286 = arith.index_cast %add3A_284 : i32 to index
        %get3A_287 = tpu.vector_load %arg8[%get3A_285, %get3A_286] {strides = array<i32>} : memref<16x64xi32, #tpu.memory_space<vmem>>, vector<16xi32>,
        %shift_right_logical3A = arith.constant 7 : i32
        %shift_right_logical3A_288 = vector.broadcast %shift_right_logical3A : i32 to vector<16xi32>
        %shift_right_logical3A_289 = arith.shrui %get3A_287, %shift_right_logical3A_288 : vector<16xi32>
        %and3A = arith.constant 127 : i32
        %and3A_290 = vector.broadcast %and3A : i32 to vector<16xi32>
        %and3A_291 = arith.andi %get3A_287, %and3A_290 : vector<16xi32>
        tpu.vector_store_idx %arg10[%shift_right_logical3A_289, %and3A_291], %broadcast_in_dim3A_43 {add = true} : memref<80x128xf32, #tpu.memory_space<vmem>>[vector<16xi32>, vector<16xi32>], vector<16xf32>,
      }
      %scan3A_231 = arith.constant 4 : i32
      %dma_wait3A_232 = arith.constant 0 : i32
      %dma_wait3A_233 = arith.constant 12 : i32
      %dma_wait3A_234 = arith.constant 0 : i32
      %dma_wait3A_235 = arith.constant 0 : i32
      %dma_wait3A_236 = tpu.memref_slice %arg9[%dma_wait3A_232, %dma_wait3A_234, %dma_wait3A_235] : memref<4x64x128xf32, #tpu.memory_space<vmem>> -> memref<1x64x128xf32, #tpu.memory_space<vmem>>
      %dma_wait3A_237 = tpu.memref_squeeze %dma_wait3A_236 : memref<1x64x128xf32, #tpu.memory_space<vmem>> -> memref<64x128xf32, #tpu.memory_space<vmem>>
      %dma_wait3A_238 = arith.constant 0 : i32
      %dma_wait3A_239 = tpu.memref_slice %arg8[%dma_wait3A_233, %dma_wait3A_238] : memref<16x64xi32, #tpu.memory_space<vmem>> -> memref<1x64xi32, #tpu.memory_space<vmem>>
      %dma_wait3A_240 = tpu.memref_squeeze %dma_wait3A_239 : memref<1x64xi32, #tpu.memory_space<vmem>> -> memref<64xi32, #tpu.memory_space<vmem>>
      %dma_wait3A_241 = arith.constant 0 : i32
      %dma_wait3A_242 = arith.constant 0 : i32
      %dma_wait3A_243 = tpu.memref_slice %arg11[%dma_wait3A_241, %dma_wait3A_242] : memref<10240x128xf32, #tpu.memory_space<vmem_shared>> -> memref<10240x128xf32, #tpu.memory_space<vmem_shared>>
      tpu.wait_indirect_dma semaphore(%arg16 : memref<!tpu.dma_semaphore, #tpu.memory_space<semaphore_mem>>) src(%dma_wait3A_237 : memref<64x128xf32, #tpu.memory_space<vmem>>) dst(%dma_wait3A_243 : memref<10240x128xf32, #tpu.memory_space<vmem_shared>>)
      %dma_wait3A_244 = arith.constant 1 : i32
      %dma_wait3A_245 = arith.constant 13 : i32
      %dma_wait3A_246 = arith.constant 0 : i32
      %dma_wait3A_247 = arith.constant 0 : i32
      %dma_wait3A_248 = tpu.memref_slice %arg9[%dma_wait3A_244, %dma_wait3A_246, %dma_wait3A_247] : memref<4x64x128xf32, #tpu.memory_space<vmem>> -> memref<1x64x128xf32, #tpu.memory_space<vmem>>
      %dma_wait3A_249 = tpu.memref_squeeze %dma_wait3A_248 : memref<1x64x128xf32, #tpu.memory_space<vmem>> -> memref<64x128xf32, #tpu.memory_space<vmem>>
      %dma_wait3A_250 = arith.constant 0 : i32
      %dma_wait3A_251 = tpu.memref_slice %arg8[%dma_wait3A_245, %dma_wait3A_250] : memref<16x64xi32, #tpu.memory_space<vmem>> -> memref<1x64xi32, #tpu.memory_space<vmem>>
      %dma_wait3A_252 = tpu.memref_squeeze %dma_wait3A_251 : memref<1x64xi32, #tpu.memory_space<vmem>> -> memref<64xi32, #tpu.memory_space<vmem>>
      %dma_wait3A_253 = arith.constant 0 : i32
      %dma_wait3A_254 = arith.constant 0 : i32
      %dma_wait3A_255 = tpu.memref_slice %arg11[%dma_wait3A_253, %dma_wait3A_254] : memref<10240x128xf32, #tpu.memory_space<vmem_shared>> -> memref<10240x128xf32, #tpu.memory_space<vmem_shared>>
      tpu.wait_indirect_dma semaphore(%arg17 : memref<!tpu.dma_semaphore, #tpu.memory_space<semaphore_mem>>) src(%dma_wait3A_249 : memref<64x128xf32, #tpu.memory_space<vmem>>) dst(%dma_wait3A_255 : memref<10240x128xf32, #tpu.memory_space<vmem_shared>>)
      %dma_wait3A_256 = arith.constant 2 : i32
      %dma_wait3A_257 = arith.constant 14 : i32
      %dma_wait3A_258 = arith.constant 0 : i32
      %dma_wait3A_259 = arith.constant 0 : i32
      %dma_wait3A_260 = tpu.memref_slice %arg9[%dma_wait3A_256, %dma_wait3A_258, %dma_wait3A_259] : memref<4x64x128xf32, #tpu.memory_space<vmem>> -> memref<1x64x128xf32, #tpu.memory_space<vmem>>
      %dma_wait3A_261 = tpu.memref_squeeze %dma_wait3A_260 : memref<1x64x128xf32, #tpu.memory_space<vmem>> -> memref<64x128xf32, #tpu.memory_space<vmem>>
      %dma_wait3A_262 = arith.constant 0 : i32
      %dma_wait3A_263 = tpu.memref_slice %arg8[%dma_wait3A_257, %dma_wait3A_262] : memref<16x64xi32, #tpu.memory_space<vmem>> -> memref<1x64xi32, #tpu.memory_space<vmem>>
      %dma_wait3A_264 = tpu.memref_squeeze %dma_wait3A_263 : memref<1x64xi32, #tpu.memory_space<vmem>> -> memref<64xi32, #tpu.memory_space<vmem>>
      %dma_wait3A_265 = arith.constant 0 : i32
      %dma_wait3A_266 = arith.constant 0 : i32
      %dma_wait3A_267 = tpu.memref_slice %arg11[%dma_wait3A_265, %dma_wait3A_266] : memref<10240x128xf32, #tpu.memory_space<vmem_shared>> -> memref<10240x128xf32, #tpu.memory_space<vmem_shared>>
      tpu.wait_indirect_dma semaphore(%arg18 : memref<!tpu.dma_semaphore, #tpu.memory_space<semaphore_mem>>) src(%dma_wait3A_261 : memref<64x128xf32, #tpu.memory_space<vmem>>) dst(%dma_wait3A_267 : memref<10240x128xf32, #tpu.memory_space<vmem_shared>>)
      %dma_wait3A_268 = arith.constant 3 : i32
      %dma_wait3A_269 = arith.constant 15 : i32
      %dma_wait3A_270 = arith.constant 0 : i32
      %dma_wait3A_271 = arith.constant 0 : i32
      %dma_wait3A_272 = tpu.memref_slice %arg9[%dma_wait3A_268, %dma_wait3A_270, %dma_wait3A_271] : memref<4x64x128xf32, #tpu.memory_space<vmem>> -> memref<1x64x128xf32, #tpu.memory_space<vmem>>
      %dma_wait3A_273 = tpu.memref_squeeze %dma_wait3A_272 : memref<1x64x128xf32, #tpu.memory_space<vmem>> -> memref<64x128xf32, #tpu.memory_space<vmem>>
      %dma_wait3A_274 = arith.constant 0 : i32
      %dma_wait3A_275 = tpu.memref_slice %arg8[%dma_wait3A_269, %dma_wait3A_274] : memref<16x64xi32, #tpu.memory_space<vmem>> -> memref<1x64xi32, #tpu.memory_space<vmem>>
      %dma_wait3A_276 = tpu.memref_squeeze %dma_wait3A_275 : memref<1x64xi32, #tpu.memory_space<vmem>> -> memref<64xi32, #tpu.memory_space<vmem>>
      %dma_wait3A_277 = arith.constant 0 : i32
      %dma_wait3A_278 = arith.constant 0 : i32
      %dma_wait3A_279 = tpu.memref_slice %arg11[%dma_wait3A_277, %dma_wait3A_278] : memref<10240x128xf32, #tpu.memory_space<vmem_shared>> -> memref<10240x128xf32, #tpu.memory_space<vmem_shared>>
      tpu.wait_indirect_dma semaphore(%arg19 : memref<!tpu.dma_semaphore, #tpu.memory_space<semaphore_mem>>) src(%dma_wait3A_273 : memref<64x128xf32, #tpu.memory_space<vmem>>) dst(%dma_wait3A_279 : memref<10240x128xf32, #tpu.memory_space<vmem_shared>>)
    }
    %scan3A_48 = arith.constant 10 : i32
    %mul3A_49 = arith.constant 80 : i32
    %mul3A_50 = arith.muli %add3A, %mul3A_49 : i32
    %multiple_of3A = tpu.assume_multiple %mul3A_50, 8 : i32
    "tpu.region"() ({
      %run_scoped3A_56 = tpu.sem_alloc : memref<!tpu.dma_semaphore, #tpu.memory_space<semaphore_mem>>
      %dma_start3A = arith.constant 0 : i32
      %dma_start3A_57 = tpu.memref_slice %arg6[%multiple_of3A, %dma_start3A] : memref<2560x128xf32, #tpu.memory_space<hbm>> -> memref<80x128xf32, #tpu.memory_space<hbm>>
      %dma_start3A_58 = arith.constant 0 : i32
      %dma_start3A_59 = tpu.memref_slice %arg6[%multiple_of3A, %dma_start3A_58] : memref<2560x128xf32, #tpu.memory_space<hbm>> -> memref<80x128xf32, #tpu.memory_space<hbm>>
      tpu.enqueue_dma source(%arg10 : memref<80x128xf32, #tpu.memory_space<vmem>>) target(%dma_start3A_59 : memref<80x128xf32, #tpu.memory_space<hbm>>) target_semaphore(%run_scoped3A_56 : memref<!tpu.dma_semaphore, #tpu.memory_space<semaphore_mem>>)
      %dma_wait3A = arith.constant 0 : i32
      %dma_wait3A_60 = tpu.memref_slice %arg6[%multiple_of3A, %dma_wait3A] : memref<2560x128xf32, #tpu.memory_space<hbm>> -> memref<80x128xf32, #tpu.memory_space<hbm>>
      %dma_wait3A_61 = arith.constant 0 : i32
      %dma_wait3A_62 = tpu.memref_slice %arg6[%multiple_of3A, %dma_wait3A_61] : memref<2560x128xf32, #tpu.memory_space<hbm>> -> memref<80x128xf32, #tpu.memory_space<hbm>>
      tpu.wait_dma2 semaphore(%run_scoped3A_56 : memref<!tpu.dma_semaphore, #tpu.memory_space<semaphore_mem>>) src(%arg10 : memref<80x128xf32, #tpu.memory_space<vmem>>) dst(%dma_wait3A_62 : memref<80x128xf32, #tpu.memory_space<hbm>>)
      tpu.yield
    }) : () -> ()
    %barrier3A_51 = arith.constant 0 : index
    tpu.barrier barrier_id(%barrier3A_51)
    %mul3A_52 = arith.constant 10240 : i32
    %mul3A_53 = arith.muli %arg0, %mul3A_52 : i32
    %add3A_54 = arith.addi %mul3A_53, %mul3A_2 : i32
    %multiple_of3A_55 = tpu.assume_multiple %add3A_54, 8 : i32
    "tpu.region"() ({
      %run_scoped3A_56 = tpu.sem_alloc : memref<!tpu.dma_semaphore, #tpu.memory_space<semaphore_mem>>
      %dma_start3A = arith.constant 0 : i32
      %dma_start3A_57 = tpu.memref_slice %arg5[%multiple_of3A_55, %dma_start3A] : memref<20480x128xf32, #tpu.memory_space<hbm>> -> memref<640x128xf32, #tpu.memory_space<hbm>>
      %dma_start3A_58 = arith.constant 0 : i32
      %dma_start3A_59 = tpu.memref_slice %arg11[%mul3A_2, %dma_start3A_58] : memref<10240x128xf32, #tpu.memory_space<vmem_shared>> -> memref<640x128xf32, #tpu.memory_space<vmem_shared>>
      tpu.enqueue_dma source(%dma_start3A_59 : memref<640x128xf32, #tpu.memory_space<vmem_shared>>) target(%dma_start3A_57 : memref<640x128xf32, #tpu.memory_space<hbm>>) target_semaphore(%run_scoped3A_56 : memref<!tpu.dma_semaphore, #tpu.memory_space<semaphore_mem>>)
      %dma_wait3A = arith.constant 0 : i32
      %dma_wait3A_60 = tpu.memref_slice %arg5[%multiple_of3A_55, %dma_wait3A] : memref<20480x128xf32, #tpu.memory_space<hbm>> -> memref<640x128xf32, #tpu.memory_space<hbm>>
      %dma_wait3A_61 = arith.constant 0 : i32
      %dma_wait3A_62 = tpu.memref_slice %arg11[%mul3A_2, %dma_wait3A_61] : memref<10240x128xf32, #tpu.memory_space<vmem_shared>> -> memref<640x128xf32, #tpu.memory_space<vmem_shared>>
      tpu.wait_dma2 semaphore(%run_scoped3A_56 : memref<!tpu.dma_semaphore, #tpu.memory_space<semaphore_mem>>) src(%dma_wait3A_62 : memref<640x128xf32, #tpu.memory_space<vmem_shared>>) dst(%dma_wait3A_60 : memref<640x128xf32, #tpu.memory_space<hbm>>)
      tpu.yield
    }) : () -> ()
    return
  }
}

module attributes {stable_mosaic.version = 14 : i64} {
  func.func @body(%arg0: i32, %arg1: memref<1024x128xf32, #tpu.memory_space<vmem>>, %arg2: memref<128x256xf32, #tpu.memory_space<vmem>>, %arg3: memref<1x256xf32, #tpu.memory_space<vmem>>, %arg4: memref<1024x256xf32, #tpu.memory_space<vmem>>) attributes {dimension_semantics = [#tpu.dimension_semantics<arbitrary>], iteration_bounds = array<i64: 10>, scalar_prefetch = 0 : i64, scratch_operands = 0 : i64, tpu.core_type = #tpu.core_type<tc>, window_params = [{transform_indices = @transform_0, window_bounds = array<i64: 1024, 128>}, {pipeline_mode = #tpu.pipeline_mode<synchronous>, transform_indices = @transform_1, window_bounds = array<i64: 128, 256>}, {pipeline_mode = #tpu.pipeline_mode<synchronous>, transform_indices = @transform_2, window_bounds = array<i64: 1, 256>}, {transform_indices = @transform_3, window_bounds = array<i64: 1024, 256>}]} {
    %get3A = arith.constant 0 : index
    %get3A_0 = arith.constant 0 : index
    %get3A_1 = vector.load %arg1[%get3A, %get3A_0] : memref<1024x128xf32, #tpu.memory_space<vmem>>, vector<1024x128xf32>
    %get3A_2 = arith.constant 0 : index
    %get3A_3 = arith.constant 0 : index
    %get3A_4 = vector.load %arg2[%get3A_2, %get3A_3] : memref<128x256xf32, #tpu.memory_space<vmem>>, vector<128x256xf32>
    %dot_general3A = arith.constant dense<0.000000e+00> : vector<1024x256xf32>
    %dot_general3A_5 = tpu.matmul %get3A_1, %get3A_4, %dot_general3A {dimension_numbers = #tpu.dot_dimension_numbers<[1], [0], [0], [1], [0, 0, 1, 1], [], []>, transpose_lhs_hint = false} : vector<1024x128xf32>, vector<128x256xf32>, vector<1024x256xf32> -> vector<1024x256xf32>
    %get3A_6 = arith.constant 0 : index
    %get3A_7 = arith.constant 0 : index
    %get3A_8 = vector.load %arg3[%get3A_6, %get3A_7] : memref<1x256xf32, #tpu.memory_space<vmem>>, vector<1x256xf32>
    %add3A = vector.broadcast %get3A_8 : vector<1x256xf32> to vector<1024x256xf32>
    %add3A_9 = arith.addf %dot_general3A_5, %add3A : vector<1024x256xf32>
    %swap3A = arith.constant 0 : index
    %swap3A_10 = arith.constant 0 : index
    %swap3A_11 = vector.load %arg4[%swap3A, %swap3A_10] : memref<1024x256xf32, #tpu.memory_space<vmem>>, vector<1024x256xf32>
    tpu.vector_store %arg4[%swap3A, %swap3A_10], %add3A_9 {strides = array<i32>} : memref<1024x256xf32, #tpu.memory_space<vmem>>, vector<1024x256xf32>,
    return
  }
  func.func @transform_0(%arg0: i32) -> (i32, i32) {
    %c0_i32 = arith.constant 0 : i32
    %c0_i32_0 = arith.constant 0 : i32
    return %arg0, %c0_i32 : i32, i32
  }
  func.func @transform_1(%arg0: i32) -> (i32, i32) {
    %c0_i32 = arith.constant 0 : i32
    %c0_i32_0 = arith.constant 0 : i32
    %c0_i32_1 = arith.constant 0 : i32
    return %c0_i32, %c0_i32_0 : i32, i32
  }
  func.func @transform_2(%arg0: i32) -> (i32, i32) {
    %c0_i32 = arith.constant 0 : i32
    %c0_i32_0 = arith.constant 0 : i32
    %c0_i32_1 = arith.constant 0 : i32
    return %c0_i32, %c0_i32_0 : i32, i32
  }
  func.func @transform_3(%arg0: i32) -> (i32, i32) {
    %c0_i32 = arith.constant 0 : i32
    %c0_i32_0 = arith.constant 0 : i32
    return %arg0, %c0_i32 : i32, i32
  }
}

module attributes {stable_mosaic.version = 14 : i64} {
  func.func @body(%arg0: i32, %arg1: memref<2x1024x128xf32, #tpu.memory_space<vmem>>, %arg2: memref<32x8x128xf32, #tpu.memory_space<vmem>>, %arg3: memref<1024x256xf32, #tpu.memory_space<vmem>>, %arg4: memref<128x256xf32, #tpu.memory_space<vmem>>, %arg5: memref<256x128xf32, #tpu.memory_space<vmem>>, %arg6: memref<256x128xf32, #tpu.memory_space<vmem>>, %arg7: memref<1x128xf32, #tpu.memory_space<vmem>>, %arg8: memref<1024x128xf32, #tpu.memory_space<vmem>>, %arg9: memref<1024x128xf32, #tpu.memory_space<vmem>>) attributes {dimension_semantics = [#tpu.dimension_semantics<arbitrary>], iteration_bounds = array<i64: 10>, scalar_prefetch = 0 : i64, scratch_operands = 0 : i64, tpu.core_type = #tpu.core_type<tc>, window_params = [{transform_indices = @transform_0, window_bounds = array<i64: 2, 1024, 128>}, {transform_indices = @transform_1, window_bounds = array<i64: 32, 8, 128>}, {transform_indices = @transform_2, window_bounds = array<i64: 1024, 256>}, {pipeline_mode = #tpu.pipeline_mode<synchronous>, transform_indices = @transform_3, window_bounds = array<i64: 128, 256>}, {pipeline_mode = #tpu.pipeline_mode<synchronous>, transform_indices = @transform_4, window_bounds = array<i64: 256, 128>}, {pipeline_mode = #tpu.pipeline_mode<synchronous>, transform_indices = @transform_5, window_bounds = array<i64: 256, 128>}, {pipeline_mode = #tpu.pipeline_mode<synchronous>, transform_indices = @transform_6, window_bounds = array<i64: 1, 128>}, {transform_indices = @transform_7, window_bounds = array<i64: 1024, 128>}, {transform_indices = @transform_8, window_bounds = array<i64: 1024, 128>}]} {
    %get3A = arith.constant 0 : index
    %get3A_0 = arith.constant 0 : index
    %get3A_1 = arith.constant 0 : index
    %get3A_2 = vector.load %arg1[%get3A, %get3A_0, %get3A_1] : memref<2x1024x128xf32, #tpu.memory_space<vmem>>, vector<1x1024x128xf32>
    %get3A_3 = vector.shape_cast %get3A_2 : vector<1x1024x128xf32> to vector<1024x128xf32>
    %get3A_4 = arith.constant 1 : index
    %get3A_5 = arith.constant 0 : index
    %get3A_6 = arith.constant 0 : index
    %get3A_7 = vector.load %arg1[%get3A_4, %get3A_5, %get3A_6] : memref<2x1024x128xf32, #tpu.memory_space<vmem>>, vector<1x1024x128xf32>
    %get3A_8 = vector.shape_cast %get3A_7 : vector<1x1024x128xf32> to vector<1024x128xf32>
    %add3A = arith.addf %get3A_3, %get3A_8 : vector<1024x128xf32>
    %get3A_9 = arith.constant 0 : index
    %get3A_10 = arith.constant 0 : index
    %get3A_11 = arith.constant 0 : index
    %get3A_12 = vector.load %arg2[%get3A_9, %get3A_10, %get3A_11] : memref<32x8x128xf32, #tpu.memory_space<vmem>>, vector<32x8x128xf32>
    %reduce_sum3A = arith.constant dense<0.000000e+00> : vector<8x128xf32>
    %reduce_sum3A_13 = vector.multi_reduction <add>, %get3A_12, %reduce_sum3A [0] : vector<32x8x128xf32> to vector<8x128xf32>
    %iota3A = tpu.iota {dimensions = array<i32: 0>} : vector<1024x8xi32>
    %jit3A = arith.constant 128 : i32
    %div3A = vector.broadcast %jit3A : i32 to vector<1024x8xi32>
    %div3A_14 = arith.divsi %iota3A, %div3A : vector<1024x8xi32>
    %sign3A = arith.constant 0 : i32
    %sign3A_15 = vector.broadcast %sign3A : i32 to vector<1024x8xi32>
    %sign3A_16 = arith.cmpi sgt, %iota3A, %sign3A_15 : vector<1024x8xi32>
    %sign3A_17 = arith.extui %sign3A_16 : vector<1024x8xi1> to vector<1024x8xi32>
    %sign3A_18 = arith.constant 0 : i32
    %sign3A_19 = vector.broadcast %sign3A_18 : i32 to vector<1024x8xi32>
    %sign3A_20 = arith.cmpi slt, %iota3A, %sign3A_19 : vector<1024x8xi32>
    %sign3A_21 = arith.extui %sign3A_20 : vector<1024x8xi1> to vector<1024x8xi32>
    %sign3A_22 = arith.subi %sign3A_17, %sign3A_21 : vector<1024x8xi32>
    %sign3A_23 = arith.constant 0 : i32
    %sign3A_24 = arith.cmpi sgt, %jit3A, %sign3A_23 : i32
    %sign3A_25 = arith.extui %sign3A_24 : i1 to i32
    %sign3A_26 = arith.constant 0 : i32
    %sign3A_27 = arith.cmpi slt, %jit3A, %sign3A_26 : i32
    %sign3A_28 = arith.extui %sign3A_27 : i1 to i32
    %sign3A_29 = arith.subi %sign3A_25, %sign3A_28 : i32
    %ne3A = vector.broadcast %sign3A_29 : i32 to vector<1024x8xi32>
    %ne3A_30 = arith.cmpi ne, %sign3A_22, %ne3A : vector<1024x8xi32>
    %rem3A = vector.broadcast %jit3A : i32 to vector<1024x8xi32>
    %rem3A_31 = arith.remsi %iota3A, %rem3A : vector<1024x8xi32>
    %ne3A_32 = arith.constant 0 : i32
    %ne3A_33 = vector.broadcast %ne3A_32 : i32 to vector<1024x8xi32>
    %ne3A_34 = arith.cmpi ne, %rem3A_31, %ne3A_33 : vector<1024x8xi32>
    %and3A = arith.andi %ne3A_30, %ne3A_34 : vector<1024x8xi1>
    %sub3A = arith.constant 1 : i32
    %sub3A_35 = vector.broadcast %sub3A : i32 to vector<1024x8xi32>
    %sub3A_36 = arith.subi %div3A_14, %sub3A_35 : vector<1024x8xi32>
    %select_n3A = arith.select %and3A, %sub3A_36, %div3A_14 : vector<1024x8xi1>, vector<1024x8xi32>
    %iota3A_37 = tpu.iota {dimensions = array<i32: 1>} : vector<1024x8xi32>
    %eq3A = arith.cmpi eq, %select_n3A, %iota3A_37 : vector<1024x8xi32>
    %convert_element_type3A = arith.extui %eq3A : vector<1024x8xi1> to vector<1024x8xi32>
    %convert_element_type3A_38 = arith.sitofp %convert_element_type3A : vector<1024x8xi32> to vector<1024x8xf32>
    %dot_general3A = arith.constant dense<0.000000e+00> : vector<1024x128xf32>
    %dot_general3A_39 = tpu.matmul %convert_element_type3A_38, %reduce_sum3A_13, %dot_general3A {dimension_numbers = #tpu.dot_dimension_numbers<[1], [0], [0], [1], [0, 0, 1, 1], [], []>, transpose_lhs_hint = false} : vector<1024x8xf32>, vector<8x128xf32>, vector<1024x128xf32> -> vector<1024x128xf32>
    %iota3A_40 = tpu.iota {dimensions = array<i32: 1>} : vector<1024x128xi32>
    %iota3A_41 = tpu.iota {dimensions = array<i32: 0>} : vector<1024x128xi32>
    %jit3A_42 = arith.constant 128 : i32
    %eq3A_43 = arith.constant 0 : i32
    %eq3A_44 = arith.cmpi eq, %jit3A_42, %eq3A_43 : i32
    %jit3A_45 = arith.constant 1 : i32
    %select_n3A_46 = arith.select %eq3A_44, %jit3A_45, %jit3A_42 : i32
    %rem3A_47 = vector.broadcast %select_n3A_46 : i32 to vector<1024x128xi32>
    %rem3A_48 = arith.remsi %iota3A_41, %rem3A_47 : vector<1024x128xi32>
    %ne3A_49 = arith.constant 0 : i32
    %ne3A_50 = vector.broadcast %ne3A_49 : i32 to vector<1024x128xi32>
    %ne3A_51 = arith.cmpi ne, %rem3A_48, %ne3A_50 : vector<1024x128xi32>
    %lt3A = arith.constant 0 : i32
    %lt3A_52 = vector.broadcast %lt3A : i32 to vector<1024x128xi32>
    %lt3A_53 = arith.cmpi slt, %rem3A_48, %lt3A_52 : vector<1024x128xi32>
    %lt3A_54 = arith.constant 0 : i32
    %lt3A_55 = arith.cmpi slt, %select_n3A_46, %lt3A_54 : i32
    %ne3A_56 = vector.broadcast %lt3A_55 : i1 to vector<1024x128xi1>
    %ne3A_57 = vector.broadcast %ne3A_56 : vector<1024x128xi1> to vector<1024x128xi1>
    %ne3A_58 = arith.xori %lt3A_53, %ne3A_57 : vector<1024x128xi1>
    %and3A_59 = arith.andi %ne3A_58, %ne3A_51 : vector<1024x128xi1>
    %add3A_60 = vector.broadcast %select_n3A_46 : i32 to vector<1024x128xi32>
    %add3A_61 = arith.addi %rem3A_48, %add3A_60 : vector<1024x128xi32>
    %select_n3A_62 = arith.select %and3A_59, %add3A_61, %rem3A_48 : vector<1024x128xi1>, vector<1024x128xi32>
    %eq3A_63 = arith.cmpi eq, %iota3A_40, %select_n3A_62 : vector<1024x128xi32>
    %convert_element_type3A_64 = arith.extui %eq3A_63 : vector<1024x128xi1> to vector<1024x128xi32>
    %convert_element_type3A_65 = arith.sitofp %convert_element_type3A_64 : vector<1024x128xi32> to vector<1024x128xf32>
    %mul3A = arith.mulf %dot_general3A_39, %convert_element_type3A_65 : vector<1024x128xf32>
    %reduce_sum3A_66 = arith.constant dense<0.000000e+00> : vector<1024xf32>
    %reduce_sum3A_67 = vector.multi_reduction <add>, %mul3A, %reduce_sum3A_66 [1] : vector<1024x128xf32> to vector<1024xf32>
    %broadcast_in_dim3A = vector.shape_cast %reduce_sum3A_67 : vector<1024xf32> to vector<1024x1xf32>
    %max3A = arith.constant 1.000000e+00 : f32
    %max3A_68 = vector.broadcast %max3A : f32 to vector<1024x1xf32>
    %max3A_69 = arith.maximumf %broadcast_in_dim3A, %max3A_68 : vector<1024x1xf32>
    %div3A_70 = vector.broadcast %max3A_69 : vector<1024x1xf32> to vector<1024x128xf32>
    %div3A_71 = arith.divf %add3A, %div3A_70 : vector<1024x128xf32>
    %get3A_72 = arith.constant 0 : index
    %get3A_73 = arith.constant 0 : index
    %get3A_74 = vector.load %arg4[%get3A_72, %get3A_73] : memref<128x256xf32, #tpu.memory_space<vmem>>, vector<128x256xf32>
    %dot_general3A_75 = arith.constant dense<0.000000e+00> : vector<1024x256xf32>
    %dot_general3A_76 = tpu.matmul %div3A_71, %get3A_74, %dot_general3A_75 {dimension_numbers = #tpu.dot_dimension_numbers<[1], [0], [0], [1], [0, 0, 1, 1], [], []>, transpose_lhs_hint = false} : vector<1024x128xf32>, vector<128x256xf32>, vector<1024x256xf32> -> vector<1024x256xf32>
    %get3A_77 = arith.constant 0 : index
    %get3A_78 = arith.constant 0 : index
    %get3A_79 = vector.load %arg3[%get3A_77, %get3A_78] : memref<1024x256xf32, #tpu.memory_space<vmem>>, vector<1024x256xf32>
    %add3A_80 = arith.addf %dot_general3A_76, %get3A_79 : vector<1024x256xf32>
    %max3A_81 = arith.constant 0.000000e+00 : f32
    %max3A_82 = vector.broadcast %max3A_81 : f32 to vector<1024x256xf32>
    %max3A_83 = arith.maximumf %add3A_80, %max3A_82 : vector<1024x256xf32>
    %get3A_84 = arith.constant 0 : index
    %get3A_85 = arith.constant 0 : index
    %get3A_86 = vector.load %arg5[%get3A_84, %get3A_85] : memref<256x128xf32, #tpu.memory_space<vmem>>, vector<256x128xf32>
    %dot_general3A_87 = arith.constant dense<0.000000e+00> : vector<1024x128xf32>
    %dot_general3A_88 = tpu.matmul %max3A_83, %get3A_86, %dot_general3A_87 {dimension_numbers = #tpu.dot_dimension_numbers<[1], [0], [0], [1], [0, 0, 1, 1], [], []>, transpose_lhs_hint = false} : vector<1024x256xf32>, vector<256x128xf32>, vector<1024x128xf32> -> vector<1024x128xf32>
    %swap3A = arith.constant 0 : index
    %swap3A_89 = arith.constant 0 : index
    %swap3A_90 = vector.load %arg8[%swap3A, %swap3A_89] : memref<1024x128xf32, #tpu.memory_space<vmem>>, vector<1024x128xf32>
    tpu.vector_store %arg8[%swap3A, %swap3A_89], %dot_general3A_88 {strides = array<i32>} : memref<1024x128xf32, #tpu.memory_space<vmem>>, vector<1024x128xf32>,
    %get3A_91 = arith.constant 0 : index
    %get3A_92 = arith.constant 0 : index
    %get3A_93 = vector.load %arg6[%get3A_91, %get3A_92] : memref<256x128xf32, #tpu.memory_space<vmem>>, vector<256x128xf32>
    %dot_general3A_94 = arith.constant dense<0.000000e+00> : vector<1024x128xf32>
    %dot_general3A_95 = tpu.matmul %max3A_83, %get3A_93, %dot_general3A_94 {dimension_numbers = #tpu.dot_dimension_numbers<[1], [0], [0], [1], [0, 0, 1, 1], [], []>, transpose_lhs_hint = false} : vector<1024x256xf32>, vector<256x128xf32>, vector<1024x128xf32> -> vector<1024x128xf32>
    %get3A_96 = arith.constant 0 : index
    %get3A_97 = arith.constant 0 : index
    %get3A_98 = vector.load %arg7[%get3A_96, %get3A_97] : memref<1x128xf32, #tpu.memory_space<vmem>>, vector<1x128xf32>
    %add3A_99 = vector.broadcast %get3A_98 : vector<1x128xf32> to vector<1024x128xf32>
    %add3A_100 = arith.addf %dot_general3A_95, %add3A_99 : vector<1024x128xf32>
    %swap3A_101 = arith.constant 0 : index
    %swap3A_102 = arith.constant 0 : index
    %swap3A_103 = vector.load %arg9[%swap3A_101, %swap3A_102] : memref<1024x128xf32, #tpu.memory_space<vmem>>, vector<1024x128xf32>
    tpu.vector_store %arg9[%swap3A_101, %swap3A_102], %add3A_100 {strides = array<i32>} : memref<1024x128xf32, #tpu.memory_space<vmem>>, vector<1024x128xf32>,
    return
  }
  func.func @transform_0(%arg0: i32) -> (i32, i32, i32) {
    %c0_i32 = arith.constant 0 : i32
    %c0_i32_0 = arith.constant 0 : i32
    %c0_i32_1 = arith.constant 0 : i32
    return %c0_i32, %arg0, %c0_i32_0 : i32, i32, i32
  }
  func.func @transform_1(%arg0: i32) -> (i32, i32, i32) {
    %c0_i32 = arith.constant 0 : i32
    %c0_i32_0 = arith.constant 0 : i32
    %c0_i32_1 = arith.constant 0 : i32
    return %c0_i32, %arg0, %c0_i32_0 : i32, i32, i32
  }
  func.func @transform_2(%arg0: i32) -> (i32, i32) {
    %c0_i32 = arith.constant 0 : i32
    %c0_i32_0 = arith.constant 0 : i32
    return %arg0, %c0_i32 : i32, i32
  }
  func.func @transform_3(%arg0: i32) -> (i32, i32) {
    %c0_i32 = arith.constant 0 : i32
    %c0_i32_0 = arith.constant 0 : i32
    %c0_i32_1 = arith.constant 0 : i32
    return %c0_i32, %c0_i32_0 : i32, i32
  }
  func.func @transform_4(%arg0: i32) -> (i32, i32) {
    %c0_i32 = arith.constant 0 : i32
    %c0_i32_0 = arith.constant 0 : i32
    %c0_i32_1 = arith.constant 0 : i32
    return %c0_i32, %c0_i32_0 : i32, i32
  }
  func.func @transform_5(%arg0: i32) -> (i32, i32) {
    %c0_i32 = arith.constant 0 : i32
    %c0_i32_0 = arith.constant 0 : i32
    %c0_i32_1 = arith.constant 0 : i32
    return %c0_i32, %c0_i32_0 : i32, i32
  }
  func.func @transform_6(%arg0: i32) -> (i32, i32) {
    %c0_i32 = arith.constant 0 : i32
    %c0_i32_0 = arith.constant 0 : i32
    %c0_i32_1 = arith.constant 0 : i32
    return %c0_i32, %c0_i32_0 : i32, i32
  }
  func.func @transform_7(%arg0: i32) -> (i32, i32) {
    %c0_i32 = arith.constant 0 : i32
    %c0_i32_0 = arith.constant 0 : i32
    return %arg0, %c0_i32 : i32, i32
  }
  func.func @transform_8(%arg0: i32) -> (i32, i32) {
    %c0_i32 = arith.constant 0 : i32
    %c0_i32_0 = arith.constant 0 : i32
    return %arg0, %c0_i32 : i32, i32
  }
}

module attributes {stable_mosaic.version = 14 : i64} {
  func.func @body(%arg0: i32, %arg1: memref<2x1024x128xf32, #tpu.memory_space<vmem>>, %arg2: memref<32x8x128xf32, #tpu.memory_space<vmem>>, %arg3: memref<1024x128xf32, #tpu.memory_space<vmem>>, %arg4: memref<1024x128xf32, #tpu.memory_space<vmem>>) attributes {dimension_semantics = [#tpu.dimension_semantics<arbitrary>], iteration_bounds = array<i64: 10>, scalar_prefetch = 0 : i64, scratch_operands = 0 : i64, tpu.core_type = #tpu.core_type<tc>, window_params = [{transform_indices = @transform_0, window_bounds = array<i64: 2, 1024, 128>}, {transform_indices = @transform_1, window_bounds = array<i64: 32, 8, 128>}, {transform_indices = @transform_2, window_bounds = array<i64: 1024, 128>}, {transform_indices = @transform_3, window_bounds = array<i64: 1024, 128>}]} {
    %get3A = arith.constant 0 : index
    %get3A_0 = arith.constant 0 : index
    %get3A_1 = arith.constant 0 : index
    %get3A_2 = vector.load %arg1[%get3A, %get3A_0, %get3A_1] : memref<2x1024x128xf32, #tpu.memory_space<vmem>>, vector<1x1024x128xf32>
    %get3A_3 = vector.shape_cast %get3A_2 : vector<1x1024x128xf32> to vector<1024x128xf32>
    %get3A_4 = arith.constant 1 : index
    %get3A_5 = arith.constant 0 : index
    %get3A_6 = arith.constant 0 : index
    %get3A_7 = vector.load %arg1[%get3A_4, %get3A_5, %get3A_6] : memref<2x1024x128xf32, #tpu.memory_space<vmem>>, vector<1x1024x128xf32>
    %get3A_8 = vector.shape_cast %get3A_7 : vector<1x1024x128xf32> to vector<1024x128xf32>
    %add3A = arith.addf %get3A_3, %get3A_8 : vector<1024x128xf32>
    %get3A_9 = arith.constant 0 : index
    %get3A_10 = arith.constant 0 : index
    %get3A_11 = arith.constant 0 : index
    %get3A_12 = vector.load %arg2[%get3A_9, %get3A_10, %get3A_11] : memref<32x8x128xf32, #tpu.memory_space<vmem>>, vector<32x8x128xf32>
    %reduce_sum3A = arith.constant dense<0.000000e+00> : vector<8x128xf32>
    %reduce_sum3A_13 = vector.multi_reduction <add>, %get3A_12, %reduce_sum3A [0] : vector<32x8x128xf32> to vector<8x128xf32>
    %iota3A = tpu.iota {dimensions = array<i32: 0>} : vector<1024x8xi32>
    %jit3A = arith.constant 128 : i32
    %div3A = vector.broadcast %jit3A : i32 to vector<1024x8xi32>
    %div3A_14 = arith.divsi %iota3A, %div3A : vector<1024x8xi32>
    %sign3A = arith.constant 0 : i32
    %sign3A_15 = vector.broadcast %sign3A : i32 to vector<1024x8xi32>
    %sign3A_16 = arith.cmpi sgt, %iota3A, %sign3A_15 : vector<1024x8xi32>
    %sign3A_17 = arith.extui %sign3A_16 : vector<1024x8xi1> to vector<1024x8xi32>
    %sign3A_18 = arith.constant 0 : i32
    %sign3A_19 = vector.broadcast %sign3A_18 : i32 to vector<1024x8xi32>
    %sign3A_20 = arith.cmpi slt, %iota3A, %sign3A_19 : vector<1024x8xi32>
    %sign3A_21 = arith.extui %sign3A_20 : vector<1024x8xi1> to vector<1024x8xi32>
    %sign3A_22 = arith.subi %sign3A_17, %sign3A_21 : vector<1024x8xi32>
    %sign3A_23 = arith.constant 0 : i32
    %sign3A_24 = arith.cmpi sgt, %jit3A, %sign3A_23 : i32
    %sign3A_25 = arith.extui %sign3A_24 : i1 to i32
    %sign3A_26 = arith.constant 0 : i32
    %sign3A_27 = arith.cmpi slt, %jit3A, %sign3A_26 : i32
    %sign3A_28 = arith.extui %sign3A_27 : i1 to i32
    %sign3A_29 = arith.subi %sign3A_25, %sign3A_28 : i32
    %ne3A = vector.broadcast %sign3A_29 : i32 to vector<1024x8xi32>
    %ne3A_30 = arith.cmpi ne, %sign3A_22, %ne3A : vector<1024x8xi32>
    %rem3A = vector.broadcast %jit3A : i32 to vector<1024x8xi32>
    %rem3A_31 = arith.remsi %iota3A, %rem3A : vector<1024x8xi32>
    %ne3A_32 = arith.constant 0 : i32
    %ne3A_33 = vector.broadcast %ne3A_32 : i32 to vector<1024x8xi32>
    %ne3A_34 = arith.cmpi ne, %rem3A_31, %ne3A_33 : vector<1024x8xi32>
    %and3A = arith.andi %ne3A_30, %ne3A_34 : vector<1024x8xi1>
    %sub3A = arith.constant 1 : i32
    %sub3A_35 = vector.broadcast %sub3A : i32 to vector<1024x8xi32>
    %sub3A_36 = arith.subi %div3A_14, %sub3A_35 : vector<1024x8xi32>
    %select_n3A = arith.select %and3A, %sub3A_36, %div3A_14 : vector<1024x8xi1>, vector<1024x8xi32>
    %iota3A_37 = tpu.iota {dimensions = array<i32: 1>} : vector<1024x8xi32>
    %eq3A = arith.cmpi eq, %select_n3A, %iota3A_37 : vector<1024x8xi32>
    %convert_element_type3A = arith.extui %eq3A : vector<1024x8xi1> to vector<1024x8xi32>
    %convert_element_type3A_38 = arith.sitofp %convert_element_type3A : vector<1024x8xi32> to vector<1024x8xf32>
    %dot_general3A = arith.constant dense<0.000000e+00> : vector<1024x128xf32>
    %dot_general3A_39 = tpu.matmul %convert_element_type3A_38, %reduce_sum3A_13, %dot_general3A {dimension_numbers = #tpu.dot_dimension_numbers<[1], [0], [0], [1], [0, 0, 1, 1], [], []>, transpose_lhs_hint = false} : vector<1024x8xf32>, vector<8x128xf32>, vector<1024x128xf32> -> vector<1024x128xf32>
    %iota3A_40 = tpu.iota {dimensions = array<i32: 1>} : vector<1024x128xi32>
    %iota3A_41 = tpu.iota {dimensions = array<i32: 0>} : vector<1024x128xi32>
    %jit3A_42 = arith.constant 128 : i32
    %eq3A_43 = arith.constant 0 : i32
    %eq3A_44 = arith.cmpi eq, %jit3A_42, %eq3A_43 : i32
    %jit3A_45 = arith.constant 1 : i32
    %select_n3A_46 = arith.select %eq3A_44, %jit3A_45, %jit3A_42 : i32
    %rem3A_47 = vector.broadcast %select_n3A_46 : i32 to vector<1024x128xi32>
    %rem3A_48 = arith.remsi %iota3A_41, %rem3A_47 : vector<1024x128xi32>
    %ne3A_49 = arith.constant 0 : i32
    %ne3A_50 = vector.broadcast %ne3A_49 : i32 to vector<1024x128xi32>
    %ne3A_51 = arith.cmpi ne, %rem3A_48, %ne3A_50 : vector<1024x128xi32>
    %lt3A = arith.constant 0 : i32
    %lt3A_52 = vector.broadcast %lt3A : i32 to vector<1024x128xi32>
    %lt3A_53 = arith.cmpi slt, %rem3A_48, %lt3A_52 : vector<1024x128xi32>
    %lt3A_54 = arith.constant 0 : i32
    %lt3A_55 = arith.cmpi slt, %select_n3A_46, %lt3A_54 : i32
    %ne3A_56 = vector.broadcast %lt3A_55 : i1 to vector<1024x128xi1>
    %ne3A_57 = vector.broadcast %ne3A_56 : vector<1024x128xi1> to vector<1024x128xi1>
    %ne3A_58 = arith.xori %lt3A_53, %ne3A_57 : vector<1024x128xi1>
    %and3A_59 = arith.andi %ne3A_58, %ne3A_51 : vector<1024x128xi1>
    %add3A_60 = vector.broadcast %select_n3A_46 : i32 to vector<1024x128xi32>
    %add3A_61 = arith.addi %rem3A_48, %add3A_60 : vector<1024x128xi32>
    %select_n3A_62 = arith.select %and3A_59, %add3A_61, %rem3A_48 : vector<1024x128xi1>, vector<1024x128xi32>
    %eq3A_63 = arith.cmpi eq, %iota3A_40, %select_n3A_62 : vector<1024x128xi32>
    %convert_element_type3A_64 = arith.extui %eq3A_63 : vector<1024x128xi1> to vector<1024x128xi32>
    %convert_element_type3A_65 = arith.sitofp %convert_element_type3A_64 : vector<1024x128xi32> to vector<1024x128xf32>
    %mul3A = arith.mulf %dot_general3A_39, %convert_element_type3A_65 : vector<1024x128xf32>
    %reduce_sum3A_66 = arith.constant dense<0.000000e+00> : vector<1024xf32>
    %reduce_sum3A_67 = vector.multi_reduction <add>, %mul3A, %reduce_sum3A_66 [1] : vector<1024x128xf32> to vector<1024xf32>
    %broadcast_in_dim3A = vector.shape_cast %reduce_sum3A_67 : vector<1024xf32> to vector<1024x1xf32>
    %max3A = arith.constant 1.000000e+00 : f32
    %max3A_68 = vector.broadcast %max3A : f32 to vector<1024x1xf32>
    %max3A_69 = arith.maximumf %broadcast_in_dim3A, %max3A_68 : vector<1024x1xf32>
    %div3A_70 = vector.broadcast %max3A_69 : vector<1024x1xf32> to vector<1024x128xf32>
    %div3A_71 = arith.divf %add3A, %div3A_70 : vector<1024x128xf32>
    %get3A_72 = arith.constant 0 : index
    %get3A_73 = arith.constant 0 : index
    %get3A_74 = vector.load %arg3[%get3A_72, %get3A_73] : memref<1024x128xf32, #tpu.memory_space<vmem>>, vector<1024x128xf32>
    %add3A_75 = arith.addf %div3A_71, %get3A_74 : vector<1024x128xf32>
    %swap3A = arith.constant 0 : index
    %swap3A_76 = arith.constant 0 : index
    %swap3A_77 = vector.load %arg4[%swap3A, %swap3A_76] : memref<1024x128xf32, #tpu.memory_space<vmem>>, vector<1024x128xf32>
    tpu.vector_store %arg4[%swap3A, %swap3A_76], %add3A_75 {strides = array<i32>} : memref<1024x128xf32, #tpu.memory_space<vmem>>, vector<1024x128xf32>,
    return
  }
  func.func @transform_0(%arg0: i32) -> (i32, i32, i32) {
    %c0_i32 = arith.constant 0 : i32
    %c0_i32_0 = arith.constant 0 : i32
    %c0_i32_1 = arith.constant 0 : i32
    return %c0_i32, %arg0, %c0_i32_0 : i32, i32, i32
  }
  func.func @transform_1(%arg0: i32) -> (i32, i32, i32) {
    %c0_i32 = arith.constant 0 : i32
    %c0_i32_0 = arith.constant 0 : i32
    %c0_i32_1 = arith.constant 0 : i32
    return %c0_i32, %arg0, %c0_i32_0 : i32, i32, i32
  }
  func.func @transform_2(%arg0: i32) -> (i32, i32) {
    %c0_i32 = arith.constant 0 : i32
    %c0_i32_0 = arith.constant 0 : i32
    return %arg0, %c0_i32 : i32, i32
  }
  func.func @transform_3(%arg0: i32) -> (i32, i32) {
    %c0_i32 = arith.constant 0 : i32
    %c0_i32_0 = arith.constant 0 : i32
    return %arg0, %c0_i32 : i32, i32
  }
}

</mosaic_0001>

<sc_bundles>
// kernel: kernel.10.cloned.1.call-start
scs
__scs_entry_jumppad:
0x0: {  	(pc) =	sbr.rel $0x88, $3  }
0x1: {  	(tag) =	ssettag $0x0;
	lr =	simm.s32 $0x1  }
0x2: {  	[smem:$0x3F99] =	sst lr;
	_ =	strace $0xD0000000  }
0x3: {  	_ = 	snop  }
0x4: {  	_ = 	snop  }
0x5: {  	_ = 	snop  }
0x6: {  	_ = 	snop  }
0x7: {  	_ = 	snop  }
__scs_overlays_trampoline_lowered:
0x8: {  	[smem:$0x3FA8] =	sst s0  }
0x9: {  	[smem:$0x3FA9] =	sst s1  }
0xa: {  	[smem:$0x3FAA] =	sst s2  }
0xb: {  	[smem:$0x3FAB] =	sst s3  }
0xc: {  	[smem:$0x3FAC] =	sst s4  }
0xd: {  	[smem:$0x3FAD] =	sst s5  }
0xe: {  	[smem:$0x3FAE] =	sst s6  }
0xf: {  	[smem:$0x3FAF] =	sst s7  }
0x10: {  	[smem:$0x3FB0] =	sst s8  }
0x11: {  	[smem:$0x3FB1] =	sst s9;
	s0 =	simm.s32 @!p0 $0x0  }
0x12: {  	s1 =	sld [smem:$0x3F97];
	s0 =	simm.s32 @p0 $0x1  }
0x13: {  	[smem:$0x3FB2] =	sst s0;
	s0 =	simm.s32 @!p1 $0x0  }
0x14: {  	s2 =	sld [smem:$0x3F96];
	s0 =	simm.s32 @p1 $0x1  }
0x15: {  	[smem:$0x3FB3] =	sst s0;
	s0 =	simm.s32 @!p2 $0x0  }
0x16: {  	s3 =	sld [smem:$0x3FDB];
	s0 =	simm.s32 @p2 $0x1  }
0x17: {  	s4 =	simm.s32 $0x1BF5;
	[smem:$0x3FB5] =	sst s0  }
0x18: {  	s0 =	sld [smem:$0x3F98];
	_ =	swait.ge [sflag:s4], $0x0  }
0x19: {  	s7 =	sld [smem:$0x3F99]  }
0x1a: {  	s8 =	sadd.s32 $0xFFFFE003, lr  }
0x1b: {  	s9 =	sadd.s32 $0xFFFFFEF7, lr;
	s5 =	simm.s32 $0xFFFFFFFF;
	p2 =	slt.u32 s8, $0xFFFFF086  }
0x1c: {  	p1 =	slt.u32 s9, $0xF7A;
	s5 =	simm.s32 @!p2 $0x0  }
0x1d: {  	s5 =	simm.s32 @p1 $0x1;
	p0 =	seq.s32 s7, s2  }
0x1e: {  	s7 =	smul.u32 @!p0 $0xF7A, s2;
	p2 =	seq.s32 @!p0 s5, $0x0  }
0x1f: {  	s9 =	smul.u32 $0xF7A, s1;
	s8 =	simm.s32 @!p0 $0x1BF5;
	p2 =	por !p2, p0  }
0x20: {  	[sflag:s8] =	ssyncset.s32 @!p0 $0xFFFFF086;
	s6 =	sadd.s32 @!p0 s3, s7;
	s7 =	simm.s32 @!p0 $0x108  }
0x21: {  	s3 =	sadd.s32 s3, s9;
	s6 =	sadd.s32 @!p0 $0x88, s6;
	s7 =	simm.s32 @p2 $0x1082  }
0x22: {  	[simem:s7], [sflag:s8] =	dma.local @!p0 [hbm:s6], $0xF7A  }
0x23: {  	s9 =	sor.u32 $0xD0000000, s2;
	s6 =	simm.s32 $0x108;
	_ =	swait.ge @!p0 [sflag:s8], $0x0  }
0x24: {  	s3 =	sadd.s32 $0x88, s3;
	s6 =	simm.s32 @!p1 $0x1082;
	[sflag:s4] =	ssyncset.s32 $0xFFFFF086  }
0x25: {  	[simem:s6], [sflag:s4] =	dma.local [hbm:s3], $0xF7A  }
0x26: {  	[smem:$0x3F99] =	sst s1;
	(tag) =	ssettag s2;
	_ =	strace s9  }
0x27: {  	s1 =	sld [smem:$0x3FA9]  }
0x28: {  	s2 =	sld [smem:$0x3FAA]  }
0x29: {  	s4 =	sld [smem:$0x3FAC]  }
0x2a: {  	p0 =	seq.s32 s5, $0x0;
	s5 =	sld [smem:$0x3FAD]  }
0x2b: {  	s6 =	sld [smem:$0x3FAE]  }
0x2c: {  	s7 =	sld [smem:$0x3FAF]  }
0x2d: {  	s3 =	simm.s32 $0x108;
	s8 =	sld [smem:$0x3FB0]  }
0x2e: {  	s3 =	simm.s32 @!p0 $0x1082;
	s9 =	sld [smem:$0x3FB1]  }
0x2f: {  	lr =	sadd.s32 s0, s3;
	s0 =	sld [smem:$0x3FA8]  }
0x30: {  	s3 =	sld [smem:$0x3FAB]  }
0x31: {  	[smem:$0x3FB4] =	sst s10  }
0x32: {  	s10 =	sld [smem:$0x3FB2];
	_ =	sdelay $0x3  }
0x33: {  	p0 =	seq.s32 s10, $0x1;
	s10 =	sld [smem:$0x3FB4];
	_ =	sdelay $0x3  }
0x34: {  	[smem:$0x3FB4] =	sst s10  }
0x35: {  	s10 =	sld [smem:$0x3FB3];
	_ =	sdelay $0x3  }
0x36: {  	p1 =	seq.s32 s10, $0x1;
	s10 =	sld [smem:$0x3FB4];
	_ =	sdelay $0x3  }
0x37: {  	[smem:$0x3FB4] =	sst s10  }
0x38: {  	s10 =	sld [smem:$0x3FB5]  }
0x39: {  	_ = 	snop;
	(pc) =	sbr.ind lr, $3  }
0x3a: {  	_ = 	snop  }
0x3b: {  	_ = 	snop  }
0x3c: {  	p2 =	seq.s32 s10, $0x1;
	s10 =	sld [smem:$0x3FB4]  }
0x3d: {  	_ =	shalt  }
0x3e: {  	_ =	shalt  }
0x3f: {  	_ =	shalt  }
0x40: {  	_ =	shalt  }
0x41: {  	_ =	shalt  }
0x42: {  	_ =	shalt  }
0x43: {  	_ =	shalt  }
0x44: {  	_ =	shalt  }
0x45: {  	_ =	shalt  }
0x46: {  	_ =	shalt  }
0x47: {  	_ =	shalt  }
0x48: {  	_ =	shalt  }
0x49: {  	_ =	shalt  }
0x4a: {  	_ =	shalt  }
0x4b: {  	_ =	shalt  }
0x4c: {  	_ =	shalt  }
0x4d: {  	_ =	shalt  }
0x4e: {  	_ =	shalt  }
0x4f: {  	_ =	shalt  }
0x50: {  	_ =	shalt  }
0x51: {  	_ =	shalt  }
0x52: {  	_ =	shalt  }
0x53: {  	_ =	shalt  }
0x54: {  	_ =	shalt  }
0x55: {  	_ =	shalt  }
0x56: {  	_ =	shalt  }
0x57: {  	_ =	shalt  }
0x58: {  	_ =	shalt  }
0x59: {  	_ =	shalt  }
0x5a: {  	_ =	shalt  }
0x5b: {  	_ =	shalt  }
0x5c: {  	_ =	shalt  }
0x5d: {  	_ =	shalt  }
0x5e: {  	_ =	shalt  }
0x5f: {  	_ =	shalt  }
0x60: {  	_ =	shalt  }
0x61: {  	_ =	shalt  }
0x62: {  	_ =	shalt  }
0x63: {  	_ =	shalt  }
0x64: {  	_ =	shalt  }
0x65: {  	_ =	shalt  }
0x66: {  	_ =	shalt  }
0x67: {  	_ =	shalt  }
0x68: {  	_ =	shalt  }
0x69: {  	_ =	shalt  }
0x6a: {  	_ =	shalt  }
0x6b: {  	_ =	shalt  }
0x6c: {  	_ =	shalt  }
0x6d: {  	_ =	shalt  }
0x6e: {  	_ =	shalt  }
0x6f: {  	_ =	shalt  }
0x70: {  	_ =	shalt  }
0x71: {  	_ =	shalt  }
0x72: {  	_ =	shalt  }
0x73: {  	_ =	shalt  }
0x74: {  	_ =	shalt  }
0x75: {  	_ =	shalt  }
0x76: {  	_ =	shalt  }
0x77: {  	_ =	shalt  }
0x78: {  	_ =	shalt  }
0x79: {  	_ =	shalt  }
0x7a: {  	_ =	shalt  }
0x7b: {  	_ =	shalt  }
0x7c: {  	_ =	shalt  }
0x7d: {  	_ =	shalt  }
0x7e: {  	_ =	shalt  }
0x7f: {  	_ =	shalt  }
0x80: {  	_ =	shalt  }
0x81: {  	_ =	shalt  }
0x82: {  	_ =	shalt  }
0x83: {  	_ =	shalt  }
0x84: {  	_ =	shalt  }
0x85: {  	_ =	shalt  }
0x86: {  	_ =	shalt  }
0x87: {  	_ =	shalt  }
.Lfunc_end0:
.L_simem_size_0:
called_computation.1_lowered:
.L_overlay_start_0:
0x88: {  	s2 =	sld [smem:$0x3FD9]  }
0x89: {  	s3 =	sld [smem:$0x3FFE];
	_ =	sdelay $0x1  }
0x8a: {  	s1 =	srdreg.scid  }
0x8b: {  	s0 =	sand.u32 $0x1, s1  }
0x8c: {  	s17 =	sshll.u32 s0, $0xA;
	s2 =	sadd.s32 s3, s2  }
0x8d: {  	s2 =	sadd.s32 s2, s17  }
0x8e: {  	[smem:$0x3FC0] =	sst s2  }
0x8f: {  	_ = 	snop  }
0x90: {  	s2 =	sld [smem:$0x3FD0];
	(tm) =	ssettm $0x1  }
0x91: {  	s18 =	sld [smem:$0x3FFB];
	_ =	sdelay $0x3  }
0x92: {  	_ =	strace s18  }
0x93: {  	s3 =	sld [smem:$0x3FFC];
	_ =	sdelay $0x3  }
0x94: {  	_ =	strace s3  }
0x95: {  	s3 =	sld [smem:$0x3FFD];
	_ =	sdelay $0x3  }
0x96: {  	_ =	strace s3  }
0x97: {  	_ =	strace $0x8FFFFFFF  }
0x98: {  	s19 =	sld [smem:$0x3FDB];
	_ =	sdelay $0x1  }
0x99: {  	s4 =	simm.s32 $_scs_section_size  }
0x9a: {  	s5 =	simm.s32 $_size__tile_overlayer_lowered;
	s6 =	simm.s32 $_tile_overlayer_lowered  }
0x9b: {  	s22 =	simm.s32 $0x1BFF;
	s21 =	sshll.u32 s6, $0x1;
	s3 =	sadd.s32 s4, s19  }
0x9c: {  	s7 =	simm.s32 $0x0;
	s20 =	sshll.u32 s5, $0x1;
	s5 =	sadd.s32 s21, s3  }
0x9d: {  	[timem:s7], [sflag:s22] =	dma.local [hbm:s5], s20  }
0x9e: {  	_ =	swait.ge [sflag:s22], s20  }
0x9f: {  	s4 =	ssub.s32 $0x0, s20;
	[sflag:s22] =	ssyncset.done $0x0  }
0xa0: {  	[sflag:s22] =	ssyncadd.s32 s4;
	_ =	sdelay $0x1  }
0xa1: {  	s23 =	simm.s32 $0x1B8B  }
0xa2: {  	_ =	swait.ge [sflag:s23], $0x1  }
0xa3: {  	[sflag:s23] =	ssyncset.done $0x0  }
0xa4: {  	s25 =	simm.s32 $0x1B8E;
	s24 =	sld [smem:$0x3FFE];
	[sflag:s23] =	ssyncadd.s32 $0xFFFFFFFF  }
0xa5: {  	s26 =	simm.s32 $execute0_lowered;
	[smem:$0x3FD2] =	sst s25  }
0xa6: {  	s5 =	sshll.u32 s26, $0x1;
	_ =	strace $0x80000049;
	[dreg:$0x1] =	wrdreg $0xFFFFFFFF  }
0xa7: {  	s28 =	simm.s32 $_size_execute0_lowered;
	s3 =	sadd.s32 s3, s5;
	[dreg:$0x0] =	wrdreg $0x0  }
0xa8: {  	s5 =	sshll.u32 s28, $0x1;
	[dreg:$0x2] =	wrdreg s3  }
0xa9: {  	[dreg:$0x3] =	wrdreg s5  }
0xaa: {  	[dreg:$0x4] =	wrdreg $0xC0  }
0xab: {  	_ =	task [dreg:s7], $0x5FFFF  }
0xac: {  	[dreg:$0x1] =	wrdreg $0xFFFFFFFF  }
0xad: {  	[dreg:$0x0] =	wrdreg $0x60  }
0xae: {  	[dreg:$0x2] =	wrdreg s2  }
0xaf: {  	[dreg:$0x3] =	wrdreg s24  }
0xb0: {  	[dreg:$0x4] =	wrdreg $0xB8000  }
0xb1: {  	[dreg:$0x5] =	wrdreg $0x9  }
0xb2: {  	_ =	task.clear_ibuf [dreg:s7], $0x6FFFF;
	_ =	strace $0x90000049  }
0xb3: {  	s29 =	simm.s32 $0x9;
	_ =	strace $0x8000004B  }
0xb4: {  	_ =	swait.ge [sflag:s29], $0x1  }
0xb5: {  	[sflag:s29] =	ssyncadd.s32 $0xFFFFFFFF  }
0xb6: {  	_ =	strace $0x9000004B  }
0xb7: {  	_ =	sfence  }
0xb8: {  	s30 =	sld [smem:$0x0];
	_ =	sdelay $0x2  }
0xb9: {  	s31 =	sshll.u32 s1, $0xD;
	s1 =	sshrl.u32 s1, $0x2  }
0xba: {  	s3 =	sand.u32 $0x4000, s31;
	s1 =	sadd.s32 s1, s30  }
0xbb: {  	s0 =	sor.u32 s3, s0;
	s1 =	sshll.u32 s1, $0x11  }
0xbc: {  	s0 =	sor.u32 s1, s0  }
0xbd: {  	s0 =	sadd.s32 $0x8F2B, s0  }
0xbe: {  	[sflag:s0] =	ssyncadd.remote.s32 $0x1  }
0xbf: {  	_ =	sfence.sel $0xFFFF  }
0xc0: {  	[dreg:$0x0] =	wrdreg $0xFFFFFFFF;
	(pc) =	sbr.abs _section_cstart, $3  }
0xc1: {  	[dreg:$0x1] =	wrdreg $0xFFFFFFFF  }
0xc2: {  	_ =	task.clear_ibuf [dreg:s7], $0x2FFFF;
	_ =	strace $0x9FFFFFFF  }
0xc3: {  	(tm) =	ssettm $0x7FFFFFFF  }
tec
execute0_lowered:
.L_overlay_start_1:
0x0: {  	(tag) =	ssettag $0x1  }
0x1: {  	s1 =	rddreg [dreg:$0x0]  }
0x2: {  	s0 =	rddreg [dreg:$0x1]  }
0x3: {  	s3 =	rddreg [dreg:$0x2];
	s4 =	simm.s32 $0x0  }
0x4: {  	s2 =	srdreg.scid;
	s10 =	stileid.u32;
	s28 =	simm.s32 $0x100  }
0x5: {  	s29 =	simm.s32 $0x5000;
	s30 =	simm.s32 $0x180;
	s31 =	simm.s32 $0x7000  }
0x6: {  	s11 =	simm.s32 $0x6;
	[smem:$0x7FF] =	sst s4;
	s12 =	smul.u32 $0x2800, s10  }
0x7: {  	s2 =	sand.u32 $0x1, s2;
	s5 =	sadd.s32 $0x16400, s0;
	s9 =	smul.u32 $0x50000, s10  }
0x8: {  	s6 =	sadd.s32 $0x2400, s0;
	_ =	strace $0x8000004A;
	s7 =	smul.u32 $0x28000, s2  }
0x9: {  	s8 =	sshll.u32 s2, $0x4;
	s2 =	ssub.s32 $0x2, s2;
	s9 =	sshrl.u32 s9, $0x2  }
0xa: {  	s13 =	sor.u32 s10, s8;
	s14 =	sshrl.u32 s2, $0x1;
	s20 =	sadd.s32 s9, s3  }
0xb: {  	s10 =	simm.s32 $0x5;
	s15 =	sadd.s32 $0x2000, s20;
	[dreg:$0x4] =	wrdreg s20  }
0xc: {  	s4 =	sadd.s32 s12, s7;
	s16 =	sadd.s32 $0x4000, s20;
	[dreg:$0x5] =	wrdreg s15  }
0xd: {  	s8 =	smul.u32 $0x500, s13;
	s17 =	sadd.s32 $0x6000, s20;
	[dreg:$0x6] =	wrdreg s16  }
0xe: {  	s2 =	ssub.s32 s2, s14;
	s18 =	sadd.s32 $0x8000, s20;
	[dreg:$0x7] =	wrdreg s17  }
0xf: {  	s9 =	simm.s32 $0x9000;
	s19 =	sadd.s32 $0xA000, s20;
	[dreg:$0x8] =	wrdreg s18  }
0x10: {  	s12 =	simm.s32 $0x7;
	s21 =	sadd.s32 $0xC000, s20;
	[dreg:$0x9] =	wrdreg s19  }
0x11: {  	s14 =	simm.s32 $0xE00;
	s22 =	sadd.s32 $0xE000, s20;
	[dreg:$0xa] =	wrdreg s21  }
0x12: {  	s4 =	sadd.s32 s4, s0;
	s23 =	sadd.s32 $0x10000, s20;
	[dreg:$0xb] =	wrdreg s22  }
0x13: {  	s24 =	sadd.s32 $0x12000, s20;
	s26 =	smax.u32 s2, $0x1;
	[dreg:$0xc] =	wrdreg s23  }
0x14: {  	s2 =	simm.s32 $0x3;
	s0 =	sadd.s32 s8, s0;
	[dreg:$0xd] =	wrdreg s24  }
0x15: {  	s17 =	smul.u32 $0x5000, s13;
	s25 =	sadd.s32 $0x34400, s4;
	[dreg:$0x10] =	wrdreg s26  }
0x16: {  	s21 =	simm.s32 $0x1000;
	s22 =	simm.s32 $0x9;
	s24 =	simm.s32 $0x40  }
0x17: {  	s26 =	simm.s32 $0x3000;
	s4 =	simm.s32 $0x2;
	s8 =	simm.s32 $0x4  }
0x18: {  	s13 =	simm.s32 $0x8;
	s15 =	simm.s32 $0xE80;
	s16 =	simm.s32 $0xF00  }
0x19: {  	s18 =	simm.s32 $0xF80;
	s0 =	sadd.s32 $0x2A400, s0;
	[dreg:$0xf] =	wrdreg s25  }
0x1a: {  	v0 =	vimm.f32 $0.0e+00;
	v1 =	vimm.f32 $1.000000000e+00;
	s19 =	simm.s32 $0x0;
	[dreg:$0xe] =	wrdreg s0;
	s0 =	simm.s32 $0x1  }
.LBB2_1:
0x1b: {  	[dreg:$0x11] =	wrdreg s19;
	s7 =	simm.s32 $0x70;
	s19 =	simm.s32 $0x3C0  }
.LBB2_2:
0x1c: {  	p0 =	sne.s32 s19, $0x9FC0;
	[tilespmem:s7+$0x9000] =	vst v0  }
0x1d: {  	[tilespmem:s7+$0x8F90] =	vst v0  }
0x1e: {  	[tilespmem:s7+$0x8FA0] =	vst v0  }
.Ltmp0:
0x1f: {  	[tilespmem:s7+$0x8FB0] =	vst v0;
	(pc) =	sbr.rel @p0 .LBB2_2-.Ltmp0, $4  }
0x20: {  	[tilespmem:s7+$0x8FC0] =	vst v0  }
0x21: {  	[tilespmem:s7+$0x8FD0] =	vst v0  }
0x22: {  	[tilespmem:s7+$0x8FE0] =	vst v0  }
0x23: {  	[tilespmem:s7+$0x8FF0] =	vst v0;
	s7 =	sshra.s32 s19, $0x2;
	s19 =	sadd.s32 $0x200, s19  }
0x24: {  	[tilespmem:s7+$0x9000] =	vst v0  }
0x25: {  	[tilespmem:s7+$0x8F90] =	vst v0  }
0x26: {  	[tilespmem:s7+$0x8FA0] =	vst v0  }
0x27: {  	[tilespmem:s7+$0x8FB0] =	vst v0  }
0x28: {  	[tilespmem:s7+$0x8FC0] =	vst v0  }
0x29: {  	[tilespmem:s7+$0x8FD0] =	vst v0  }
0x2a: {  	[tilespmem:s7+$0x8FE0] =	vst v0  }
0x2b: {  	[tilespmem:s7+$0x8FF0] =	vst v0;
	s7 =	simm.s32 $0x0;
	s19 =	simm.s32 $0x200  }
.LBB2_4:
0x2c: {  	p0 =	sne.s32 s19, $0x7E00;
	[tilespmem:s7+$0x1070] =	vst v0  }
0x2d: {  	[tilespmem:s7+$0x1000] =	vst v0  }
0x2e: {  	[tilespmem:s7+$0x1010] =	vst v0  }
.Ltmp1:
0x2f: {  	[tilespmem:s7+$0x1020] =	vst v0;
	(pc) =	sbr.rel @p0 .LBB2_4-.Ltmp1, $4  }
0x30: {  	[tilespmem:s7+$0x1030] =	vst v0  }
0x31: {  	[tilespmem:s7+$0x1040] =	vst v0  }
0x32: {  	[tilespmem:s7+$0x1050] =	vst v0  }
0x33: {  	[tilespmem:s7+$0x1060] =	vst v0;
	s7 =	sshra.s32 s19, $0x2;
	s19 =	sadd.s32 $0x200, s19  }
0x34: {  	[tilespmem:s7+$0x1070] =	vst v0  }
0x35: {  	[tilespmem:s7+$0x1000] =	vst v0  }
0x36: {  	[tilespmem:s7+$0x1010] =	vst v0  }
0x37: {  	[tilespmem:s7+$0x1020] =	vst v0  }
0x38: {  	[tilespmem:s7+$0x1030] =	vst v0  }
0x39: {  	[tilespmem:s7+$0x1040] =	vst v0  }
0x3a: {  	[tilespmem:s7+$0x1050] =	vst v0  }
0x3b: {  	[tilespmem:s7+$0x1060] =	vst v0  }
0x3c: {  	[spmem:s20] =	stream.linear.scatter [tilespmem:s21], [sflag:$0x9], $0x2000, $0x38;
	[tilespmem:$0x1F800] =	vst v63  }
0x3d: {  	_ =	swait.ge [sflag:s22], $0x2000  }
0x3e: {  	[sflag:s22] =	ssyncset.done $0x0  }
0x3f: {  	s25 =	rddreg [dreg:$0x5];
	[sflag:s22] =	ssyncadd.s32 $0xFFFFE000  }
0x40: {  	[spmem:s25] =	stream.linear.scatter [tilespmem:s21], [sflag:$0x9], $0x2000, $0x38;
	[tilespmem:$0x1F800] =	vst v63  }
0x41: {  	_ =	swait.ge [sflag:s22], $0x2000  }
0x42: {  	[sflag:s22] =	ssyncset.done $0x0  }
0x43: {  	s19 =	rddreg [dreg:$0x6];
	[sflag:s22] =	ssyncadd.s32 $0xFFFFE000  }
0x44: {  	[spmem:s19] =	stream.linear.scatter [tilespmem:s21], [sflag:$0x9], $0x2000, $0x38;
	[tilespmem:$0x1F800] =	vst v63  }
0x45: {  	_ =	swait.ge [sflag:s22], $0x2000  }
0x46: {  	[sflag:s22] =	ssyncset.done $0x0  }
0x47: {  	s20 =	rddreg [dreg:$0x7];
	[sflag:s22] =	ssyncadd.s32 $0xFFFFE000  }
0x48: {  	[spmem:s20] =	stream.linear.scatter [tilespmem:s21], [sflag:$0x9], $0x2000, $0x38;
	[tilespmem:$0x1F800] =	vst v63  }
0x49: {  	_ =	swait.ge [sflag:s22], $0x2000  }
0x4a: {  	[sflag:s22] =	ssyncset.done $0x0  }
0x4b: {  	s23 =	rddreg [dreg:$0x8];
	[sflag:s22] =	ssyncadd.s32 $0xFFFFE000  }
0x4c: {  	[spmem:s23] =	stream.linear.scatter [tilespmem:s21], [sflag:$0x9], $0x2000, $0x38;
	[tilespmem:$0x1F800] =	vst v63  }
0x4d: {  	_ =	swait.ge [sflag:s22], $0x2000  }
0x4e: {  	[sflag:s22] =	ssyncset.done $0x0  }
0x4f: {  	s25 =	rddreg [dreg:$0x9];
	[sflag:s22] =	ssyncadd.s32 $0xFFFFE000  }
0x50: {  	[spmem:s25] =	stream.linear.scatter [tilespmem:s21], [sflag:$0x9], $0x2000, $0x38;
	[tilespmem:$0x1F800] =	vst v63  }
0x51: {  	_ =	swait.ge [sflag:s22], $0x2000  }
0x52: {  	[sflag:s22] =	ssyncset.done $0x0  }
0x53: {  	s19 =	rddreg [dreg:$0xa];
	[sflag:s22] =	ssyncadd.s32 $0xFFFFE000  }
0x54: {  	[spmem:s19] =	stream.linear.scatter [tilespmem:s21], [sflag:$0x9], $0x2000, $0x38;
	[tilespmem:$0x1F800] =	vst v63  }
0x55: {  	_ =	swait.ge [sflag:s22], $0x2000  }
0x56: {  	[sflag:s22] =	ssyncset.done $0x0  }
0x57: {  	s20 =	rddreg [dreg:$0xb];
	[sflag:s22] =	ssyncadd.s32 $0xFFFFE000  }
0x58: {  	[spmem:s20] =	stream.linear.scatter [tilespmem:s21], [sflag:$0x9], $0x2000, $0x38;
	[tilespmem:$0x1F800] =	vst v63  }
0x59: {  	_ =	swait.ge [sflag:s22], $0x2000  }
0x5a: {  	[sflag:s22] =	ssyncset.done $0x0  }
0x5b: {  	s23 =	rddreg [dreg:$0xc];
	[sflag:s22] =	ssyncadd.s32 $0xFFFFE000  }
0x5c: {  	[spmem:s23] =	stream.linear.scatter [tilespmem:s21], [sflag:$0x9], $0x2000, $0x38;
	[tilespmem:$0x1F800] =	vst v63  }
0x5d: {  	_ =	swait.ge [sflag:s22], $0x2000  }
0x5e: {  	[sflag:s22] =	ssyncset.done $0x0  }
0x5f: {  	s25 =	rddreg [dreg:$0xd];
	[sflag:s22] =	ssyncadd.s32 $0xFFFFE000  }
0x60: {  	[spmem:s25] =	stream.linear.scatter [tilespmem:s21], [sflag:$0x9], $0x2000, $0x38;
	[tilespmem:$0x1F800] =	vst v63  }
0x61: {  	_ =	swait.ge [sflag:s22], $0x2000  }
0x62: {  	[sflag:s22] =	ssyncset.done $0x0  }
0x63: {  	[sflag:s22] =	ssyncadd.s32 $0xFFFFE000  }
0x64: {  	s7 =	simm.s32 $0x0;
	s20 =	simm.s32 $0x0;
	[bflag:$0x0] =	sbarrier.arrive $0xFFFF  }
.LBB2_6:
0x65: {  	s19 =	sshll.u32 s7, $0xB  }
0x66: {  	s19 =	sadd.s32 s17, s19  }
0x67: {  	s19 =	sshrl.u32 s19, $0x3  }
0x68: {  	s23 =	sadd.s32 s5, s19  }
0x69: {  	[tilespmem:s20], [sflag:$0x9] =	stream.linear.gather [hbm4b:s23+s20], $0x800, $0x38;
	[tilespmem:$0x1F800] =	vst v63  }
0x6a: {  	_ =	swait.ge [sflag:s22], $0x800  }
0x6b: {  	[sflag:s22] =	ssyncset.done $0x0  }
0x6c: {  	s25 =	simm.s32 $0x800;
	s19 =	sadd.s32 s6, s19;
	[sflag:s22] =	ssyncadd.s32 $0xFFFFF800  }
0x6d: {  	[tilespmem:s25], [sflag:$0x9] =	stream.linear.gather [hbm4b:s19+s20], $0x800, $0x38;
	[tilespmem:$0x1F800] =	vst v63  }
0x6e: {  	_ =	swait.ge [sflag:s22], $0x800  }
0x6f: {  	[sflag:s22] =	ssyncset.done $0x0  }
0x70: {  	[sflag:s22] =	ssyncadd.s32 $0xFFFFF800  }
0x71: {  	[tilespmem:s21], [sflag:$0x1] =	stream.indirect.gather [hbm4b:s1+s24], $0x80, s20, s24, $0xb8;
	[tilespmem:$0x1F800] =	vst v63  }
0x72: {  	s25 =	simm.s32 $0x80  }
0x73: {  	[tilespmem:s26], [sflag:$0x2] =	stream.indirect.gather [hbm4b:s1+s24], $0x80, s25, s24, $0xb8;
	[tilespmem:$0x1F800] =	vst v63  }
0x74: {  	_ = 	snop  }
0x75: {  	[tilespmem:s29], [sflag:$0x3] =	stream.indirect.gather [hbm4b:s1+s24], $0x80, s28, s24, $0xb8;
	[tilespmem:$0x1F800] =	vst v63  }
0x76: {  	s19 =	simm.s32 $0x0  }
0x77: {  	[tilespmem:s31], [sflag:$0x4] =	stream.indirect.gather [hbm4b:s1+s24], $0x80, s30, s24, $0xb8;
	[tilespmem:$0x1F800] =	vst v63  }
.LBB2_7:
0x78: {  	_ =	swait.ge [sflag:s0], $0x2000  }
0x79: {  	s23 =	sshra.s32 s19, $0x2;
	[sflag:s0] =	ssyncset.done $0x0  }
0x7a: {  	s25 =	sadd.s32 $0x800, s23;
	[sflag:s0] =	ssyncadd.s32 $0xFFFFE000  }
0x7b: {  	[spmem:s3] =	stream.indirect.scatter.add.f32 [tilespmem:s21], [sflag:$0x5], $0x80, s25, s24, $0xb8;
	[tilespmem:$0x1F800] =	vst v63  }
0x7c: {  	_ =	swait.ge [sflag:s4], $0x2000  }
0x7d: {  	[sflag:s4] =	ssyncset.done $0x0  }
0x7e: {  	s25 =	sadd.s32 $0x880, s23;
	[sflag:s4] =	ssyncadd.s32 $0xFFFFE000  }
0x7f: {  	[spmem:s3] =	stream.indirect.scatter.add.f32 [tilespmem:s26], [sflag:$0x6], $0x80, s25, s24, $0xb8;
	[tilespmem:$0x1F800] =	vst v63  }
0x80: {  	_ =	swait.ge [sflag:s2], $0x2000  }
0x81: {  	[sflag:s2] =	ssyncset.done $0x0  }
0x82: {  	s25 =	sadd.s32 $0x900, s23;
	[sflag:s2] =	ssyncadd.s32 $0xFFFFE000  }
0x83: {  	[spmem:s3] =	stream.indirect.scatter.add.f32 [tilespmem:s29], [sflag:$0x7], $0x80, s25, s24, $0xb8;
	[tilespmem:$0x1F800] =	vst v63  }
0x84: {  	_ =	swait.ge [sflag:s8], $0x2000  }
0x85: {  	[sflag:s8] =	ssyncset.done $0x0  }
0x86: {  	s25 =	sadd.s32 $0x980, s23;
	[sflag:s8] =	ssyncadd.s32 $0xFFFFE000  }
0x87: {  	[spmem:s3] =	stream.indirect.scatter.add.f32 [tilespmem:s31], [sflag:$0x8], $0x80, s25, s24, $0xb8;
	[tilespmem:$0x1F800] =	vst v63  }
0x88: {  	v2 =	vld [tilespmem:s23+$0x800];
	_ =	sdelay $0x7  }
0x89: {  	[tilespmem:v2+s9+$0x0] =	vst.idx.add.f32.msk $0xffff, v1  }
0x8a: {  	v2 =	vld [tilespmem:s23+$0x810];
	_ =	sdelay $0x7  }
0x8b: {  	[tilespmem:v2+s9+$0x0] =	vst.idx.add.f32.msk $0xffff, v1  }
0x8c: {  	v2 =	vld [tilespmem:s23+$0x820];
	_ =	sdelay $0x7  }
0x8d: {  	[tilespmem:v2+s9+$0x0] =	vst.idx.add.f32.msk $0xffff, v1  }
0x8e: {  	v2 =	vld [tilespmem:s23+$0x830];
	_ =	sdelay $0x7  }
0x8f: {  	[tilespmem:v2+s9+$0x0] =	vst.idx.add.f32.msk $0xffff, v1  }
0x90: {  	v2 =	vld [tilespmem:s23+$0x880];
	_ =	sdelay $0x7  }
0x91: {  	[tilespmem:v2+s9+$0x0] =	vst.idx.add.f32.msk $0xffff, v1  }
0x92: {  	v2 =	vld [tilespmem:s23+$0x890];
	_ =	sdelay $0x7  }
0x93: {  	[tilespmem:v2+s9+$0x0] =	vst.idx.add.f32.msk $0xffff, v1  }
0x94: {  	v2 =	vld [tilespmem:s23+$0x8A0];
	_ =	sdelay $0x7  }
0x95: {  	[tilespmem:v2+s9+$0x0] =	vst.idx.add.f32.msk $0xffff, v1  }
0x96: {  	v2 =	vld [tilespmem:s23+$0x8B0];
	_ =	sdelay $0x7  }
0x97: {  	[tilespmem:v2+s9+$0x0] =	vst.idx.add.f32.msk $0xffff, v1  }
0x98: {  	v2 =	vld [tilespmem:s23+$0x900];
	_ =	sdelay $0x7  }
0x99: {  	[tilespmem:v2+s9+$0x0] =	vst.idx.add.f32.msk $0xffff, v1  }
0x9a: {  	v2 =	vld [tilespmem:s23+$0x910];
	_ =	sdelay $0x7  }
0x9b: {  	[tilespmem:v2+s9+$0x0] =	vst.idx.add.f32.msk $0xffff, v1  }
0x9c: {  	v2 =	vld [tilespmem:s23+$0x920];
	_ =	sdelay $0x7  }
0x9d: {  	[tilespmem:v2+s9+$0x0] =	vst.idx.add.f32.msk $0xffff, v1  }
0x9e: {  	v2 =	vld [tilespmem:s23+$0x930];
	_ =	sdelay $0x7  }
0x9f: {  	[tilespmem:v2+s9+$0x0] =	vst.idx.add.f32.msk $0xffff, v1  }
0xa0: {  	v2 =	vld [tilespmem:s23+$0x980];
	_ =	sdelay $0x7  }
0xa1: {  	[tilespmem:v2+s9+$0x0] =	vst.idx.add.f32.msk $0xffff, v1  }
0xa2: {  	v2 =	vld [tilespmem:s23+$0x990];
	_ =	sdelay $0x7  }
0xa3: {  	[tilespmem:v2+s9+$0x0] =	vst.idx.add.f32.msk $0xffff, v1  }
0xa4: {  	v2 =	vld [tilespmem:s23+$0x9A0];
	_ =	sdelay $0x7  }
0xa5: {  	[tilespmem:v2+s9+$0x0] =	vst.idx.add.f32.msk $0xffff, v1  }
0xa6: {  	v2 =	vld [tilespmem:s23+$0x9B0];
	_ =	sdelay $0x7  }
0xa7: {  	[tilespmem:v2+s9+$0x0] =	vst.idx.add.f32.msk $0xffff, v1  }
0xa8: {  	_ =	swait.ge [sflag:s10], $0x2000  }
0xa9: {  	[sflag:s10] =	ssyncset.done $0x0  }
0xaa: {  	s25 =	sadd.s32 $0x200, s23;
	[sflag:s10] =	ssyncadd.s32 $0xFFFFE000  }
0xab: {  	[tilespmem:s21], [sflag:$0x1] =	stream.indirect.gather [hbm4b:s1+s24], $0x80, s25, s24, $0xb8;
	[tilespmem:$0x1F800] =	vst v63  }
0xac: {  	_ =	swait.ge [sflag:s11], $0x2000  }
0xad: {  	[sflag:s11] =	ssyncset.done $0x0  }
0xae: {  	s25 =	sadd.s32 $0x280, s23;
	[sflag:s11] =	ssyncadd.s32 $0xFFFFE000  }
0xaf: {  	[tilespmem:s26], [sflag:$0x2] =	stream.indirect.gather [hbm4b:s1+s24], $0x80, s25, s24, $0xb8;
	[tilespmem:$0x1F800] =	vst v63  }
0xb0: {  	_ =	swait.ge [sflag:s12], $0x2000  }
0xb1: {  	[sflag:s12] =	ssyncset.done $0x0  }
0xb2: {  	p0 =	sne.s32 s19, $0x1000;
	s25 =	sadd.s32 $0x300, s23;
	[sflag:s12] =	ssyncadd.s32 $0xFFFFE000  }
0xb3: {  	[tilespmem:s29], [sflag:$0x3] =	stream.indirect.gather [hbm4b:s1+s24], $0x80, s25, s24, $0xb8;
	[tilespmem:$0x1F800] =	vst v63  }
.Ltmp2:
0xb4: {  	_ = 	snop;
	(pc) =	sbr.rel @p0 .LBB2_7-.Ltmp2, $4  }
0xb5: {  	_ =	swait.ge [sflag:s13], $0x2000  }
0xb6: {  	[sflag:s13] =	ssyncset.done $0x0  }
0xb7: {  	s19 =	sadd.s32 $0x800, s19;
	s23 =	sadd.s32 $0x380, s23;
	[sflag:s13] =	ssyncadd.s32 $0xFFFFE000  }
0xb8: {  	[tilespmem:s31], [sflag:$0x4] =	stream.indirect.gather [hbm4b:s1+s24], $0x80, s23, s24, $0xb8;
	[tilespmem:$0x1F800] =	vst v63  }
0xb9: {  	_ =	swait.ge [sflag:s0], $0x2000  }
0xba: {  	[sflag:s0] =	ssyncset.done $0x0  }
0xbb: {  	[sflag:s0] =	ssyncadd.s32 $0xFFFFE000  }
0xbc: {  	[spmem:s3] =	stream.indirect.scatter.add.f32 [tilespmem:s21], [sflag:$0x5], $0x80, s14, s24, $0xb8;
	[tilespmem:$0x1F800] =	vst v63  }
0xbd: {  	_ =	swait.ge [sflag:s4], $0x2000  }
0xbe: {  	[sflag:s4] =	ssyncset.done $0x0  }
0xbf: {  	[sflag:s4] =	ssyncadd.s32 $0xFFFFE000  }
0xc0: {  	[spmem:s3] =	stream.indirect.scatter.add.f32 [tilespmem:s26], [sflag:$0x6], $0x80, s15, s24, $0xb8;
	[tilespmem:$0x1F800] =	vst v63  }
0xc1: {  	_ =	swait.ge [sflag:s2], $0x2000  }
0xc2: {  	[sflag:s2] =	ssyncset.done $0x0  }
0xc3: {  	[sflag:s2] =	ssyncadd.s32 $0xFFFFE000  }
0xc4: {  	[spmem:s3] =	stream.indirect.scatter.add.f32 [tilespmem:s29], [sflag:$0x7], $0x80, s16, s24, $0xb8;
	[tilespmem:$0x1F800] =	vst v63  }
0xc5: {  	_ =	swait.ge [sflag:s8], $0x2000  }
0xc6: {  	[sflag:s8] =	ssyncset.done $0x0  }
0xc7: {  	[sflag:s8] =	ssyncadd.s32 $0xFFFFE000  }
0xc8: {  	[spmem:s3] =	stream.indirect.scatter.add.f32 [tilespmem:s31], [sflag:$0x8], $0x80, s18, s24, $0xb8;
	[tilespmem:$0x1F800] =	vst v63  }
0xc9: {  	v2 =	vld [tilespmem:$0xE00];
	_ =	sdelay $0x7  }
0xca: {  	[tilespmem:v2+s9+$0x0] =	vst.idx.add.f32.msk $0xffff, v1  }
0xcb: {  	v2 =	vld [tilespmem:$0xE10];
	_ =	sdelay $0x7  }
0xcc: {  	[tilespmem:v2+s9+$0x0] =	vst.idx.add.f32.msk $0xffff, v1  }
0xcd: {  	v2 =	vld [tilespmem:$0xE20];
	_ =	sdelay $0x7  }
0xce: {  	[tilespmem:v2+s9+$0x0] =	vst.idx.add.f32.msk $0xffff, v1  }
0xcf: {  	v2 =	vld [tilespmem:$0xE30];
	_ =	sdelay $0x7  }
0xd0: {  	[tilespmem:v2+s9+$0x0] =	vst.idx.add.f32.msk $0xffff, v1  }
0xd1: {  	v2 =	vld [tilespmem:$0xE80];
	_ =	sdelay $0x7  }
0xd2: {  	[tilespmem:v2+s9+$0x0] =	vst.idx.add.f32.msk $0xffff, v1  }
0xd3: {  	v2 =	vld [tilespmem:$0xE90];
	_ =	sdelay $0x7  }
0xd4: {  	[tilespmem:v2+s9+$0x0] =	vst.idx.add.f32.msk $0xffff, v1  }
0xd5: {  	v2 =	vld [tilespmem:$0xEA0];
	_ =	sdelay $0x7  }
0xd6: {  	[tilespmem:v2+s9+$0x0] =	vst.idx.add.f32.msk $0xffff, v1  }
0xd7: {  	v2 =	vld [tilespmem:$0xEB0];
	_ =	sdelay $0x7  }
0xd8: {  	[tilespmem:v2+s9+$0x0] =	vst.idx.add.f32.msk $0xffff, v1  }
0xd9: {  	v2 =	vld [tilespmem:$0xF00];
	_ =	sdelay $0x7  }
0xda: {  	[tilespmem:v2+s9+$0x0] =	vst.idx.add.f32.msk $0xffff, v1  }
0xdb: {  	v2 =	vld [tilespmem:$0xF10];
	_ =	sdelay $0x7  }
0xdc: {  	[tilespmem:v2+s9+$0x0] =	vst.idx.add.f32.msk $0xffff, v1  }
0xdd: {  	v2 =	vld [tilespmem:$0xF20];
	_ =	sdelay $0x7  }
0xde: {  	[tilespmem:v2+s9+$0x0] =	vst.idx.add.f32.msk $0xffff, v1  }
0xdf: {  	v2 =	vld [tilespmem:$0xF30];
	_ =	sdelay $0x7  }
0xe0: {  	[tilespmem:v2+s9+$0x0] =	vst.idx.add.f32.msk $0xffff, v1  }
0xe1: {  	v2 =	vld [tilespmem:$0xF80];
	_ =	sdelay $0x7  }
0xe2: {  	[tilespmem:v2+s9+$0x0] =	vst.idx.add.f32.msk $0xffff, v1  }
0xe3: {  	v2 =	vld [tilespmem:$0xF90];
	_ =	sdelay $0x7  }
0xe4: {  	[tilespmem:v2+s9+$0x0] =	vst.idx.add.f32.msk $0xffff, v1  }
0xe5: {  	v2 =	vld [tilespmem:$0xFA0];
	_ =	sdelay $0x7  }
0xe6: {  	[tilespmem:v2+s9+$0x0] =	vst.idx.add.f32.msk $0xffff, v1  }
0xe7: {  	v2 =	vld [tilespmem:$0xFB0];
	_ =	sdelay $0x7  }
0xe8: {  	[tilespmem:v2+s9+$0x0] =	vst.idx.add.f32.msk $0xffff, v1  }
0xe9: {  	_ =	swait.ge [sflag:s10], $0x2000  }
0xea: {  	[sflag:s10] =	ssyncset.done $0x0  }
0xeb: {  	[sflag:s10] =	ssyncadd.s32 $0xFFFFE000  }
0xec: {  	_ =	swait.ge [sflag:s11], $0x2000  }
0xed: {  	[sflag:s11] =	ssyncset.done $0x0  }
0xee: {  	s7 =	sadd.s32 $0x1, s7;
	[sflag:s11] =	ssyncadd.s32 $0xFFFFE000  }
0xef: {  	p0 =	sne.s32 s7, $0xA;
	_ =	swait.ge [sflag:s12], $0x2000  }
.Ltmp3:
0xf0: {  	[sflag:s12] =	ssyncset.done $0x0;
	(pc) =	sbr.rel @p0 .LBB2_6-.Ltmp3, $4  }
0xf1: {  	[sflag:s12] =	ssyncadd.s32 $0xFFFFE000  }
0xf2: {  	_ =	swait.ge [sflag:s13], $0x2000  }
0xf3: {  	[sflag:s13] =	ssyncset.done $0x0  }
0xf4: {  	[sflag:s13] =	ssyncadd.s32 $0xFFFFE000  }
0xf5: {  	s7 =	simm.s32 $0x0;
	s19 =	rddreg [dreg:$0xe]  }
0xf6: {  	[hbm4b:s19+s7] =	stream.linear.scatter [tilespmem:s9], [sflag:$0x9], $0x2800, $0x38;
	[tilespmem:$0x1F800] =	vst v63  }
0xf7: {  	_ =	swait.ge [sflag:s22], $0x2800  }
0xf8: {  	[sflag:s22] =	ssyncset.done $0x0  }
0xf9: {  	[sflag:s22] =	ssyncadd.s32 $0xFFFFD800  }
0xfa: {  	s23 =	stileid.u32;
	[bflag:$0x0] =	sbarrier.arrive $0xFFFF  }
0xfb: {  	s7 =	sshll.u32 s23, $0x6;
	s20 =	rddreg [dreg:$0x4]  }
0xfc: {  	s7 =	sor.u32 $0x1C09, s7;
	s23 =	rddreg [dreg:$0xf];
	s25 =	sshrl.u32 s20, $0x3  }
0xfd: {  	[hbm:s23], [sflag:s7] =	dma.local [spmem:s25], $0x2800  }
0xfe: {  	_ =	swait.ge [sflag:s22], $0x2800  }
0xff: {  	s23 =	rddreg [dreg:$0x11]  }
0x100: {  	s25 =	rddreg [dreg:$0x10];
	s19 =	sadd.s32 $0x1, s23  }
0x101: {  	p0 =	sne.s32 s19, s25  }
.Ltmp4:
0x102: {  	_ = 	snop;
	(pc) =	sbr.rel @p0 .LBB2_1-.Ltmp4, $3  }
0x103: {  	_ =	sdelay $0x1  }
0x104: {  	[sflag:s22] =	ssyncset.done $0x0  }
0x105: {  	[sflag:s22] =	ssyncadd.s32 $0xFFFFD800  }
0x106: {  	_ =	sfence.sel $0x180000  }
0x107: {  	[bflag:$0x0] =	sbarrier.arrive $0xFFFF  }
0x108: {  	_ =	strace $0x9000004A  }
0x109: {  	s0 =	stileid.u32;
	[bflag:$0x2] =	sbarrier.arrive $0xFFFF  }
0x10a: {  	p0 =	sne.s32 s0, $0x0;
	s0 =	rddreg [dreg:$0x3]  }
0x10b: {  	s0 =	sadd.s32 @!p0 $0x100000, s0  }
0x10c: {  	[sflag:s0] =	ssyncadd.tile.s32 @!p0 $0x1;
	_ =	shalt  }
.Lfunc_end2:
_tile_overlayer_lowered:
.L_overlay_start_2:
0x10d: {  	(tag) =	ssettag $0x2  }
0x10e: {  	s0 =	rddreg [dreg:$0x0];
	s2 =	stileid.u32  }
0x10f: {  	s1 =	rddreg [dreg:$0x1];
	p0 =	sne.s32 s2, $0x0  }
0x110: {  	s3 =	rddreg [dreg:$0x2];
	[bflag:$0x3] =	sbarrier.arrive $0xFFFF;
	s2 =	simm.s32 @!p0 $0x1C09  }
0x111: {  	[timem:s3], [sflag:s2] =	dma.local @!p0 [hbm:s0], s1  }
0x112: {  	s0 =	simm.s32 @!p0 $0x9  }
0x113: {  	_ =	swait.ge @!p0 [sflag:s0], s1  }
0x114: {  	s1 =	ssub.s32 @!p0 $0x0, s1;
	[sflag:s0] =	ssyncset.done @!p0 $0x0  }
0x115: {  	[sflag:s0] =	ssyncadd.s32 @!p0 s1  }
0x116: {  	[bflag:$0x3] =	sbarrier.arrive $0xFFFF  }
0x117: {  	_ =	shalt  }

// kernel: kernel.7.cloned.1.call-start
scs
__scs_entry_jumppad:
0x0: {  	(pc) =	sbr.rel $0x88, $3  }
0x1: {  	(tag) =	ssettag $0x0;
	lr =	simm.s32 $0x1  }
0x2: {  	[smem:$0x3F99] =	sst lr;
	_ =	strace $0xD0000000  }
0x3: {  	_ = 	snop  }
0x4: {  	_ = 	snop  }
0x5: {  	_ = 	snop  }
0x6: {  	_ = 	snop  }
0x7: {  	_ = 	snop  }
__scs_overlays_trampoline_lowered:
0x8: {  	[smem:$0x3FA8] =	sst s0  }
0x9: {  	[smem:$0x3FA9] =	sst s1  }
0xa: {  	[smem:$0x3FAA] =	sst s2  }
0xb: {  	[smem:$0x3FAB] =	sst s3  }
0xc: {  	[smem:$0x3FAC] =	sst s4  }
0xd: {  	[smem:$0x3FAD] =	sst s5  }
0xe: {  	[smem:$0x3FAE] =	sst s6  }
0xf: {  	[smem:$0x3FAF] =	sst s7  }
0x10: {  	[smem:$0x3FB0] =	sst s8  }
0x11: {  	[smem:$0x3FB1] =	sst s9;
	s0 =	simm.s32 @!p0 $0x0  }
0x12: {  	s1 =	sld [smem:$0x3F97];
	s0 =	simm.s32 @p0 $0x1  }
0x13: {  	[smem:$0x3FB2] =	sst s0;
	s0 =	simm.s32 @!p1 $0x0  }
0x14: {  	s2 =	sld [smem:$0x3F96];
	s0 =	simm.s32 @p1 $0x1  }
0x15: {  	[smem:$0x3FB3] =	sst s0;
	s0 =	simm.s32 @!p2 $0x0  }
0x16: {  	s3 =	sld [smem:$0x3FDB];
	s0 =	simm.s32 @p2 $0x1  }
0x17: {  	s4 =	simm.s32 $0x1BF5;
	[smem:$0x3FB5] =	sst s0  }
0x18: {  	s0 =	sld [smem:$0x3F98];
	_ =	swait.ge [sflag:s4], $0x0  }
0x19: {  	s7 =	sld [smem:$0x3F99]  }
0x1a: {  	s8 =	sadd.s32 $0xFFFFE003, lr  }
0x1b: {  	s9 =	sadd.s32 $0xFFFFFEF7, lr;
	s5 =	simm.s32 $0xFFFFFFFF;
	p2 =	slt.u32 s8, $0xFFFFF086  }
0x1c: {  	p1 =	slt.u32 s9, $0xF7A;
	s5 =	simm.s32 @!p2 $0x0  }
0x1d: {  	s5 =	simm.s32 @p1 $0x1;
	p0 =	seq.s32 s7, s2  }
0x1e: {  	s7 =	smul.u32 @!p0 $0xF7A, s2;
	p2 =	seq.s32 @!p0 s5, $0x0  }
0x1f: {  	s9 =	smul.u32 $0xF7A, s1;
	s8 =	simm.s32 @!p0 $0x1BF5;
	p2 =	por !p2, p0  }
0x20: {  	[sflag:s8] =	ssyncset.s32 @!p0 $0xFFFFF086;
	s6 =	sadd.s32 @!p0 s3, s7;
	s7 =	simm.s32 @!p0 $0x108  }
0x21: {  	s3 =	sadd.s32 s3, s9;
	s6 =	sadd.s32 @!p0 $0x88, s6;
	s7 =	simm.s32 @p2 $0x1082  }
0x22: {  	[simem:s7], [sflag:s8] =	dma.local @!p0 [hbm:s6], $0xF7A  }
0x23: {  	s9 =	sor.u32 $0xD0000000, s2;
	s6 =	simm.s32 $0x108;
	_ =	swait.ge @!p0 [sflag:s8], $0x0  }
0x24: {  	s3 =	sadd.s32 $0x88, s3;
	s6 =	simm.s32 @!p1 $0x1082;
	[sflag:s4] =	ssyncset.s32 $0xFFFFF086  }
0x25: {  	[simem:s6], [sflag:s4] =	dma.local [hbm:s3], $0xF7A  }
0x26: {  	[smem:$0x3F99] =	sst s1;
	(tag) =	ssettag s2;
	_ =	strace s9  }
0x27: {  	s1 =	sld [smem:$0x3FA9]  }
0x28: {  	s2 =	sld [smem:$0x3FAA]  }
0x29: {  	s4 =	sld [smem:$0x3FAC]  }
0x2a: {  	p0 =	seq.s32 s5, $0x0;
	s5 =	sld [smem:$0x3FAD]  }
0x2b: {  	s6 =	sld [smem:$0x3FAE]  }
0x2c: {  	s7 =	sld [smem:$0x3FAF]  }
0x2d: {  	s3 =	simm.s32 $0x108;
	s8 =	sld [smem:$0x3FB0]  }
0x2e: {  	s3 =	simm.s32 @!p0 $0x1082;
	s9 =	sld [smem:$0x3FB1]  }
0x2f: {  	lr =	sadd.s32 s0, s3;
	s0 =	sld [smem:$0x3FA8]  }
0x30: {  	s3 =	sld [smem:$0x3FAB]  }
0x31: {  	[smem:$0x3FB4] =	sst s10  }
0x32: {  	s10 =	sld [smem:$0x3FB2];
	_ =	sdelay $0x3  }
0x33: {  	p0 =	seq.s32 s10, $0x1;
	s10 =	sld [smem:$0x3FB4];
	_ =	sdelay $0x3  }
0x34: {  	[smem:$0x3FB4] =	sst s10  }
0x35: {  	s10 =	sld [smem:$0x3FB3];
	_ =	sdelay $0x3  }
0x36: {  	p1 =	seq.s32 s10, $0x1;
	s10 =	sld [smem:$0x3FB4];
	_ =	sdelay $0x3  }
0x37: {  	[smem:$0x3FB4] =	sst s10  }
0x38: {  	s10 =	sld [smem:$0x3FB5]  }
0x39: {  	_ = 	snop;
	(pc) =	sbr.ind lr, $3  }
0x3a: {  	_ = 	snop  }
0x3b: {  	_ = 	snop  }
0x3c: {  	p2 =	seq.s32 s10, $0x1;
	s10 =	sld [smem:$0x3FB4]  }
0x3d: {  	_ =	shalt  }
0x3e: {  	_ =	shalt  }
0x3f: {  	_ =	shalt  }
0x40: {  	_ =	shalt  }
0x41: {  	_ =	shalt  }
0x42: {  	_ =	shalt  }
0x43: {  	_ =	shalt  }
0x44: {  	_ =	shalt  }
0x45: {  	_ =	shalt  }
0x46: {  	_ =	shalt  }
0x47: {  	_ =	shalt  }
0x48: {  	_ =	shalt  }
0x49: {  	_ =	shalt  }
0x4a: {  	_ =	shalt  }
0x4b: {  	_ =	shalt  }
0x4c: {  	_ =	shalt  }
0x4d: {  	_ =	shalt  }
0x4e: {  	_ =	shalt  }
0x4f: {  	_ =	shalt  }
0x50: {  	_ =	shalt  }
0x51: {  	_ =	shalt  }
0x52: {  	_ =	shalt  }
0x53: {  	_ =	shalt  }
0x54: {  	_ =	shalt  }
0x55: {  	_ =	shalt  }
0x56: {  	_ =	shalt  }
0x57: {  	_ =	shalt  }
0x58: {  	_ =	shalt  }
0x59: {  	_ =	shalt  }
0x5a: {  	_ =	shalt  }
0x5b: {  	_ =	shalt  }
0x5c: {  	_ =	shalt  }
0x5d: {  	_ =	shalt  }
0x5e: {  	_ =	shalt  }
0x5f: {  	_ =	shalt  }
0x60: {  	_ =	shalt  }
0x61: {  	_ =	shalt  }
0x62: {  	_ =	shalt  }
0x63: {  	_ =	shalt  }
0x64: {  	_ =	shalt  }
0x65: {  	_ =	shalt  }
0x66: {  	_ =	shalt  }
0x67: {  	_ =	shalt  }
0x68: {  	_ =	shalt  }
0x69: {  	_ =	shalt  }
0x6a: {  	_ =	shalt  }
0x6b: {  	_ =	shalt  }
0x6c: {  	_ =	shalt  }
0x6d: {  	_ =	shalt  }
0x6e: {  	_ =	shalt  }
0x6f: {  	_ =	shalt  }
0x70: {  	_ =	shalt  }
0x71: {  	_ =	shalt  }
0x72: {  	_ =	shalt  }
0x73: {  	_ =	shalt  }
0x74: {  	_ =	shalt  }
0x75: {  	_ =	shalt  }
0x76: {  	_ =	shalt  }
0x77: {  	_ =	shalt  }
0x78: {  	_ =	shalt  }
0x79: {  	_ =	shalt  }
0x7a: {  	_ =	shalt  }
0x7b: {  	_ =	shalt  }
0x7c: {  	_ =	shalt  }
0x7d: {  	_ =	shalt  }
0x7e: {  	_ =	shalt  }
0x7f: {  	_ =	shalt  }
0x80: {  	_ =	shalt  }
0x81: {  	_ =	shalt  }
0x82: {  	_ =	shalt  }
0x83: {  	_ =	shalt  }
0x84: {  	_ =	shalt  }
0x85: {  	_ =	shalt  }
0x86: {  	_ =	shalt  }
0x87: {  	_ =	shalt  }
.Lfunc_end0:
.L_simem_size_0:
called_computation_lowered:
.L_overlay_start_0:
0x88: {  	s2 =	sld [smem:$0x3FD9]  }
0x89: {  	s3 =	sld [smem:$0x3FFE];
	_ =	sdelay $0x1  }
0x8a: {  	s1 =	srdreg.scid  }
0x8b: {  	s0 =	sand.u32 $0x1, s1  }
0x8c: {  	s17 =	sshll.u32 s0, $0xA;
	s2 =	sadd.s32 s3, s2  }
0x8d: {  	s2 =	sadd.s32 s2, s17  }
0x8e: {  	[smem:$0x3FC0] =	sst s2  }
0x8f: {  	_ = 	snop  }
0x90: {  	s2 =	sld [smem:$0x3FC9]  }
0x91: {  	s18 =	sld [smem:$0x3FD0];
	(tm) =	ssettm $0x1  }
0x92: {  	s4 =	sld [smem:$0x3FFB];
	_ =	sdelay $0x3  }
0x93: {  	_ =	strace s4  }
0x94: {  	s4 =	sld [smem:$0x3FFC];
	_ =	sdelay $0x3  }
0x95: {  	_ =	strace s4  }
0x96: {  	s4 =	sld [smem:$0x3FFD];
	_ =	sdelay $0x3  }
0x97: {  	_ =	strace s4  }
0x98: {  	_ =	strace $0x8FFFFFFF  }
0x99: {  	s19 =	sld [smem:$0x3FDB];
	_ =	sdelay $0x1  }
0x9a: {  	s5 =	simm.s32 $_scs_section_size  }
0x9b: {  	s6 =	simm.s32 $_size__tile_overlayer_lowered;
	s7 =	simm.s32 $_tile_overlayer_lowered  }
0x9c: {  	s22 =	simm.s32 $0x1BFF;
	s21 =	sshll.u32 s7, $0x1;
	s4 =	sadd.s32 s5, s19  }
0x9d: {  	s8 =	simm.s32 $0x0;
	s20 =	sshll.u32 s6, $0x1;
	s6 =	sadd.s32 s21, s4  }
0x9e: {  	[timem:s8], [sflag:s22] =	dma.local [hbm:s6], s20  }
0x9f: {  	_ =	swait.ge [sflag:s22], s20  }
0xa0: {  	s5 =	ssub.s32 $0x0, s20;
	[sflag:s22] =	ssyncset.done $0x0  }
0xa1: {  	[sflag:s22] =	ssyncadd.s32 s5;
	_ =	sdelay $0x1  }
0xa2: {  	s23 =	simm.s32 $0x1B8B  }
0xa3: {  	_ =	swait.ge [sflag:s23], $0x1  }
0xa4: {  	[sflag:s23] =	ssyncset.done $0x0  }
0xa5: {  	s25 =	simm.s32 $0x1B8E;
	s24 =	sld [smem:$0x3FFE];
	[sflag:s23] =	ssyncadd.s32 $0xFFFFFFFF  }
0xa6: {  	s26 =	simm.s32 $execute0_lowered;
	[smem:$0x3FD2] =	sst s25  }
0xa7: {  	s6 =	sshll.u32 s26, $0x1;
	_ =	strace $0x80000046;
	[dreg:$0x1] =	wrdreg $0xFFFFFFFF  }
0xa8: {  	s28 =	simm.s32 $_size_execute0_lowered;
	s4 =	sadd.s32 s4, s6;
	[dreg:$0x0] =	wrdreg $0x0  }
0xa9: {  	s6 =	sshll.u32 s28, $0x1;
	[dreg:$0x2] =	wrdreg s4  }
0xaa: {  	[dreg:$0x3] =	wrdreg s6  }
0xab: {  	[dreg:$0x4] =	wrdreg $0xC0  }
0xac: {  	_ =	task [dreg:s8], $0x5FFFF  }
0xad: {  	[dreg:$0x1] =	wrdreg $0xFFFFFFFF  }
0xae: {  	[dreg:$0x0] =	wrdreg $0x60  }
0xaf: {  	[dreg:$0x2] =	wrdreg s2  }
0xb0: {  	[dreg:$0x3] =	wrdreg s24  }
0xb1: {  	[dreg:$0x4] =	wrdreg s18  }
0xb2: {  	[dreg:$0x5] =	wrdreg $0xB8000  }
0xb3: {  	[dreg:$0x6] =	wrdreg $0x9  }
0xb4: {  	_ =	task.clear_ibuf [dreg:s8], $0x7FFFF;
	_ =	strace $0x90000046  }
0xb5: {  	s29 =	simm.s32 $0x9;
	_ =	strace $0x80000048  }
0xb6: {  	_ =	swait.ge [sflag:s29], $0x1  }
0xb7: {  	[sflag:s29] =	ssyncadd.s32 $0xFFFFFFFF  }
0xb8: {  	_ =	strace $0x90000048  }
0xb9: {  	_ =	sfence  }
0xba: {  	s30 =	sld [smem:$0x0];
	_ =	sdelay $0x2  }
0xbb: {  	s31 =	sshll.u32 s1, $0xD;
	s1 =	sshrl.u32 s1, $0x2  }
0xbc: {  	s3 =	sand.u32 $0x4000, s31;
	s1 =	sadd.s32 s1, s30  }
0xbd: {  	s0 =	sor.u32 s3, s0;
	s1 =	sshll.u32 s1, $0x11  }
0xbe: {  	s0 =	sor.u32 s1, s0  }
0xbf: {  	s0 =	sadd.s32 $0x8F2B, s0  }
0xc0: {  	[sflag:s0] =	ssyncadd.remote.s32 $0x1  }
0xc1: {  	_ =	sfence.sel $0xFFFF  }
0xc2: {  	[dreg:$0x0] =	wrdreg $0xFFFFFFFF;
	(pc) =	sbr.abs _section_cstart, $3  }
0xc3: {  	[dreg:$0x1] =	wrdreg $0xFFFFFFFF  }
0xc4: {  	_ =	task.clear_ibuf [dreg:s8], $0x2FFFF;
	_ =	strace $0x9FFFFFFF  }
0xc5: {  	(tm) =	ssettm $0x7FFFFFFF  }
tec
execute0_lowered:
.L_overlay_start_1:
0x0: {  	(tag) =	ssettag $0x1  }
0x1: {  	s1 =	rddreg [dreg:$0x0]  }
0x2: {  	s0 =	rddreg [dreg:$0x1]  }
0x3: {  	s2 =	rddreg [dreg:$0x2]  }
0x4: {  	s3 =	rddreg [dreg:$0x3]  }
0x5: {  	s4 =	srdreg.scid;
	s10 =	stileid.u32;
	s5 =	simm.s32 $0x0  }
0x6: {  	s28 =	simm.s32 $0x100;
	s29 =	simm.s32 $0x5000;
	s30 =	simm.s32 $0x180  }
0x7: {  	s31 =	simm.s32 $0x7000;
	s11 =	simm.s32 $0x6;
	s12 =	simm.s32 $0x7  }
0x8: {  	s13 =	simm.s32 $0x8;
	s4 =	sand.u32 $0x1, s4;
	s9 =	smul.u32 $0x50000, s10  }
0x9: {  	s7 =	smul.u32 $0x2800, s10;
	[smem:$0x7FF] =	sst s5;
	s5 =	sadd.s32 $0x16400, s0  }
0xa: {  	s6 =	sadd.s32 $0x2400, s0;
	s8 =	smul.u32 $0x28000, s4;
	s9 =	sshrl.u32 s9, $0x2  }
0xb: {  	_ =	strace $0x80000047;
	s14 =	ssub.s32 $0x2, s4;
	s20 =	sadd.s32 s9, s3  }
0xc: {  	s4 =	sshll.u32 s4, $0x4;
	s16 =	sadd.s32 $0x2000, s20;
	[dreg:$0x5] =	wrdreg s20  }
0xd: {  	s15 =	sshrl.u32 s14, $0x1;
	s17 =	sadd.s32 $0x4000, s20;
	[dreg:$0x6] =	wrdreg s16  }
0xe: {  	s4 =	sor.u32 s10, s4;
	s18 =	sadd.s32 $0x6000, s20;
	[dreg:$0x7] =	wrdreg s17  }
0xf: {  	s10 =	simm.s32 $0x5;
	s19 =	sadd.s32 $0x8000, s20;
	[dreg:$0x8] =	wrdreg s18  }
0x10: {  	s7 =	sadd.s32 s7, s8;
	s21 =	sadd.s32 $0xA000, s20;
	[dreg:$0x9] =	wrdreg s19  }
0x11: {  	s24 =	smul.u32 $0x500, s4;
	s22 =	sadd.s32 $0xC000, s20;
	[dreg:$0xa] =	wrdreg s21  }
0x12: {  	s8 =	simm.s32 $0x4;
	s23 =	sadd.s32 $0xE000, s20;
	[dreg:$0xb] =	wrdreg s22  }
0x13: {  	s0 =	sadd.s32 s7, s0;
	s9 =	sadd.s32 $0x10000, s20;
	[dreg:$0xc] =	wrdreg s23  }
0x14: {  	s7 =	ssub.s32 s14, s15;
	s25 =	sadd.s32 $0x12000, s20;
	[dreg:$0xd] =	wrdreg s9  }
0x15: {  	s14 =	simm.s32 $0xE00;
	s15 =	simm.s32 $0xE80;
	[dreg:$0xe] =	wrdreg s25  }
0x16: {  	s17 =	smul.u32 $0x5000, s4;
	s2 =	sadd.s32 s2, s24;
	s0 =	sadd.s32 $0x2A400, s0  }
0x17: {  	s26 =	smax.u32 s7, $0x1;
	s21 =	simm.s32 $0x1000;
	s22 =	simm.s32 $0x9  }
0x18: {  	s24 =	simm.s32 $0x40;
	s4 =	simm.s32 $0x2;
	[dreg:$0xf] =	wrdreg s2  }
0x19: {  	s9 =	simm.s32 $0x9000;
	s16 =	simm.s32 $0xF00;
	[dreg:$0x10] =	wrdreg s0  }
0x1a: {  	s18 =	simm.s32 $0xF80;
	s19 =	simm.s32 $0x0;
	[dreg:$0x11] =	wrdreg s26  }
0x1b: {  	v0 =	vimm.f32 $0.0e+00;
	v1 =	vimm.f32 $1.000000000e+00;
	s26 =	simm.s32 $0x3000;
	s0 =	simm.s32 $0x1;
	s2 =	simm.s32 $0x3  }
.LBB2_1:
0x1c: {  	[dreg:$0x12] =	wrdreg s19;
	s7 =	simm.s32 $0x70;
	s19 =	simm.s32 $0x3C0  }
.LBB2_2:
0x1d: {  	p0 =	sne.s32 s19, $0x9FC0;
	[tilespmem:s7+$0x9000] =	vst v0  }
0x1e: {  	[tilespmem:s7+$0x8F90] =	vst v0  }
0x1f: {  	[tilespmem:s7+$0x8FA0] =	vst v0  }
.Ltmp0:
0x20: {  	[tilespmem:s7+$0x8FB0] =	vst v0;
	(pc) =	sbr.rel @p0 .LBB2_2-.Ltmp0, $4  }
0x21: {  	[tilespmem:s7+$0x8FC0] =	vst v0  }
0x22: {  	[tilespmem:s7+$0x8FD0] =	vst v0  }
0x23: {  	[tilespmem:s7+$0x8FE0] =	vst v0  }
0x24: {  	[tilespmem:s7+$0x8FF0] =	vst v0;
	s7 =	sshra.s32 s19, $0x2;
	s19 =	sadd.s32 $0x200, s19  }
0x25: {  	[tilespmem:s7+$0x9000] =	vst v0  }
0x26: {  	[tilespmem:s7+$0x8F90] =	vst v0  }
0x27: {  	[tilespmem:s7+$0x8FA0] =	vst v0  }
0x28: {  	[tilespmem:s7+$0x8FB0] =	vst v0  }
0x29: {  	[tilespmem:s7+$0x8FC0] =	vst v0  }
0x2a: {  	[tilespmem:s7+$0x8FD0] =	vst v0  }
0x2b: {  	[tilespmem:s7+$0x8FE0] =	vst v0  }
0x2c: {  	[tilespmem:s7+$0x8FF0] =	vst v0;
	s7 =	simm.s32 $0x0;
	s19 =	simm.s32 $0x200  }
.LBB2_4:
0x2d: {  	p0 =	sne.s32 s19, $0x7E00;
	[tilespmem:s7+$0x1070] =	vst v0  }
0x2e: {  	[tilespmem:s7+$0x1000] =	vst v0  }
0x2f: {  	[tilespmem:s7+$0x1010] =	vst v0  }
.Ltmp1:
0x30: {  	[tilespmem:s7+$0x1020] =	vst v0;
	(pc) =	sbr.rel @p0 .LBB2_4-.Ltmp1, $4  }
0x31: {  	[tilespmem:s7+$0x1030] =	vst v0  }
0x32: {  	[tilespmem:s7+$0x1040] =	vst v0  }
0x33: {  	[tilespmem:s7+$0x1050] =	vst v0  }
0x34: {  	[tilespmem:s7+$0x1060] =	vst v0;
	s7 =	sshra.s32 s19, $0x2;
	s19 =	sadd.s32 $0x200, s19  }
0x35: {  	[tilespmem:s7+$0x1070] =	vst v0  }
0x36: {  	[tilespmem:s7+$0x1000] =	vst v0  }
0x37: {  	[tilespmem:s7+$0x1010] =	vst v0  }
0x38: {  	[tilespmem:s7+$0x1020] =	vst v0  }
0x39: {  	[tilespmem:s7+$0x1030] =	vst v0  }
0x3a: {  	[tilespmem:s7+$0x1040] =	vst v0  }
0x3b: {  	[tilespmem:s7+$0x1050] =	vst v0  }
0x3c: {  	[tilespmem:s7+$0x1060] =	vst v0  }
0x3d: {  	[spmem:s20] =	stream.linear.scatter [tilespmem:s21], [sflag:$0x9], $0x2000, $0x38;
	[tilespmem:$0x1F800] =	vst v63  }
0x3e: {  	_ =	swait.ge [sflag:s22], $0x2000  }
0x3f: {  	[sflag:s22] =	ssyncset.done $0x0  }
0x40: {  	s25 =	rddreg [dreg:$0x6];
	[sflag:s22] =	ssyncadd.s32 $0xFFFFE000  }
0x41: {  	[spmem:s25] =	stream.linear.scatter [tilespmem:s21], [sflag:$0x9], $0x2000, $0x38;
	[tilespmem:$0x1F800] =	vst v63  }
0x42: {  	_ =	swait.ge [sflag:s22], $0x2000  }
0x43: {  	[sflag:s22] =	ssyncset.done $0x0  }
0x44: {  	s19 =	rddreg [dreg:$0x7];
	[sflag:s22] =	ssyncadd.s32 $0xFFFFE000  }
0x45: {  	[spmem:s19] =	stream.linear.scatter [tilespmem:s21], [sflag:$0x9], $0x2000, $0x38;
	[tilespmem:$0x1F800] =	vst v63  }
0x46: {  	_ =	swait.ge [sflag:s22], $0x2000  }
0x47: {  	[sflag:s22] =	ssyncset.done $0x0  }
0x48: {  	s20 =	rddreg [dreg:$0x8];
	[sflag:s22] =	ssyncadd.s32 $0xFFFFE000  }
0x49: {  	[spmem:s20] =	stream.linear.scatter [tilespmem:s21], [sflag:$0x9], $0x2000, $0x38;
	[tilespmem:$0x1F800] =	vst v63  }
0x4a: {  	_ =	swait.ge [sflag:s22], $0x2000  }
0x4b: {  	[sflag:s22] =	ssyncset.done $0x0  }
0x4c: {  	s23 =	rddreg [dreg:$0x9];
	[sflag:s22] =	ssyncadd.s32 $0xFFFFE000  }
0x4d: {  	[spmem:s23] =	stream.linear.scatter [tilespmem:s21], [sflag:$0x9], $0x2000, $0x38;
	[tilespmem:$0x1F800] =	vst v63  }
0x4e: {  	_ =	swait.ge [sflag:s22], $0x2000  }
0x4f: {  	[sflag:s22] =	ssyncset.done $0x0  }
0x50: {  	s25 =	rddreg [dreg:$0xa];
	[sflag:s22] =	ssyncadd.s32 $0xFFFFE000  }
0x51: {  	[spmem:s25] =	stream.linear.scatter [tilespmem:s21], [sflag:$0x9], $0x2000, $0x38;
	[tilespmem:$0x1F800] =	vst v63  }
0x52: {  	_ =	swait.ge [sflag:s22], $0x2000  }
0x53: {  	[sflag:s22] =	ssyncset.done $0x0  }
0x54: {  	s19 =	rddreg [dreg:$0xb];
	[sflag:s22] =	ssyncadd.s32 $0xFFFFE000  }
0x55: {  	[spmem:s19] =	stream.linear.scatter [tilespmem:s21], [sflag:$0x9], $0x2000, $0x38;
	[tilespmem:$0x1F800] =	vst v63  }
0x56: {  	_ =	swait.ge [sflag:s22], $0x2000  }
0x57: {  	[sflag:s22] =	ssyncset.done $0x0  }
0x58: {  	s20 =	rddreg [dreg:$0xc];
	[sflag:s22] =	ssyncadd.s32 $0xFFFFE000  }
0x59: {  	[spmem:s20] =	stream.linear.scatter [tilespmem:s21], [sflag:$0x9], $0x2000, $0x38;
	[tilespmem:$0x1F800] =	vst v63  }
0x5a: {  	_ =	swait.ge [sflag:s22], $0x2000  }
0x5b: {  	[sflag:s22] =	ssyncset.done $0x0  }
0x5c: {  	s23 =	rddreg [dreg:$0xd];
	[sflag:s22] =	ssyncadd.s32 $0xFFFFE000  }
0x5d: {  	[spmem:s23] =	stream.linear.scatter [tilespmem:s21], [sflag:$0x9], $0x2000, $0x38;
	[tilespmem:$0x1F800] =	vst v63  }
0x5e: {  	_ =	swait.ge [sflag:s22], $0x2000  }
0x5f: {  	[sflag:s22] =	ssyncset.done $0x0  }
0x60: {  	s25 =	rddreg [dreg:$0xe];
	[sflag:s22] =	ssyncadd.s32 $0xFFFFE000  }
0x61: {  	[spmem:s25] =	stream.linear.scatter [tilespmem:s21], [sflag:$0x9], $0x2000, $0x38;
	[tilespmem:$0x1F800] =	vst v63  }
0x62: {  	_ =	swait.ge [sflag:s22], $0x2000  }
0x63: {  	[sflag:s22] =	ssyncset.done $0x0  }
0x64: {  	[sflag:s22] =	ssyncadd.s32 $0xFFFFE000  }
0x65: {  	s7 =	simm.s32 $0x0;
	s20 =	simm.s32 $0x0;
	[bflag:$0x0] =	sbarrier.arrive $0xFFFF  }
.LBB2_6:
0x66: {  	s19 =	sshll.u32 s7, $0xB  }
0x67: {  	s19 =	sadd.s32 s17, s19  }
0x68: {  	s19 =	sshrl.u32 s19, $0x3  }
0x69: {  	s23 =	sadd.s32 s5, s19  }
0x6a: {  	[tilespmem:s20], [sflag:$0x9] =	stream.linear.gather [hbm4b:s23+s20], $0x800, $0x38;
	[tilespmem:$0x1F800] =	vst v63  }
0x6b: {  	_ =	swait.ge [sflag:s22], $0x800  }
0x6c: {  	[sflag:s22] =	ssyncset.done $0x0  }
0x6d: {  	s25 =	simm.s32 $0x800;
	s19 =	sadd.s32 s6, s19;
	[sflag:s22] =	ssyncadd.s32 $0xFFFFF800  }
0x6e: {  	[tilespmem:s25], [sflag:$0x9] =	stream.linear.gather [hbm4b:s19+s20], $0x800, $0x38;
	[tilespmem:$0x1F800] =	vst v63  }
0x6f: {  	_ =	swait.ge [sflag:s22], $0x800  }
0x70: {  	[sflag:s22] =	ssyncset.done $0x0  }
0x71: {  	[sflag:s22] =	ssyncadd.s32 $0xFFFFF800  }
0x72: {  	[tilespmem:s21], [sflag:$0x1] =	stream.indirect.gather [hbm4b:s1+s24], $0x80, s20, s24, $0xb8;
	[tilespmem:$0x1F800] =	vst v63  }
0x73: {  	s25 =	simm.s32 $0x80  }
0x74: {  	[tilespmem:s26], [sflag:$0x2] =	stream.indirect.gather [hbm4b:s1+s24], $0x80, s25, s24, $0xb8;
	[tilespmem:$0x1F800] =	vst v63  }
0x75: {  	_ = 	snop  }
0x76: {  	[tilespmem:s29], [sflag:$0x3] =	stream.indirect.gather [hbm4b:s1+s24], $0x80, s28, s24, $0xb8;
	[tilespmem:$0x1F800] =	vst v63  }
0x77: {  	s19 =	simm.s32 $0x0  }
0x78: {  	[tilespmem:s31], [sflag:$0x4] =	stream.indirect.gather [hbm4b:s1+s24], $0x80, s30, s24, $0xb8;
	[tilespmem:$0x1F800] =	vst v63  }
.LBB2_7:
0x79: {  	_ =	swait.ge [sflag:s0], $0x2000  }
0x7a: {  	s23 =	sshra.s32 s19, $0x2;
	[sflag:s0] =	ssyncset.done $0x0  }
0x7b: {  	s25 =	sadd.s32 $0x800, s23;
	[sflag:s0] =	ssyncadd.s32 $0xFFFFE000  }
0x7c: {  	[spmem:s3] =	stream.indirect.scatter.add.f32 [tilespmem:s21], [sflag:$0x5], $0x80, s25, s24, $0xb8;
	[tilespmem:$0x1F800] =	vst v63  }
0x7d: {  	_ =	swait.ge [sflag:s4], $0x2000  }
0x7e: {  	[sflag:s4] =	ssyncset.done $0x0  }
0x7f: {  	s25 =	sadd.s32 $0x880, s23;
	[sflag:s4] =	ssyncadd.s32 $0xFFFFE000  }
0x80: {  	[spmem:s3] =	stream.indirect.scatter.add.f32 [tilespmem:s26], [sflag:$0x6], $0x80, s25, s24, $0xb8;
	[tilespmem:$0x1F800] =	vst v63  }
0x81: {  	_ =	swait.ge [sflag:s2], $0x2000  }
0x82: {  	[sflag:s2] =	ssyncset.done $0x0  }
0x83: {  	s25 =	sadd.s32 $0x900, s23;
	[sflag:s2] =	ssyncadd.s32 $0xFFFFE000  }
0x84: {  	[spmem:s3] =	stream.indirect.scatter.add.f32 [tilespmem:s29], [sflag:$0x7], $0x80, s25, s24, $0xb8;
	[tilespmem:$0x1F800] =	vst v63  }
0x85: {  	_ =	swait.ge [sflag:s8], $0x2000  }
0x86: {  	[sflag:s8] =	ssyncset.done $0x0  }
0x87: {  	s25 =	sadd.s32 $0x980, s23;
	[sflag:s8] =	ssyncadd.s32 $0xFFFFE000  }
0x88: {  	[spmem:s3] =	stream.indirect.scatter.add.f32 [tilespmem:s31], [sflag:$0x8], $0x80, s25, s24, $0xb8;
	[tilespmem:$0x1F800] =	vst v63  }
0x89: {  	v2 =	vld [tilespmem:s23+$0x800];
	_ =	sdelay $0x7  }
0x8a: {  	[tilespmem:v2+s9+$0x0] =	vst.idx.add.f32.msk $0xffff, v1  }
0x8b: {  	v2 =	vld [tilespmem:s23+$0x810];
	_ =	sdelay $0x7  }
0x8c: {  	[tilespmem:v2+s9+$0x0] =	vst.idx.add.f32.msk $0xffff, v1  }
0x8d: {  	v2 =	vld [tilespmem:s23+$0x820];
	_ =	sdelay $0x7  }
0x8e: {  	[tilespmem:v2+s9+$0x0] =	vst.idx.add.f32.msk $0xffff, v1  }
0x8f: {  	v2 =	vld [tilespmem:s23+$0x830];
	_ =	sdelay $0x7  }
0x90: {  	[tilespmem:v2+s9+$0x0] =	vst.idx.add.f32.msk $0xffff, v1  }
0x91: {  	v2 =	vld [tilespmem:s23+$0x880];
	_ =	sdelay $0x7  }
0x92: {  	[tilespmem:v2+s9+$0x0] =	vst.idx.add.f32.msk $0xffff, v1  }
0x93: {  	v2 =	vld [tilespmem:s23+$0x890];
	_ =	sdelay $0x7  }
0x94: {  	[tilespmem:v2+s9+$0x0] =	vst.idx.add.f32.msk $0xffff, v1  }
0x95: {  	v2 =	vld [tilespmem:s23+$0x8A0];
	_ =	sdelay $0x7  }
0x96: {  	[tilespmem:v2+s9+$0x0] =	vst.idx.add.f32.msk $0xffff, v1  }
0x97: {  	v2 =	vld [tilespmem:s23+$0x8B0];
	_ =	sdelay $0x7  }
0x98: {  	[tilespmem:v2+s9+$0x0] =	vst.idx.add.f32.msk $0xffff, v1  }
0x99: {  	v2 =	vld [tilespmem:s23+$0x900];
	_ =	sdelay $0x7  }
0x9a: {  	[tilespmem:v2+s9+$0x0] =	vst.idx.add.f32.msk $0xffff, v1  }
0x9b: {  	v2 =	vld [tilespmem:s23+$0x910];
	_ =	sdelay $0x7  }
0x9c: {  	[tilespmem:v2+s9+$0x0] =	vst.idx.add.f32.msk $0xffff, v1  }
0x9d: {  	v2 =	vld [tilespmem:s23+$0x920];
	_ =	sdelay $0x7  }
0x9e: {  	[tilespmem:v2+s9+$0x0] =	vst.idx.add.f32.msk $0xffff, v1  }
0x9f: {  	v2 =	vld [tilespmem:s23+$0x930];
	_ =	sdelay $0x7  }
0xa0: {  	[tilespmem:v2+s9+$0x0] =	vst.idx.add.f32.msk $0xffff, v1  }
0xa1: {  	v2 =	vld [tilespmem:s23+$0x980];
	_ =	sdelay $0x7  }
0xa2: {  	[tilespmem:v2+s9+$0x0] =	vst.idx.add.f32.msk $0xffff, v1  }
0xa3: {  	v2 =	vld [tilespmem:s23+$0x990];
	_ =	sdelay $0x7  }
0xa4: {  	[tilespmem:v2+s9+$0x0] =	vst.idx.add.f32.msk $0xffff, v1  }
0xa5: {  	v2 =	vld [tilespmem:s23+$0x9A0];
	_ =	sdelay $0x7  }
0xa6: {  	[tilespmem:v2+s9+$0x0] =	vst.idx.add.f32.msk $0xffff, v1  }
0xa7: {  	v2 =	vld [tilespmem:s23+$0x9B0];
	_ =	sdelay $0x7  }
0xa8: {  	[tilespmem:v2+s9+$0x0] =	vst.idx.add.f32.msk $0xffff, v1  }
0xa9: {  	_ =	swait.ge [sflag:s10], $0x2000  }
0xaa: {  	[sflag:s10] =	ssyncset.done $0x0  }
0xab: {  	s25 =	sadd.s32 $0x200, s23;
	[sflag:s10] =	ssyncadd.s32 $0xFFFFE000  }
0xac: {  	[tilespmem:s21], [sflag:$0x1] =	stream.indirect.gather [hbm4b:s1+s24], $0x80, s25, s24, $0xb8;
	[tilespmem:$0x1F800] =	vst v63  }
0xad: {  	_ =	swait.ge [sflag:s11], $0x2000  }
0xae: {  	[sflag:s11] =	ssyncset.done $0x0  }
0xaf: {  	s25 =	sadd.s32 $0x280, s23;
	[sflag:s11] =	ssyncadd.s32 $0xFFFFE000  }
0xb0: {  	[tilespmem:s26], [sflag:$0x2] =	stream.indirect.gather [hbm4b:s1+s24], $0x80, s25, s24, $0xb8;
	[tilespmem:$0x1F800] =	vst v63  }
0xb1: {  	_ =	swait.ge [sflag:s12], $0x2000  }
0xb2: {  	[sflag:s12] =	ssyncset.done $0x0  }
0xb3: {  	p0 =	sne.s32 s19, $0x1000;
	s25 =	sadd.s32 $0x300, s23;
	[sflag:s12] =	ssyncadd.s32 $0xFFFFE000  }
0xb4: {  	[tilespmem:s29], [sflag:$0x3] =	stream.indirect.gather [hbm4b:s1+s24], $0x80, s25, s24, $0xb8;
	[tilespmem:$0x1F800] =	vst v63  }
.Ltmp2:
0xb5: {  	_ = 	snop;
	(pc) =	sbr.rel @p0 .LBB2_7-.Ltmp2, $4  }
0xb6: {  	_ =	swait.ge [sflag:s13], $0x2000  }
0xb7: {  	[sflag:s13] =	ssyncset.done $0x0  }
0xb8: {  	s19 =	sadd.s32 $0x800, s19;
	s23 =	sadd.s32 $0x380, s23;
	[sflag:s13] =	ssyncadd.s32 $0xFFFFE000  }
0xb9: {  	[tilespmem:s31], [sflag:$0x4] =	stream.indirect.gather [hbm4b:s1+s24], $0x80, s23, s24, $0xb8;
	[tilespmem:$0x1F800] =	vst v63  }
0xba: {  	_ =	swait.ge [sflag:s0], $0x2000  }
0xbb: {  	[sflag:s0] =	ssyncset.done $0x0  }
0xbc: {  	[sflag:s0] =	ssyncadd.s32 $0xFFFFE000  }
0xbd: {  	[spmem:s3] =	stream.indirect.scatter.add.f32 [tilespmem:s21], [sflag:$0x5], $0x80, s14, s24, $0xb8;
	[tilespmem:$0x1F800] =	vst v63  }
0xbe: {  	_ =	swait.ge [sflag:s4], $0x2000  }
0xbf: {  	[sflag:s4] =	ssyncset.done $0x0  }
0xc0: {  	[sflag:s4] =	ssyncadd.s32 $0xFFFFE000  }
0xc1: {  	[spmem:s3] =	stream.indirect.scatter.add.f32 [tilespmem:s26], [sflag:$0x6], $0x80, s15, s24, $0xb8;
	[tilespmem:$0x1F800] =	vst v63  }
0xc2: {  	_ =	swait.ge [sflag:s2], $0x2000  }
0xc3: {  	[sflag:s2] =	ssyncset.done $0x0  }
0xc4: {  	[sflag:s2] =	ssyncadd.s32 $0xFFFFE000  }
0xc5: {  	[spmem:s3] =	stream.indirect.scatter.add.f32 [tilespmem:s29], [sflag:$0x7], $0x80, s16, s24, $0xb8;
	[tilespmem:$0x1F800] =	vst v63  }
0xc6: {  	_ =	swait.ge [sflag:s8], $0x2000  }
0xc7: {  	[sflag:s8] =	ssyncset.done $0x0  }
0xc8: {  	[sflag:s8] =	ssyncadd.s32 $0xFFFFE000  }
0xc9: {  	[spmem:s3] =	stream.indirect.scatter.add.f32 [tilespmem:s31], [sflag:$0x8], $0x80, s18, s24, $0xb8;
	[tilespmem:$0x1F800] =	vst v63  }
0xca: {  	v2 =	vld [tilespmem:$0xE00];
	_ =	sdelay $0x7  }
0xcb: {  	[tilespmem:v2+s9+$0x0] =	vst.idx.add.f32.msk $0xffff, v1  }
0xcc: {  	v2 =	vld [tilespmem:$0xE10];
	_ =	sdelay $0x7  }
0xcd: {  	[tilespmem:v2+s9+$0x0] =	vst.idx.add.f32.msk $0xffff, v1  }
0xce: {  	v2 =	vld [tilespmem:$0xE20];
	_ =	sdelay $0x7  }
0xcf: {  	[tilespmem:v2+s9+$0x0] =	vst.idx.add.f32.msk $0xffff, v1  }
0xd0: {  	v2 =	vld [tilespmem:$0xE30];
	_ =	sdelay $0x7  }
0xd1: {  	[tilespmem:v2+s9+$0x0] =	vst.idx.add.f32.msk $0xffff, v1  }
0xd2: {  	v2 =	vld [tilespmem:$0xE80];
	_ =	sdelay $0x7  }
0xd3: {  	[tilespmem:v2+s9+$0x0] =	vst.idx.add.f32.msk $0xffff, v1  }
0xd4: {  	v2 =	vld [tilespmem:$0xE90];
	_ =	sdelay $0x7  }
0xd5: {  	[tilespmem:v2+s9+$0x0] =	vst.idx.add.f32.msk $0xffff, v1  }
0xd6: {  	v2 =	vld [tilespmem:$0xEA0];
	_ =	sdelay $0x7  }
0xd7: {  	[tilespmem:v2+s9+$0x0] =	vst.idx.add.f32.msk $0xffff, v1  }
0xd8: {  	v2 =	vld [tilespmem:$0xEB0];
	_ =	sdelay $0x7  }
0xd9: {  	[tilespmem:v2+s9+$0x0] =	vst.idx.add.f32.msk $0xffff, v1  }
0xda: {  	v2 =	vld [tilespmem:$0xF00];
	_ =	sdelay $0x7  }
0xdb: {  	[tilespmem:v2+s9+$0x0] =	vst.idx.add.f32.msk $0xffff, v1  }
0xdc: {  	v2 =	vld [tilespmem:$0xF10];
	_ =	sdelay $0x7  }
0xdd: {  	[tilespmem:v2+s9+$0x0] =	vst.idx.add.f32.msk $0xffff, v1  }
0xde: {  	v2 =	vld [tilespmem:$0xF20];
	_ =	sdelay $0x7  }
0xdf: {  	[tilespmem:v2+s9+$0x0] =	vst.idx.add.f32.msk $0xffff, v1  }
0xe0: {  	v2 =	vld [tilespmem:$0xF30];
	_ =	sdelay $0x7  }
0xe1: {  	[tilespmem:v2+s9+$0x0] =	vst.idx.add.f32.msk $0xffff, v1  }
0xe2: {  	v2 =	vld [tilespmem:$0xF80];
	_ =	sdelay $0x7  }
0xe3: {  	[tilespmem:v2+s9+$0x0] =	vst.idx.add.f32.msk $0xffff, v1  }
0xe4: {  	v2 =	vld [tilespmem:$0xF90];
	_ =	sdelay $0x7  }
0xe5: {  	[tilespmem:v2+s9+$0x0] =	vst.idx.add.f32.msk $0xffff, v1  }
0xe6: {  	v2 =	vld [tilespmem:$0xFA0];
	_ =	sdelay $0x7  }
0xe7: {  	[tilespmem:v2+s9+$0x0] =	vst.idx.add.f32.msk $0xffff, v1  }
0xe8: {  	v2 =	vld [tilespmem:$0xFB0];
	_ =	sdelay $0x7  }
0xe9: {  	[tilespmem:v2+s9+$0x0] =	vst.idx.add.f32.msk $0xffff, v1  }
0xea: {  	_ =	swait.ge [sflag:s10], $0x2000  }
0xeb: {  	[sflag:s10] =	ssyncset.done $0x0  }
0xec: {  	[sflag:s10] =	ssyncadd.s32 $0xFFFFE000  }
0xed: {  	_ =	swait.ge [sflag:s11], $0x2000  }
0xee: {  	[sflag:s11] =	ssyncset.done $0x0  }
0xef: {  	s7 =	sadd.s32 $0x1, s7;
	[sflag:s11] =	ssyncadd.s32 $0xFFFFE000  }
0xf0: {  	p0 =	sne.s32 s7, $0xA;
	_ =	swait.ge [sflag:s12], $0x2000  }
.Ltmp3:
0xf1: {  	[sflag:s12] =	ssyncset.done $0x0;
	(pc) =	sbr.rel @p0 .LBB2_6-.Ltmp3, $4  }
0xf2: {  	[sflag:s12] =	ssyncadd.s32 $0xFFFFE000  }
0xf3: {  	_ =	swait.ge [sflag:s13], $0x2000  }
0xf4: {  	[sflag:s13] =	ssyncset.done $0x0  }
0xf5: {  	[sflag:s13] =	ssyncadd.s32 $0xFFFFE000  }
0xf6: {  	s7 =	simm.s32 $0x0;
	s19 =	rddreg [dreg:$0xf]  }
0xf7: {  	[hbm4b:s19+s7] =	stream.linear.scatter [tilespmem:s9], [sflag:$0x9], $0x2800, $0x38;
	[tilespmem:$0x1F800] =	vst v63  }
0xf8: {  	_ =	swait.ge [sflag:s22], $0x2800  }
0xf9: {  	[sflag:s22] =	ssyncset.done $0x0  }
0xfa: {  	[sflag:s22] =	ssyncadd.s32 $0xFFFFD800  }
0xfb: {  	s23 =	stileid.u32;
	[bflag:$0x0] =	sbarrier.arrive $0xFFFF  }
0xfc: {  	s7 =	sshll.u32 s23, $0x6;
	s20 =	rddreg [dreg:$0x5]  }
0xfd: {  	s7 =	sor.u32 $0x1C09, s7;
	s23 =	rddreg [dreg:$0x10];
	s25 =	sshrl.u32 s20, $0x3  }
0xfe: {  	[hbm:s23], [sflag:s7] =	dma.local [spmem:s25], $0x2800  }
0xff: {  	_ =	swait.ge [sflag:s22], $0x2800  }
0x100: {  	s23 =	rddreg [dreg:$0x12]  }
0x101: {  	s25 =	rddreg [dreg:$0x11];
	s19 =	sadd.s32 $0x1, s23  }
0x102: {  	p0 =	sne.s32 s19, s25  }
.Ltmp4:
0x103: {  	_ = 	snop;
	(pc) =	sbr.rel @p0 .LBB2_1-.Ltmp4, $3  }
0x104: {  	_ =	sdelay $0x1  }
0x105: {  	[sflag:s22] =	ssyncset.done $0x0  }
0x106: {  	[sflag:s22] =	ssyncadd.s32 $0xFFFFD800  }
0x107: {  	_ =	sfence.sel $0x180000  }
0x108: {  	[bflag:$0x0] =	sbarrier.arrive $0xFFFF  }
0x109: {  	_ =	strace $0x90000047  }
0x10a: {  	s0 =	stileid.u32;
	[bflag:$0x2] =	sbarrier.arrive $0xFFFF  }
0x10b: {  	p0 =	sne.s32 s0, $0x0;
	s0 =	rddreg [dreg:$0x4]  }
0x10c: {  	s0 =	sadd.s32 @!p0 $0x100000, s0  }
0x10d: {  	[sflag:s0] =	ssyncadd.tile.s32 @!p0 $0x1;
	_ =	shalt  }
.Lfunc_end2:
_tile_overlayer_lowered:
.L_overlay_start_2:
0x10e: {  	(tag) =	ssettag $0x2  }
0x10f: {  	s0 =	rddreg [dreg:$0x0];
	s2 =	stileid.u32  }
0x110: {  	s1 =	rddreg [dreg:$0x1];
	p0 =	sne.s32 s2, $0x0  }
0x111: {  	s3 =	rddreg [dreg:$0x2];
	[bflag:$0x3] =	sbarrier.arrive $0xFFFF;
	s2 =	simm.s32 @!p0 $0x1C09  }
0x112: {  	[timem:s3], [sflag:s2] =	dma.local @!p0 [hbm:s0], s1  }
0x113: {  	s0 =	simm.s32 @!p0 $0x9  }
0x114: {  	_ =	swait.ge @!p0 [sflag:s0], s1  }
0x115: {  	s1 =	ssub.s32 @!p0 $0x0, s1;
	[sflag:s0] =	ssyncset.done @!p0 $0x0  }
0x116: {  	[sflag:s0] =	ssyncadd.s32 @!p0 s1  }
0x117: {  	[bflag:$0x3] =	sbarrier.arrive $0xFFFF  }
0x118: {  	_ =	shalt  }

</sc_bundles>
